<compile_context>
chip_gen: v7x
topology: tpu7x:2x2x1
jax: 0.10.2.dev20260603
libtpu: 0.0.44.dev20260713+nightly
codegen_flags: <defaults>
</compile_context>

<pallas_src>
import functools

import jax
import jax.numpy as jnp
from jax import lax
from jax.experimental import pallas as pl
from jax.experimental.pallas import tpu as pltpu
from jax.experimental.pallas import tpu_sc as plsc

B, K, N, DIM = 2, 1024, 8192, 3
NEIGH = 16
C_IN, C_MID, C_OUT = 64, 16, 128
WH, FH = 32, 256

PPAD = 16
TD = C_IN + PPAD
KBA = 512
KBC = 512
GCH = 128

NC = 128
CH = N // NC
CW = DIM * CH
NCAND = NEIGH * CH


def _dist_body(keys_ref, pts_ref, crow_ref, m_ref):
    b = pl.program_id(0)
    k3 = keys_ref[0]
    pts = pts_ref[0]
    kx = k3[:, 0:1]
    ky = k3[:, 1:2]
    kz = k3[:, 2:3]
    dx = pts[0:1, :] - kx
    dy = pts[1:2, :] - ky
    dz = pts[2:3, :] - kz
    d = (dx * dx + dy * dy) + dz * dz
    m_ref[...] = jnp.min(d.reshape(KBA, CH, NC), axis=1)
    iota = lax.broadcasted_iota(jnp.int32, (KBA, NC), 1)
    for t in range(NEIGH):
        m = m_ref[...]
        mn = jnp.min(m, axis=1, keepdims=True)
        sel = jnp.where(m <= mn, iota, NC)
        c = jnp.min(sel, axis=1, keepdims=True)
        crow_ref[:, t:t + 1] = c + b * NC
        m_ref[...] = jnp.where(sel == c, jnp.inf, m)


def _dist_chunks(keys, points_t):
    return pl.pallas_call(
        _dist_body,
        grid=(B, K // KBA),
        in_specs=[
            pl.BlockSpec((1, KBA, DIM), lambda b, j: (b, j, 0)),
            pl.BlockSpec((1, DIM, N), lambda b, j: (b, 0, 0)),
        ],
        out_specs=pl.BlockSpec((KBA, NEIGH), lambda b, j: (b * (K // KBA) + j, 0)),
        out_shape=jax.ShapeDtypeStruct((B * K, NEIGH), jnp.int32),
        scratch_shapes=[pltpu.VMEM((KBA, NC), jnp.float32)],
    )(keys, points_t)


def _extract_body(gx_ref, gy_ref, gz_ref, keys_ref, crow_ref, idx_ref, dc_ref):
    b = pl.program_id(0)
    k3 = keys_ref[0]
    kx = k3[:, 0:1]
    ky = k3[:, 1:2]
    kz = k3[:, 2:3]
    dx = gx_ref[...] - kx
    dy = gy_ref[...] - ky
    dz = gz_ref[...] - kz
    dc_ref[...] = (dx * dx + dy * dy) + dz * dz
    c2 = crow_ref[...] - b * NC
    fid = lax.broadcasted_iota(jnp.int32, (KBA, NCAND), 1)
    iota16 = lax.broadcasted_iota(jnp.int32, (KBA, NEIGH), 1)
    base = b * N
    for t in range(NEIGH):
        dc = dc_ref[...]
        mn = jnp.min(dc, axis=1, keepdims=True)
        sel = jnp.where(dc <= mn, fid, NCAND)
        l = jnp.min(sel, axis=1, keepdims=True)
        s = lax.shift_right_logical(l, 6)
        r = l - s * CH
        c_sel = jnp.sum(jnp.where(iota16 == s, c2, 0), axis=1, keepdims=True)
        idx_ref[:, t:t + 1] = c_sel + r * NC + base
        dc_ref[...] = jnp.where(sel == l, jnp.inf, dc)


def _extract(gx, gy, gz, keys, crows):
    cspec = pl.BlockSpec((KBA, NCAND), lambda b, j: (b * (K // KBA) + j, 0))
    return pl.pallas_call(
        _extract_body,
        grid=(B, K // KBA),
        in_specs=[
            cspec, cspec, cspec,
            pl.BlockSpec((1, KBA, DIM), lambda b, j: (b, j, 0)),
            pl.BlockSpec((KBA, NEIGH), lambda b, j: (b * (K // KBA) + j, 0)),
        ],
        out_specs=pl.BlockSpec((KBA, NEIGH), lambda b, j: (b * (K // KBA) + j, 0)),
        out_shape=jax.ShapeDtypeStruct((B * K, NEIGH), jnp.int32),
        scratch_shapes=[pltpu.VMEM((KBA, NCAND), jnp.float32)],
    )(gx, gy, gz, keys, crows)


def _make_coord_gather(rows_total):
    info = plsc.get_sparse_core_info()
    nc, ns = info.num_cores, info.num_subcores
    nw = nc * ns
    rpw = rows_total // nw
    nch = rpw // GCH
    mesh = plsc.VectorSubcoreMesh(core_axis_name="c", subcore_axis_name="s")
    shp = jax.ShapeDtypeStruct((rows_total, CH), jnp.float32)

    @functools.partial(
        pl.kernel,
        out_type=(shp, shp, shp),
        mesh=mesh,
        scratch_types=[
            pltpu.VMEM((rpw,), jnp.int32),
            pltpu.VMEM((rpw, CH), jnp.float32),
            pltpu.SemaphoreType.DMA,
        ],
        compiler_params=pltpu.CompilerParams(use_tc_tiling_on_sc=False),
    )
    def gather(tx, ty, tz, idx_hbm, ox, oy, oz, idx_v, rows_v, sem):
        wid = lax.axis_index("s") * nc + lax.axis_index("c")
        base = wid * rpw
        pltpu.sync_copy(idx_hbm.at[pl.ds(base, rpw)], idx_v)
        for tab, out in ((tx, ox), (ty, oy), (tz, oz)):
            handles = []
            for j in range(nch):
                sl = pl.ds(j * GCH, GCH)
                handles.append(pltpu.async_copy(
                    tab.at[idx_v.at[sl]], rows_v.at[sl], sem))
            for h in handles:
                h.wait()
            pltpu.sync_copy(rows_v, out.at[pl.ds(base, rpw)])

    return gather


def _make_gather(rows_total, width):
    info = plsc.get_sparse_core_info()
    nc, ns = info.num_cores, info.num_subcores
    nw = nc * ns
    rpw = rows_total // nw
    nch = rpw // GCH
    mesh = plsc.VectorSubcoreMesh(core_axis_name="c", subcore_axis_name="s")

    @functools.partial(
        pl.kernel,
        out_type=jax.ShapeDtypeStruct((rows_total, width), jnp.float32),
        mesh=mesh,
        scratch_types=[
            pltpu.VMEM((rpw,), jnp.int32),
            pltpu.VMEM((rpw, width), jnp.float32),
            pltpu.SemaphoreType.DMA,
        ],
        compiler_params=pltpu.CompilerParams(use_tc_tiling_on_sc=False),
    )
    def gather(table_hbm, idx_hbm, out_hbm, idx_v, rows_v, sem):
        wid = lax.axis_index("s") * nc + lax.axis_index("c")
        base = wid * rpw
        pltpu.sync_copy(idx_hbm.at[pl.ds(base, rpw)], idx_v)
        handles = []
        for j in range(nch):
            sl = pl.ds(j * GCH, GCH)
            handles.append(pltpu.async_copy(
                table_hbm.at[idx_v.at[sl]], rows_v.at[sl], sem))
        for h in handles:
            h.wait()
        pltpu.sync_copy(rows_v, out_hbm.at[pl.ds(base, rpw)])

    return gather


def _mlp_body(g_ref, kp_ref, ww0_ref, wb0_ref, ww1_ref, wb1_ref,
              fw0_ref, fb0_ref, fw1_ref, fb1_ref, out_ref):
    g = g_ref[...]
    pw = g[:, C_IN:TD].reshape(KBC, NEIGH, PPAD)
    rel = (pw - kp_ref[...][:, None, :]).reshape(KBC * NEIGH, PPAD)
    h = jnp.dot(rel, ww0_ref[...], preferred_element_type=jnp.float32)
    h = jnp.maximum(h + wb0_ref[...], 0.0)
    m = jnp.dot(h, ww1_ref[...], preferred_element_type=jnp.float32)
    m = jnp.maximum(m + wb1_ref[...], 0.0)
    f2 = g[:, 0:C_IN]
    es = []
    for c in range(C_MID):
        prod = m[:, c:c + 1] * f2
        es.append(jnp.sum(prod.reshape(KBC, NEIGH, C_IN), axis=1))
    e = jnp.concatenate(es, axis=1)
    z = jnp.dot(e, fw0_ref[...], preferred_element_type=jnp.float32)
    z = jnp.maximum(z + fb0_ref[...], 0.0)
    out = jnp.dot(z, fw1_ref[...], preferred_element_type=jnp.float32)
    out_ref[...] = out + fb1_ref[...]


def _mlp(gathered, keys_pad, ww0p, wb0, ww1, wb1, fw0, fb0, fw1, fb1):
    nblk = (B * K) // KBC
    full = lambda shape: pl.BlockSpec(shape, lambda i: tuple(0 for _ in shape))
    return pl.pallas_call(
        _mlp_body,
        grid=(nblk,),
        in_specs=[
            pl.BlockSpec((KBC * NEIGH, TD), lambda i: (i, 0)),
            pl.BlockSpec((KBC, PPAD), lambda i: (i, 0)),
            full((PPAD, WH)),
            full((1, WH)),
            full((WH, C_MID)),
            full((1, C_MID)),
            full((C_MID * C_IN, FH)),
            full((1, FH)),
            full((FH, C_OUT)),
            full((1, C_OUT)),
        ],
        out_specs=pl.BlockSpec((KBC, C_OUT), lambda i: (i, 0)),
        out_shape=jax.ShapeDtypeStruct((B * K, C_OUT), jnp.float32),
    )(gathered, keys_pad, ww0p, wb0, ww1, wb1, fw0, fb0, fw1, fb1)


def kernel(keys, points, feats, Ww0, Wb0, Ww1, Wb1, Fw0, Fb0, Fw1, Fb1):
    points_t = jnp.transpose(points, (0, 2, 1))
    planes = jnp.transpose(points.reshape(B, CH, NC, DIM),
                           (3, 0, 2, 1)).reshape(DIM, B * NC, CH)
    x_tab, y_tab, z_tab = planes[0], planes[1], planes[2]
    pts_pad = jnp.concatenate(
        [points, jnp.zeros((B, N, PPAD - DIM), jnp.float32)], axis=-1)
    table = jnp.concatenate([feats, pts_pad], axis=-1).reshape(B * N, TD)
    keys_pad = jnp.concatenate(
        [keys, jnp.zeros((B, K, PPAD - DIM), jnp.float32)],
        axis=-1).reshape(B * K, PPAD)
    ww0p = jnp.concatenate(
        [Ww0, jnp.zeros((PPAD - DIM, WH), jnp.float32)], axis=0)

    crows = _dist_chunks(keys, points_t)
    gx, gy, gz = _make_coord_gather(B * K * NEIGH)(
        x_tab, y_tab, z_tab, crows.reshape(B * K * NEIGH))
    idx = _extract(gx.reshape(B * K, NCAND), gy.reshape(B * K, NCAND),
                   gz.reshape(B * K, NCAND), keys, crows)
    gathered = _make_gather(B * K * NEIGH, TD)(
        table, idx.reshape(B * K * NEIGH))
    out = _mlp(gathered, keys_pad, ww0p,
               Wb0.reshape(1, WH), Ww1, Wb1.reshape(1, C_MID),
               Fw0, Fb0.reshape(1, FH), Fw1, Fb1.reshape(1, C_OUT))
    return out.reshape(B, K, C_OUT)

# --- scband reference (transcript-rebuilt; emitter-appended) ---
"""Pipeline reference for scband-global-point-conv-91293824844261 (READ-ONLY COPY).

The authoritative reference and input builder live on the scoring server;
editing this copy changes nothing except your own understanding.
"""

import jax, jax.numpy as jnp
import numpy as np

B, K, N, DIM = 2, 1024, 8192, 3
NEIGH = 16
C_IN, C_MID, C_OUT = 64, 16, 128
WH, FH = 32, 256


def setup_inputs(seed: int = 0):
    key = jax.random.key(seed)
    ks = jax.random.split(key, 8)
    return {
        "keys": jax.random.normal(ks[0], (B, K, DIM), jnp.float32),
        "points": jax.random.normal(ks[1], (B, N, DIM), jnp.float32),
        "feats": jax.random.normal(ks[2], (B, N, C_IN), jnp.float32),
        "Ww0": jax.random.normal(ks[3], (DIM, WH), jnp.float32) * 0.1,
        "Wb0": jnp.zeros((WH,), jnp.float32),
        "Ww1": jax.random.normal(ks[4], (WH, C_MID), jnp.float32) * 0.1,
        "Wb1": jnp.zeros((C_MID,), jnp.float32),
        "Fw0": jax.random.normal(ks[5], (C_IN * C_MID, FH), jnp.float32) * 0.05,
        "Fb0": jnp.zeros((FH,), jnp.float32),
        "Fw1": jax.random.normal(ks[6], (FH, C_OUT), jnp.float32) * 0.05,
        "Fb1": jnp.zeros((C_OUT,), jnp.float32),
    }


def _pointnet(x, Ws, bs):
    # Shared pointwise MLP (Pointnet with output_feat='pointwise', norm=False).
    # x: (B, Npts, Cin) -> returns channel-first (B, Cout, Npts)
    h = x
    for i in range(len(Ws) - 1):
        h = jax.nn.relu(jnp.dot(h, Ws[i]) + bs[i])
    h = jnp.dot(h, Ws[-1]) + bs[-1]
    return jnp.transpose(h, (0, 2, 1))


def reference(keys, points, feats, Ww0, Wb0, Ww1, Wb1, Fw0, Fb0, Fw1, Fb1):
    # closest_pts_to_keys: brute-force kNN of points to each key
    diff = points[:, None, :, :] - keys[:, :, None, :]      # (B, K, N, 3)
    sqr_dist = jnp.sum(diff * diff, axis=3)                  # (B, K, N)
    _, idxs = jax.lax.top_k(-sqr_dist, NEIGH)                # smallest-k indices (B, K, n)
    # gather relative positions and features of the k nearest points
    closest_rel = jnp.take_along_axis(diff, idxs[..., None], axis=2)         # (B, K, n, 3)
    closest_feats = jax.vmap(lambda f, i: jnp.take(f, i, axis=0))(feats, idxs)  # (B, K, n, C_IN)
    # pos_encoding == 'xy' -> identity
    flat_rel = closest_rel.reshape(B, K * NEIGH, DIM)
    flat_m = _pointnet(flat_rel, (Ww0, Ww1), (Wb0, Wb1))     # (B, C_MID, K*n)
    flat_m = jax.nn.relu(flat_m)                             # self.relu == True
    m = flat_m.reshape(B, C_MID, K, NEIGH)
    mp = jnp.transpose(m, (0, 2, 1, 3))                      # (B, K, C_MID, n)
    e = jnp.matmul(mp, closest_feats)                        # (B, K, C_MID, C_IN)
    e = e.reshape(B, K, C_MID * C_IN)
    final = _pointnet(e, (Fw0, Fw1), (Fb0, Fb1))             # (B, C_OUT, K)
    return jnp.transpose(final, (0, 2, 1))                   # (B, K, C_OUT)

if __name__ == "__main__":
    import jax
    _d = setup_inputs()
    print(jax.jit(kernel)(*tuple(_d.values())))

</pallas_src>

<mosaic_0001>
#map = affine_map<(d0, d1) -> (0, 0)>
#map1 = affine_map<(d0, d1) -> (0)>
module attributes {stable_mosaic.version = 14 : i64} {
  func.func @gather(%arg0: i32, %arg1: i32, %arg2: memref<256x64xf32, #tpu.memory_space<hbm>>, %arg3: memref<256x64xf32, #tpu.memory_space<hbm>>, %arg4: memref<256x64xf32, #tpu.memory_space<hbm>>, %arg5: memref<32768xi32, #tpu.memory_space<hbm>>, %arg6: memref<32768x64xf32, #tpu.memory_space<hbm>>, %arg7: memref<32768x64xf32, #tpu.memory_space<hbm>>, %arg8: memref<32768x64xf32, #tpu.memory_space<hbm>>, %arg9: memref<1024xi32, #tpu.memory_space<vmem>>, %arg10: memref<1024x64xf32, #tpu.memory_space<vmem>>, %arg11: memref<!tpu.dma_semaphore, #tpu.memory_space<semaphore_mem>>) attributes {dimension_semantics = [#tpu.dimension_semantics<core_parallel>, #tpu.dimension_semantics<subcore_parallel>], iteration_bounds = array<i64: 2, 16>, scalar_prefetch = 0 : i64, scratch_operands = 3 : i64, tpu.core_type = #tpu.core_type<sc_vector_subcore>, window_params = [{transform_indices = #map}, {transform_indices = #map}, {transform_indices = #map}, {transform_indices = #map1}, {transform_indices = #map}, {transform_indices = #map}, {transform_indices = #map}]} {
    %mul3A = arith.constant 2 : i32
    %mul3A_0 = arith.muli %arg1, %mul3A : i32
    %add3A = arith.addi %mul3A_0, %arg0 : i32
    %mul3A_1 = arith.constant 1024 : i32
    %mul3A_2 = arith.muli %add3A, %mul3A_1 : i32
    "tpu.region"() ({
      %run_scoped3A = tpu.sem_alloc : memref<!tpu.dma_semaphore, #tpu.memory_space<semaphore_mem>>
      %dma_start3A_385 = tpu.memref_slice %arg5[%mul3A_2] : memref<32768xi32, #tpu.memory_space<hbm>> -> memref<1024xi32, #tpu.memory_space<hbm>>
      %dma_start3A_386 = tpu.memref_slice %arg5[%mul3A_2] : memref<32768xi32, #tpu.memory_space<hbm>> -> memref<1024xi32, #tpu.memory_space<hbm>>
      tpu.enqueue_dma source(%dma_start3A_386 : memref<1024xi32, #tpu.memory_space<hbm>>) target(%arg9 : memref<1024xi32, #tpu.memory_space<vmem>>) target_semaphore(%run_scoped3A : memref<!tpu.dma_semaphore, #tpu.memory_space<semaphore_mem>>)
      %dma_wait3A_387 = tpu.memref_slice %arg5[%mul3A_2] : memref<32768xi32, #tpu.memory_space<hbm>> -> memref<1024xi32, #tpu.memory_space<hbm>>
      %dma_wait3A_388 = tpu.memref_slice %arg5[%mul3A_2] : memref<32768xi32, #tpu.memory_space<hbm>> -> memref<1024xi32, #tpu.memory_space<hbm>>
      tpu.wait_dma2 semaphore(%run_scoped3A : memref<!tpu.dma_semaphore, #tpu.memory_space<semaphore_mem>>) src(%dma_wait3A_388 : memref<1024xi32, #tpu.memory_space<hbm>>) dst(%arg9 : memref<1024xi32, #tpu.memory_space<vmem>>)
      tpu.yield
    }) : () -> ()
    %dma_start3A = arith.constant 0 : i32
    %dma_start3A_3 = arith.constant 0 : i32
    %dma_start3A_4 = tpu.memref_slice %arg10[%dma_start3A, %dma_start3A_3] : memref<1024x64xf32, #tpu.memory_space<vmem>> -> memref<128x64xf32, #tpu.memory_space<vmem>>
    %dma_start3A_5 = arith.constant 0 : i32
    %dma_start3A_6 = tpu.memref_slice %arg9[%dma_start3A_5] : memref<1024xi32, #tpu.memory_space<vmem>> -> memref<128xi32, #tpu.memory_space<vmem>>
    %dma_start3A_7 = arith.constant 0 : i32
    %dma_start3A_8 = arith.constant 0 : i32
    %dma_start3A_9 = tpu.memref_slice %arg2[%dma_start3A_7, %dma_start3A_8] : memref<256x64xf32, #tpu.memory_space<hbm>> -> memref<256x64xf32, #tpu.memory_space<hbm>>
    tpu.enqueue_indirect_dma source(%dma_start3A_9 : memref<256x64xf32, #tpu.memory_space<hbm>>) target(%dma_start3A_4 : memref<128x64xf32, #tpu.memory_space<vmem>>) offsets(%dma_start3A_6 : memref<128xi32, #tpu.memory_space<vmem>>) semaphore(%arg11 : memref<!tpu.dma_semaphore, #tpu.memory_space<semaphore_mem>>)
    %dma_start3A_10 = arith.constant 128 : i32
    %dma_start3A_11 = arith.constant 0 : i32
    %dma_start3A_12 = tpu.memref_slice %arg10[%dma_start3A_10, %dma_start3A_11] : memref<1024x64xf32, #tpu.memory_space<vmem>> -> memref<128x64xf32, #tpu.memory_space<vmem>>
    %dma_start3A_13 = arith.constant 128 : i32
    %dma_start3A_14 = tpu.memref_slice %arg9[%dma_start3A_13] : memref<1024xi32, #tpu.memory_space<vmem>> -> memref<128xi32, #tpu.memory_space<vmem>>
    %dma_start3A_15 = arith.constant 0 : i32
    %dma_start3A_16 = arith.constant 0 : i32
    %dma_start3A_17 = tpu.memref_slice %arg2[%dma_start3A_15, %dma_start3A_16] : memref<256x64xf32, #tpu.memory_space<hbm>> -> memref<256x64xf32, #tpu.memory_space<hbm>>
    tpu.enqueue_indirect_dma source(%dma_start3A_17 : memref<256x64xf32, #tpu.memory_space<hbm>>) target(%dma_start3A_12 : memref<128x64xf32, #tpu.memory_space<vmem>>) offsets(%dma_start3A_14 : memref<128xi32, #tpu.memory_space<vmem>>) semaphore(%arg11 : memref<!tpu.dma_semaphore, #tpu.memory_space<semaphore_mem>>)
    %dma_start3A_18 = arith.constant 256 : i32
    %dma_start3A_19 = arith.constant 0 : i32
    %dma_start3A_20 = tpu.memref_slice %arg10[%dma_start3A_18, %dma_start3A_19] : memref<1024x64xf32, #tpu.memory_space<vmem>> -> memref<128x64xf32, #tpu.memory_space<vmem>>
    %dma_start3A_21 = arith.constant 256 : i32
    %dma_start3A_22 = tpu.memref_slice %arg9[%dma_start3A_21] : memref<1024xi32, #tpu.memory_space<vmem>> -> memref<128xi32, #tpu.memory_space<vmem>>
    %dma_start3A_23 = arith.constant 0 : i32
    %dma_start3A_24 = arith.constant 0 : i32
    %dma_start3A_25 = tpu.memref_slice %arg2[%dma_start3A_23, %dma_start3A_24] : memref<256x64xf32, #tpu.memory_space<hbm>> -> memref<256x64xf32, #tpu.memory_space<hbm>>
    tpu.enqueue_indirect_dma source(%dma_start3A_25 : memref<256x64xf32, #tpu.memory_space<hbm>>) target(%dma_start3A_20 : memref<128x64xf32, #tpu.memory_space<vmem>>) offsets(%dma_start3A_22 : memref<128xi32, #tpu.memory_space<vmem>>) semaphore(%arg11 : memref<!tpu.dma_semaphore, #tpu.memory_space<semaphore_mem>>)
    %dma_start3A_26 = arith.constant 384 : i32
    %dma_start3A_27 = arith.constant 0 : i32
    %dma_start3A_28 = tpu.memref_slice %arg10[%dma_start3A_26, %dma_start3A_27] : memref<1024x64xf32, #tpu.memory_space<vmem>> -> memref<128x64xf32, #tpu.memory_space<vmem>>
    %dma_start3A_29 = arith.constant 384 : i32
    %dma_start3A_30 = tpu.memref_slice %arg9[%dma_start3A_29] : memref<1024xi32, #tpu.memory_space<vmem>> -> memref<128xi32, #tpu.memory_space<vmem>>
    %dma_start3A_31 = arith.constant 0 : i32
    %dma_start3A_32 = arith.constant 0 : i32
    %dma_start3A_33 = tpu.memref_slice %arg2[%dma_start3A_31, %dma_start3A_32] : memref<256x64xf32, #tpu.memory_space<hbm>> -> memref<256x64xf32, #tpu.memory_space<hbm>>
    tpu.enqueue_indirect_dma source(%dma_start3A_33 : memref<256x64xf32, #tpu.memory_space<hbm>>) target(%dma_start3A_28 : memref<128x64xf32, #tpu.memory_space<vmem>>) offsets(%dma_start3A_30 : memref<128xi32, #tpu.memory_space<vmem>>) semaphore(%arg11 : memref<!tpu.dma_semaphore, #tpu.memory_space<semaphore_mem>>)
    %dma_start3A_34 = arith.constant 512 : i32
    %dma_start3A_35 = arith.constant 0 : i32
    %dma_start3A_36 = tpu.memref_slice %arg10[%dma_start3A_34, %dma_start3A_35] : memref<1024x64xf32, #tpu.memory_space<vmem>> -> memref<128x64xf32, #tpu.memory_space<vmem>>
    %dma_start3A_37 = arith.constant 512 : i32
    %dma_start3A_38 = tpu.memref_slice %arg9[%dma_start3A_37] : memref<1024xi32, #tpu.memory_space<vmem>> -> memref<128xi32, #tpu.memory_space<vmem>>
    %dma_start3A_39 = arith.constant 0 : i32
    %dma_start3A_40 = arith.constant 0 : i32
    %dma_start3A_41 = tpu.memref_slice %arg2[%dma_start3A_39, %dma_start3A_40] : memref<256x64xf32, #tpu.memory_space<hbm>> -> memref<256x64xf32, #tpu.memory_space<hbm>>
    tpu.enqueue_indirect_dma source(%dma_start3A_41 : memref<256x64xf32, #tpu.memory_space<hbm>>) target(%dma_start3A_36 : memref<128x64xf32, #tpu.memory_space<vmem>>) offsets(%dma_start3A_38 : memref<128xi32, #tpu.memory_space<vmem>>) semaphore(%arg11 : memref<!tpu.dma_semaphore, #tpu.memory_space<semaphore_mem>>)
    %dma_start3A_42 = arith.constant 640 : i32
    %dma_start3A_43 = arith.constant 0 : i32
    %dma_start3A_44 = tpu.memref_slice %arg10[%dma_start3A_42, %dma_start3A_43] : memref<1024x64xf32, #tpu.memory_space<vmem>> -> memref<128x64xf32, #tpu.memory_space<vmem>>
    %dma_start3A_45 = arith.constant 640 : i32
    %dma_start3A_46 = tpu.memref_slice %arg9[%dma_start3A_45] : memref<1024xi32, #tpu.memory_space<vmem>> -> memref<128xi32, #tpu.memory_space<vmem>>
    %dma_start3A_47 = arith.constant 0 : i32
    %dma_start3A_48 = arith.constant 0 : i32
    %dma_start3A_49 = tpu.memref_slice %arg2[%dma_start3A_47, %dma_start3A_48] : memref<256x64xf32, #tpu.memory_space<hbm>> -> memref<256x64xf32, #tpu.memory_space<hbm>>
    tpu.enqueue_indirect_dma source(%dma_start3A_49 : memref<256x64xf32, #tpu.memory_space<hbm>>) target(%dma_start3A_44 : memref<128x64xf32, #tpu.memory_space<vmem>>) offsets(%dma_start3A_46 : memref<128xi32, #tpu.memory_space<vmem>>) semaphore(%arg11 : memref<!tpu.dma_semaphore, #tpu.memory_space<semaphore_mem>>)
    %dma_start3A_50 = arith.constant 768 : i32
    %dma_start3A_51 = arith.constant 0 : i32
    %dma_start3A_52 = tpu.memref_slice %arg10[%dma_start3A_50, %dma_start3A_51] : memref<1024x64xf32, #tpu.memory_space<vmem>> -> memref<128x64xf32, #tpu.memory_space<vmem>>
    %dma_start3A_53 = arith.constant 768 : i32
    %dma_start3A_54 = tpu.memref_slice %arg9[%dma_start3A_53] : memref<1024xi32, #tpu.memory_space<vmem>> -> memref<128xi32, #tpu.memory_space<vmem>>
    %dma_start3A_55 = arith.constant 0 : i32
    %dma_start3A_56 = arith.constant 0 : i32
    %dma_start3A_57 = tpu.memref_slice %arg2[%dma_start3A_55, %dma_start3A_56] : memref<256x64xf32, #tpu.memory_space<hbm>> -> memref<256x64xf32, #tpu.memory_space<hbm>>
    tpu.enqueue_indirect_dma source(%dma_start3A_57 : memref<256x64xf32, #tpu.memory_space<hbm>>) target(%dma_start3A_52 : memref<128x64xf32, #tpu.memory_space<vmem>>) offsets(%dma_start3A_54 : memref<128xi32, #tpu.memory_space<vmem>>) semaphore(%arg11 : memref<!tpu.dma_semaphore, #tpu.memory_space<semaphore_mem>>)
    %dma_start3A_58 = arith.constant 896 : i32
    %dma_start3A_59 = arith.constant 0 : i32
    %dma_start3A_60 = tpu.memref_slice %arg10[%dma_start3A_58, %dma_start3A_59] : memref<1024x64xf32, #tpu.memory_space<vmem>> -> memref<128x64xf32, #tpu.memory_space<vmem>>
    %dma_start3A_61 = arith.constant 896 : i32
    %dma_start3A_62 = tpu.memref_slice %arg9[%dma_start3A_61] : memref<1024xi32, #tpu.memory_space<vmem>> -> memref<128xi32, #tpu.memory_space<vmem>>
    %dma_start3A_63 = arith.constant 0 : i32
    %dma_start3A_64 = arith.constant 0 : i32
    %dma_start3A_65 = tpu.memref_slice %arg2[%dma_start3A_63, %dma_start3A_64] : memref<256x64xf32, #tpu.memory_space<hbm>> -> memref<256x64xf32, #tpu.memory_space<hbm>>
    tpu.enqueue_indirect_dma source(%dma_start3A_65 : memref<256x64xf32, #tpu.memory_space<hbm>>) target(%dma_start3A_60 : memref<128x64xf32, #tpu.memory_space<vmem>>) offsets(%dma_start3A_62 : memref<128xi32, #tpu.memory_space<vmem>>) semaphore(%arg11 : memref<!tpu.dma_semaphore, #tpu.memory_space<semaphore_mem>>)
    %dma_wait3A = arith.constant 0 : i32
    %dma_wait3A_66 = arith.constant 0 : i32
    %dma_wait3A_67 = tpu.memref_slice %arg10[%dma_wait3A, %dma_wait3A_66] : memref<1024x64xf32, #tpu.memory_space<vmem>> -> memref<128x64xf32, #tpu.memory_space<vmem>>
    %dma_wait3A_68 = arith.constant 0 : i32
    %dma_wait3A_69 = tpu.memref_slice %arg9[%dma_wait3A_68] : memref<1024xi32, #tpu.memory_space<vmem>> -> memref<128xi32, #tpu.memory_space<vmem>>
    %dma_wait3A_70 = arith.constant 0 : i32
    %dma_wait3A_71 = arith.constant 0 : i32
    %dma_wait3A_72 = tpu.memref_slice %arg2[%dma_wait3A_70, %dma_wait3A_71] : memref<256x64xf32, #tpu.memory_space<hbm>> -> memref<256x64xf32, #tpu.memory_space<hbm>>
    tpu.wait_indirect_dma semaphore(%arg11 : memref<!tpu.dma_semaphore, #tpu.memory_space<semaphore_mem>>) src(%dma_wait3A_72 : memref<256x64xf32, #tpu.memory_space<hbm>>) dst(%dma_wait3A_67 : memref<128x64xf32, #tpu.memory_space<vmem>>)
    %dma_wait3A_73 = arith.constant 128 : i32
    %dma_wait3A_74 = arith.constant 0 : i32
    %dma_wait3A_75 = tpu.memref_slice %arg10[%dma_wait3A_73, %dma_wait3A_74] : memref<1024x64xf32, #tpu.memory_space<vmem>> -> memref<128x64xf32, #tpu.memory_space<vmem>>
    %dma_wait3A_76 = arith.constant 128 : i32
    %dma_wait3A_77 = tpu.memref_slice %arg9[%dma_wait3A_76] : memref<1024xi32, #tpu.memory_space<vmem>> -> memref<128xi32, #tpu.memory_space<vmem>>
    %dma_wait3A_78 = arith.constant 0 : i32
    %dma_wait3A_79 = arith.constant 0 : i32
    %dma_wait3A_80 = tpu.memref_slice %arg2[%dma_wait3A_78, %dma_wait3A_79] : memref<256x64xf32, #tpu.memory_space<hbm>> -> memref<256x64xf32, #tpu.memory_space<hbm>>
    tpu.wait_indirect_dma semaphore(%arg11 : memref<!tpu.dma_semaphore, #tpu.memory_space<semaphore_mem>>) src(%dma_wait3A_80 : memref<256x64xf32, #tpu.memory_space<hbm>>) dst(%dma_wait3A_75 : memref<128x64xf32, #tpu.memory_space<vmem>>)
    %dma_wait3A_81 = arith.constant 256 : i32
    %dma_wait3A_82 = arith.constant 0 : i32
    %dma_wait3A_83 = tpu.memref_slice %arg10[%dma_wait3A_81, %dma_wait3A_82] : memref<1024x64xf32, #tpu.memory_space<vmem>> -> memref<128x64xf32, #tpu.memory_space<vmem>>
    %dma_wait3A_84 = arith.constant 256 : i32
    %dma_wait3A_85 = tpu.memref_slice %arg9[%dma_wait3A_84] : memref<1024xi32, #tpu.memory_space<vmem>> -> memref<128xi32, #tpu.memory_space<vmem>>
    %dma_wait3A_86 = arith.constant 0 : i32
    %dma_wait3A_87 = arith.constant 0 : i32
    %dma_wait3A_88 = tpu.memref_slice %arg2[%dma_wait3A_86, %dma_wait3A_87] : memref<256x64xf32, #tpu.memory_space<hbm>> -> memref<256x64xf32, #tpu.memory_space<hbm>>
    tpu.wait_indirect_dma semaphore(%arg11 : memref<!tpu.dma_semaphore, #tpu.memory_space<semaphore_mem>>) src(%dma_wait3A_88 : memref<256x64xf32, #tpu.memory_space<hbm>>) dst(%dma_wait3A_83 : memref<128x64xf32, #tpu.memory_space<vmem>>)
    %dma_wait3A_89 = arith.constant 384 : i32
    %dma_wait3A_90 = arith.constant 0 : i32
    %dma_wait3A_91 = tpu.memref_slice %arg10[%dma_wait3A_89, %dma_wait3A_90] : memref<1024x64xf32, #tpu.memory_space<vmem>> -> memref<128x64xf32, #tpu.memory_space<vmem>>
    %dma_wait3A_92 = arith.constant 384 : i32
    %dma_wait3A_93 = tpu.memref_slice %arg9[%dma_wait3A_92] : memref<1024xi32, #tpu.memory_space<vmem>> -> memref<128xi32, #tpu.memory_space<vmem>>
    %dma_wait3A_94 = arith.constant 0 : i32
    %dma_wait3A_95 = arith.constant 0 : i32
    %dma_wait3A_96 = tpu.memref_slice %arg2[%dma_wait3A_94, %dma_wait3A_95] : memref<256x64xf32, #tpu.memory_space<hbm>> -> memref<256x64xf32, #tpu.memory_space<hbm>>
    tpu.wait_indirect_dma semaphore(%arg11 : memref<!tpu.dma_semaphore, #tpu.memory_space<semaphore_mem>>) src(%dma_wait3A_96 : memref<256x64xf32, #tpu.memory_space<hbm>>) dst(%dma_wait3A_91 : memref<128x64xf32, #tpu.memory_space<vmem>>)
    %dma_wait3A_97 = arith.constant 512 : i32
    %dma_wait3A_98 = arith.constant 0 : i32
    %dma_wait3A_99 = tpu.memref_slice %arg10[%dma_wait3A_97, %dma_wait3A_98] : memref<1024x64xf32, #tpu.memory_space<vmem>> -> memref<128x64xf32, #tpu.memory_space<vmem>>
    %dma_wait3A_100 = arith.constant 512 : i32
    %dma_wait3A_101 = tpu.memref_slice %arg9[%dma_wait3A_100] : memref<1024xi32, #tpu.memory_space<vmem>> -> memref<128xi32, #tpu.memory_space<vmem>>
    %dma_wait3A_102 = arith.constant 0 : i32
    %dma_wait3A_103 = arith.constant 0 : i32
    %dma_wait3A_104 = tpu.memref_slice %arg2[%dma_wait3A_102, %dma_wait3A_103] : memref<256x64xf32, #tpu.memory_space<hbm>> -> memref<256x64xf32, #tpu.memory_space<hbm>>
    tpu.wait_indirect_dma semaphore(%arg11 : memref<!tpu.dma_semaphore, #tpu.memory_space<semaphore_mem>>) src(%dma_wait3A_104 : memref<256x64xf32, #tpu.memory_space<hbm>>) dst(%dma_wait3A_99 : memref<128x64xf32, #tpu.memory_space<vmem>>)
    %dma_wait3A_105 = arith.constant 640 : i32
    %dma_wait3A_106 = arith.constant 0 : i32
    %dma_wait3A_107 = tpu.memref_slice %arg10[%dma_wait3A_105, %dma_wait3A_106] : memref<1024x64xf32, #tpu.memory_space<vmem>> -> memref<128x64xf32, #tpu.memory_space<vmem>>
    %dma_wait3A_108 = arith.constant 640 : i32
    %dma_wait3A_109 = tpu.memref_slice %arg9[%dma_wait3A_108] : memref<1024xi32, #tpu.memory_space<vmem>> -> memref<128xi32, #tpu.memory_space<vmem>>
    %dma_wait3A_110 = arith.constant 0 : i32
    %dma_wait3A_111 = arith.constant 0 : i32
    %dma_wait3A_112 = tpu.memref_slice %arg2[%dma_wait3A_110, %dma_wait3A_111] : memref<256x64xf32, #tpu.memory_space<hbm>> -> memref<256x64xf32, #tpu.memory_space<hbm>>
    tpu.wait_indirect_dma semaphore(%arg11 : memref<!tpu.dma_semaphore, #tpu.memory_space<semaphore_mem>>) src(%dma_wait3A_112 : memref<256x64xf32, #tpu.memory_space<hbm>>) dst(%dma_wait3A_107 : memref<128x64xf32, #tpu.memory_space<vmem>>)
    %dma_wait3A_113 = arith.constant 768 : i32
    %dma_wait3A_114 = arith.constant 0 : i32
    %dma_wait3A_115 = tpu.memref_slice %arg10[%dma_wait3A_113, %dma_wait3A_114] : memref<1024x64xf32, #tpu.memory_space<vmem>> -> memref<128x64xf32, #tpu.memory_space<vmem>>
    %dma_wait3A_116 = arith.constant 768 : i32
    %dma_wait3A_117 = tpu.memref_slice %arg9[%dma_wait3A_116] : memref<1024xi32, #tpu.memory_space<vmem>> -> memref<128xi32, #tpu.memory_space<vmem>>
    %dma_wait3A_118 = arith.constant 0 : i32
    %dma_wait3A_119 = arith.constant 0 : i32
    %dma_wait3A_120 = tpu.memref_slice %arg2[%dma_wait3A_118, %dma_wait3A_119] : memref<256x64xf32, #tpu.memory_space<hbm>> -> memref<256x64xf32, #tpu.memory_space<hbm>>
    tpu.wait_indirect_dma semaphore(%arg11 : memref<!tpu.dma_semaphore, #tpu.memory_space<semaphore_mem>>) src(%dma_wait3A_120 : memref<256x64xf32, #tpu.memory_space<hbm>>) dst(%dma_wait3A_115 : memref<128x64xf32, #tpu.memory_space<vmem>>)
    %dma_wait3A_121 = arith.constant 896 : i32
    %dma_wait3A_122 = arith.constant 0 : i32
    %dma_wait3A_123 = tpu.memref_slice %arg10[%dma_wait3A_121, %dma_wait3A_122] : memref<1024x64xf32, #tpu.memory_space<vmem>> -> memref<128x64xf32, #tpu.memory_space<vmem>>
    %dma_wait3A_124 = arith.constant 896 : i32
    %dma_wait3A_125 = tpu.memref_slice %arg9[%dma_wait3A_124] : memref<1024xi32, #tpu.memory_space<vmem>> -> memref<128xi32, #tpu.memory_space<vmem>>
    %dma_wait3A_126 = arith.constant 0 : i32
    %dma_wait3A_127 = arith.constant 0 : i32
    %dma_wait3A_128 = tpu.memref_slice %arg2[%dma_wait3A_126, %dma_wait3A_127] : memref<256x64xf32, #tpu.memory_space<hbm>> -> memref<256x64xf32, #tpu.memory_space<hbm>>
    tpu.wait_indirect_dma semaphore(%arg11 : memref<!tpu.dma_semaphore, #tpu.memory_space<semaphore_mem>>) src(%dma_wait3A_128 : memref<256x64xf32, #tpu.memory_space<hbm>>) dst(%dma_wait3A_123 : memref<128x64xf32, #tpu.memory_space<vmem>>)
    "tpu.region"() ({
      %run_scoped3A = tpu.sem_alloc : memref<!tpu.dma_semaphore, #tpu.memory_space<semaphore_mem>>
      %dma_start3A_385 = arith.constant 0 : i32
      %dma_start3A_386 = tpu.memref_slice %arg6[%mul3A_2, %dma_start3A_385] : memref<32768x64xf32, #tpu.memory_space<hbm>> -> memref<1024x64xf32, #tpu.memory_space<hbm>>
      %dma_start3A_387 = arith.constant 0 : i32
      %dma_start3A_388 = tpu.memref_slice %arg6[%mul3A_2, %dma_start3A_387] : memref<32768x64xf32, #tpu.memory_space<hbm>> -> memref<1024x64xf32, #tpu.memory_space<hbm>>
      tpu.enqueue_dma source(%arg10 : memref<1024x64xf32, #tpu.memory_space<vmem>>) target(%dma_start3A_388 : memref<1024x64xf32, #tpu.memory_space<hbm>>) target_semaphore(%run_scoped3A : memref<!tpu.dma_semaphore, #tpu.memory_space<semaphore_mem>>)
      %dma_wait3A_389 = arith.constant 0 : i32
      %dma_wait3A_390 = tpu.memref_slice %arg6[%mul3A_2, %dma_wait3A_389] : memref<32768x64xf32, #tpu.memory_space<hbm>> -> memref<1024x64xf32, #tpu.memory_space<hbm>>
      %dma_wait3A_391 = arith.constant 0 : i32
      %dma_wait3A_392 = tpu.memref_slice %arg6[%mul3A_2, %dma_wait3A_391] : memref<32768x64xf32, #tpu.memory_space<hbm>> -> memref<1024x64xf32, #tpu.memory_space<hbm>>
      tpu.wait_dma2 semaphore(%run_scoped3A : memref<!tpu.dma_semaphore, #tpu.memory_space<semaphore_mem>>) src(%arg10 : memref<1024x64xf32, #tpu.memory_space<vmem>>) dst(%dma_wait3A_392 : memref<1024x64xf32, #tpu.memory_space<hbm>>)
      tpu.yield
    }) : () -> ()
    %dma_start3A_129 = arith.constant 0 : i32
    %dma_start3A_130 = arith.constant 0 : i32
    %dma_start3A_131 = tpu.memref_slice %arg10[%dma_start3A_129, %dma_start3A_130] : memref<1024x64xf32, #tpu.memory_space<vmem>> -> memref<128x64xf32, #tpu.memory_space<vmem>>
    %dma_start3A_132 = arith.constant 0 : i32
    %dma_start3A_133 = tpu.memref_slice %arg9[%dma_start3A_132] : memref<1024xi32, #tpu.memory_space<vmem>> -> memref<128xi32, #tpu.memory_space<vmem>>
    %dma_start3A_134 = arith.constant 0 : i32
    %dma_start3A_135 = arith.constant 0 : i32
    %dma_start3A_136 = tpu.memref_slice %arg3[%dma_start3A_134, %dma_start3A_135] : memref<256x64xf32, #tpu.memory_space<hbm>> -> memref<256x64xf32, #tpu.memory_space<hbm>>
    tpu.enqueue_indirect_dma source(%dma_start3A_136 : memref<256x64xf32, #tpu.memory_space<hbm>>) target(%dma_start3A_131 : memref<128x64xf32, #tpu.memory_space<vmem>>) offsets(%dma_start3A_133 : memref<128xi32, #tpu.memory_space<vmem>>) semaphore(%arg11 : memref<!tpu.dma_semaphore, #tpu.memory_space<semaphore_mem>>)
    %dma_start3A_137 = arith.constant 128 : i32
    %dma_start3A_138 = arith.constant 0 : i32
    %dma_start3A_139 = tpu.memref_slice %arg10[%dma_start3A_137, %dma_start3A_138] : memref<1024x64xf32, #tpu.memory_space<vmem>> -> memref<128x64xf32, #tpu.memory_space<vmem>>
    %dma_start3A_140 = arith.constant 128 : i32
    %dma_start3A_141 = tpu.memref_slice %arg9[%dma_start3A_140] : memref<1024xi32, #tpu.memory_space<vmem>> -> memref<128xi32, #tpu.memory_space<vmem>>
    %dma_start3A_142 = arith.constant 0 : i32
    %dma_start3A_143 = arith.constant 0 : i32
    %dma_start3A_144 = tpu.memref_slice %arg3[%dma_start3A_142, %dma_start3A_143] : memref<256x64xf32, #tpu.memory_space<hbm>> -> memref<256x64xf32, #tpu.memory_space<hbm>>
    tpu.enqueue_indirect_dma source(%dma_start3A_144 : memref<256x64xf32, #tpu.memory_space<hbm>>) target(%dma_start3A_139 : memref<128x64xf32, #tpu.memory_space<vmem>>) offsets(%dma_start3A_141 : memref<128xi32, #tpu.memory_space<vmem>>) semaphore(%arg11 : memref<!tpu.dma_semaphore, #tpu.memory_space<semaphore_mem>>)
    %dma_start3A_145 = arith.constant 256 : i32
    %dma_start3A_146 = arith.constant 0 : i32
    %dma_start3A_147 = tpu.memref_slice %arg10[%dma_start3A_145, %dma_start3A_146] : memref<1024x64xf32, #tpu.memory_space<vmem>> -> memref<128x64xf32, #tpu.memory_space<vmem>>
    %dma_start3A_148 = arith.constant 256 : i32
    %dma_start3A_149 = tpu.memref_slice %arg9[%dma_start3A_148] : memref<1024xi32, #tpu.memory_space<vmem>> -> memref<128xi32, #tpu.memory_space<vmem>>
    %dma_start3A_150 = arith.constant 0 : i32
    %dma_start3A_151 = arith.constant 0 : i32
    %dma_start3A_152 = tpu.memref_slice %arg3[%dma_start3A_150, %dma_start3A_151] : memref<256x64xf32, #tpu.memory_space<hbm>> -> memref<256x64xf32, #tpu.memory_space<hbm>>
    tpu.enqueue_indirect_dma source(%dma_start3A_152 : memref<256x64xf32, #tpu.memory_space<hbm>>) target(%dma_start3A_147 : memref<128x64xf32, #tpu.memory_space<vmem>>) offsets(%dma_start3A_149 : memref<128xi32, #tpu.memory_space<vmem>>) semaphore(%arg11 : memref<!tpu.dma_semaphore, #tpu.memory_space<semaphore_mem>>)
    %dma_start3A_153 = arith.constant 384 : i32
    %dma_start3A_154 = arith.constant 0 : i32
    %dma_start3A_155 = tpu.memref_slice %arg10[%dma_start3A_153, %dma_start3A_154] : memref<1024x64xf32, #tpu.memory_space<vmem>> -> memref<128x64xf32, #tpu.memory_space<vmem>>
    %dma_start3A_156 = arith.constant 384 : i32
    %dma_start3A_157 = tpu.memref_slice %arg9[%dma_start3A_156] : memref<1024xi32, #tpu.memory_space<vmem>> -> memref<128xi32, #tpu.memory_space<vmem>>
    %dma_start3A_158 = arith.constant 0 : i32
    %dma_start3A_159 = arith.constant 0 : i32
    %dma_start3A_160 = tpu.memref_slice %arg3[%dma_start3A_158, %dma_start3A_159] : memref<256x64xf32, #tpu.memory_space<hbm>> -> memref<256x64xf32, #tpu.memory_space<hbm>>
    tpu.enqueue_indirect_dma source(%dma_start3A_160 : memref<256x64xf32, #tpu.memory_space<hbm>>) target(%dma_start3A_155 : memref<128x64xf32, #tpu.memory_space<vmem>>) offsets(%dma_start3A_157 : memref<128xi32, #tpu.memory_space<vmem>>) semaphore(%arg11 : memref<!tpu.dma_semaphore, #tpu.memory_space<semaphore_mem>>)
    %dma_start3A_161 = arith.constant 512 : i32
    %dma_start3A_162 = arith.constant 0 : i32
    %dma_start3A_163 = tpu.memref_slice %arg10[%dma_start3A_161, %dma_start3A_162] : memref<1024x64xf32, #tpu.memory_space<vmem>> -> memref<128x64xf32, #tpu.memory_space<vmem>>
    %dma_start3A_164 = arith.constant 512 : i32
    %dma_start3A_165 = tpu.memref_slice %arg9[%dma_start3A_164] : memref<1024xi32, #tpu.memory_space<vmem>> -> memref<128xi32, #tpu.memory_space<vmem>>
    %dma_start3A_166 = arith.constant 0 : i32
    %dma_start3A_167 = arith.constant 0 : i32
    %dma_start3A_168 = tpu.memref_slice %arg3[%dma_start3A_166, %dma_start3A_167] : memref<256x64xf32, #tpu.memory_space<hbm>> -> memref<256x64xf32, #tpu.memory_space<hbm>>
    tpu.enqueue_indirect_dma source(%dma_start3A_168 : memref<256x64xf32, #tpu.memory_space<hbm>>) target(%dma_start3A_163 : memref<128x64xf32, #tpu.memory_space<vmem>>) offsets(%dma_start3A_165 : memref<128xi32, #tpu.memory_space<vmem>>) semaphore(%arg11 : memref<!tpu.dma_semaphore, #tpu.memory_space<semaphore_mem>>)
    %dma_start3A_169 = arith.constant 640 : i32
    %dma_start3A_170 = arith.constant 0 : i32
    %dma_start3A_171 = tpu.memref_slice %arg10[%dma_start3A_169, %dma_start3A_170] : memref<1024x64xf32, #tpu.memory_space<vmem>> -> memref<128x64xf32, #tpu.memory_space<vmem>>
    %dma_start3A_172 = arith.constant 640 : i32
    %dma_start3A_173 = tpu.memref_slice %arg9[%dma_start3A_172] : memref<1024xi32, #tpu.memory_space<vmem>> -> memref<128xi32, #tpu.memory_space<vmem>>
    %dma_start3A_174 = arith.constant 0 : i32
    %dma_start3A_175 = arith.constant 0 : i32
    %dma_start3A_176 = tpu.memref_slice %arg3[%dma_start3A_174, %dma_start3A_175] : memref<256x64xf32, #tpu.memory_space<hbm>> -> memref<256x64xf32, #tpu.memory_space<hbm>>
    tpu.enqueue_indirect_dma source(%dma_start3A_176 : memref<256x64xf32, #tpu.memory_space<hbm>>) target(%dma_start3A_171 : memref<128x64xf32, #tpu.memory_space<vmem>>) offsets(%dma_start3A_173 : memref<128xi32, #tpu.memory_space<vmem>>) semaphore(%arg11 : memref<!tpu.dma_semaphore, #tpu.memory_space<semaphore_mem>>)
    %dma_start3A_177 = arith.constant 768 : i32
    %dma_start3A_178 = arith.constant 0 : i32
    %dma_start3A_179 = tpu.memref_slice %arg10[%dma_start3A_177, %dma_start3A_178] : memref<1024x64xf32, #tpu.memory_space<vmem>> -> memref<128x64xf32, #tpu.memory_space<vmem>>
    %dma_start3A_180 = arith.constant 768 : i32
    %dma_start3A_181 = tpu.memref_slice %arg9[%dma_start3A_180] : memref<1024xi32, #tpu.memory_space<vmem>> -> memref<128xi32, #tpu.memory_space<vmem>>
    %dma_start3A_182 = arith.constant 0 : i32
    %dma_start3A_183 = arith.constant 0 : i32
    %dma_start3A_184 = tpu.memref_slice %arg3[%dma_start3A_182, %dma_start3A_183] : memref<256x64xf32, #tpu.memory_space<hbm>> -> memref<256x64xf32, #tpu.memory_space<hbm>>
    tpu.enqueue_indirect_dma source(%dma_start3A_184 : memref<256x64xf32, #tpu.memory_space<hbm>>) target(%dma_start3A_179 : memref<128x64xf32, #tpu.memory_space<vmem>>) offsets(%dma_start3A_181 : memref<128xi32, #tpu.memory_space<vmem>>) semaphore(%arg11 : memref<!tpu.dma_semaphore, #tpu.memory_space<semaphore_mem>>)
    %dma_start3A_185 = arith.constant 896 : i32
    %dma_start3A_186 = arith.constant 0 : i32
    %dma_start3A_187 = tpu.memref_slice %arg10[%dma_start3A_185, %dma_start3A_186] : memref<1024x64xf32, #tpu.memory_space<vmem>> -> memref<128x64xf32, #tpu.memory_space<vmem>>
    %dma_start3A_188 = arith.constant 896 : i32
    %dma_start3A_189 = tpu.memref_slice %arg9[%dma_start3A_188] : memref<1024xi32, #tpu.memory_space<vmem>> -> memref<128xi32, #tpu.memory_space<vmem>>
    %dma_start3A_190 = arith.constant 0 : i32
    %dma_start3A_191 = arith.constant 0 : i32
    %dma_start3A_192 = tpu.memref_slice %arg3[%dma_start3A_190, %dma_start3A_191] : memref<256x64xf32, #tpu.memory_space<hbm>> -> memref<256x64xf32, #tpu.memory_space<hbm>>
    tpu.enqueue_indirect_dma source(%dma_start3A_192 : memref<256x64xf32, #tpu.memory_space<hbm>>) target(%dma_start3A_187 : memref<128x64xf32, #tpu.memory_space<vmem>>) offsets(%dma_start3A_189 : memref<128xi32, #tpu.memory_space<vmem>>) semaphore(%arg11 : memref<!tpu.dma_semaphore, #tpu.memory_space<semaphore_mem>>)
    %dma_wait3A_193 = arith.constant 0 : i32
    %dma_wait3A_194 = arith.constant 0 : i32
    %dma_wait3A_195 = tpu.memref_slice %arg10[%dma_wait3A_193, %dma_wait3A_194] : memref<1024x64xf32, #tpu.memory_space<vmem>> -> memref<128x64xf32, #tpu.memory_space<vmem>>
    %dma_wait3A_196 = arith.constant 0 : i32
    %dma_wait3A_197 = tpu.memref_slice %arg9[%dma_wait3A_196] : memref<1024xi32, #tpu.memory_space<vmem>> -> memref<128xi32, #tpu.memory_space<vmem>>
    %dma_wait3A_198 = arith.constant 0 : i32
    %dma_wait3A_199 = arith.constant 0 : i32
    %dma_wait3A_200 = tpu.memref_slice %arg3[%dma_wait3A_198, %dma_wait3A_199] : memref<256x64xf32, #tpu.memory_space<hbm>> -> memref<256x64xf32, #tpu.memory_space<hbm>>
    tpu.wait_indirect_dma semaphore(%arg11 : memref<!tpu.dma_semaphore, #tpu.memory_space<semaphore_mem>>) src(%dma_wait3A_200 : memref<256x64xf32, #tpu.memory_space<hbm>>) dst(%dma_wait3A_195 : memref<128x64xf32, #tpu.memory_space<vmem>>)
    %dma_wait3A_201 = arith.constant 128 : i32
    %dma_wait3A_202 = arith.constant 0 : i32
    %dma_wait3A_203 = tpu.memref_slice %arg10[%dma_wait3A_201, %dma_wait3A_202] : memref<1024x64xf32, #tpu.memory_space<vmem>> -> memref<128x64xf32, #tpu.memory_space<vmem>>
    %dma_wait3A_204 = arith.constant 128 : i32
    %dma_wait3A_205 = tpu.memref_slice %arg9[%dma_wait3A_204] : memref<1024xi32, #tpu.memory_space<vmem>> -> memref<128xi32, #tpu.memory_space<vmem>>
    %dma_wait3A_206 = arith.constant 0 : i32
    %dma_wait3A_207 = arith.constant 0 : i32
    %dma_wait3A_208 = tpu.memref_slice %arg3[%dma_wait3A_206, %dma_wait3A_207] : memref<256x64xf32, #tpu.memory_space<hbm>> -> memref<256x64xf32, #tpu.memory_space<hbm>>
    tpu.wait_indirect_dma semaphore(%arg11 : memref<!tpu.dma_semaphore, #tpu.memory_space<semaphore_mem>>) src(%dma_wait3A_208 : memref<256x64xf32, #tpu.memory_space<hbm>>) dst(%dma_wait3A_203 : memref<128x64xf32, #tpu.memory_space<vmem>>)
    %dma_wait3A_209 = arith.constant 256 : i32
    %dma_wait3A_210 = arith.constant 0 : i32
    %dma_wait3A_211 = tpu.memref_slice %arg10[%dma_wait3A_209, %dma_wait3A_210] : memref<1024x64xf32, #tpu.memory_space<vmem>> -> memref<128x64xf32, #tpu.memory_space<vmem>>
    %dma_wait3A_212 = arith.constant 256 : i32
    %dma_wait3A_213 = tpu.memref_slice %arg9[%dma_wait3A_212] : memref<1024xi32, #tpu.memory_space<vmem>> -> memref<128xi32, #tpu.memory_space<vmem>>
    %dma_wait3A_214 = arith.constant 0 : i32
    %dma_wait3A_215 = arith.constant 0 : i32
    %dma_wait3A_216 = tpu.memref_slice %arg3[%dma_wait3A_214, %dma_wait3A_215] : memref<256x64xf32, #tpu.memory_space<hbm>> -> memref<256x64xf32, #tpu.memory_space<hbm>>
    tpu.wait_indirect_dma semaphore(%arg11 : memref<!tpu.dma_semaphore, #tpu.memory_space<semaphore_mem>>) src(%dma_wait3A_216 : memref<256x64xf32, #tpu.memory_space<hbm>>) dst(%dma_wait3A_211 : memref<128x64xf32, #tpu.memory_space<vmem>>)
    %dma_wait3A_217 = arith.constant 384 : i32
    %dma_wait3A_218 = arith.constant 0 : i32
    %dma_wait3A_219 = tpu.memref_slice %arg10[%dma_wait3A_217, %dma_wait3A_218] : memref<1024x64xf32, #tpu.memory_space<vmem>> -> memref<128x64xf32, #tpu.memory_space<vmem>>
    %dma_wait3A_220 = arith.constant 384 : i32
    %dma_wait3A_221 = tpu.memref_slice %arg9[%dma_wait3A_220] : memref<1024xi32, #tpu.memory_space<vmem>> -> memref<128xi32, #tpu.memory_space<vmem>>
    %dma_wait3A_222 = arith.constant 0 : i32
    %dma_wait3A_223 = arith.constant 0 : i32
    %dma_wait3A_224 = tpu.memref_slice %arg3[%dma_wait3A_222, %dma_wait3A_223] : memref<256x64xf32, #tpu.memory_space<hbm>> -> memref<256x64xf32, #tpu.memory_space<hbm>>
    tpu.wait_indirect_dma semaphore(%arg11 : memref<!tpu.dma_semaphore, #tpu.memory_space<semaphore_mem>>) src(%dma_wait3A_224 : memref<256x64xf32, #tpu.memory_space<hbm>>) dst(%dma_wait3A_219 : memref<128x64xf32, #tpu.memory_space<vmem>>)
    %dma_wait3A_225 = arith.constant 512 : i32
    %dma_wait3A_226 = arith.constant 0 : i32
    %dma_wait3A_227 = tpu.memref_slice %arg10[%dma_wait3A_225, %dma_wait3A_226] : memref<1024x64xf32, #tpu.memory_space<vmem>> -> memref<128x64xf32, #tpu.memory_space<vmem>>
    %dma_wait3A_228 = arith.constant 512 : i32
    %dma_wait3A_229 = tpu.memref_slice %arg9[%dma_wait3A_228] : memref<1024xi32, #tpu.memory_space<vmem>> -> memref<128xi32, #tpu.memory_space<vmem>>
    %dma_wait3A_230 = arith.constant 0 : i32
    %dma_wait3A_231 = arith.constant 0 : i32
    %dma_wait3A_232 = tpu.memref_slice %arg3[%dma_wait3A_230, %dma_wait3A_231] : memref<256x64xf32, #tpu.memory_space<hbm>> -> memref<256x64xf32, #tpu.memory_space<hbm>>
    tpu.wait_indirect_dma semaphore(%arg11 : memref<!tpu.dma_semaphore, #tpu.memory_space<semaphore_mem>>) src(%dma_wait3A_232 : memref<256x64xf32, #tpu.memory_space<hbm>>) dst(%dma_wait3A_227 : memref<128x64xf32, #tpu.memory_space<vmem>>)
    %dma_wait3A_233 = arith.constant 640 : i32
    %dma_wait3A_234 = arith.constant 0 : i32
    %dma_wait3A_235 = tpu.memref_slice %arg10[%dma_wait3A_233, %dma_wait3A_234] : memref<1024x64xf32, #tpu.memory_space<vmem>> -> memref<128x64xf32, #tpu.memory_space<vmem>>
    %dma_wait3A_236 = arith.constant 640 : i32
    %dma_wait3A_237 = tpu.memref_slice %arg9[%dma_wait3A_236] : memref<1024xi32, #tpu.memory_space<vmem>> -> memref<128xi32, #tpu.memory_space<vmem>>
    %dma_wait3A_238 = arith.constant 0 : i32
    %dma_wait3A_239 = arith.constant 0 : i32
    %dma_wait3A_240 = tpu.memref_slice %arg3[%dma_wait3A_238, %dma_wait3A_239] : memref<256x64xf32, #tpu.memory_space<hbm>> -> memref<256x64xf32, #tpu.memory_space<hbm>>
    tpu.wait_indirect_dma semaphore(%arg11 : memref<!tpu.dma_semaphore, #tpu.memory_space<semaphore_mem>>) src(%dma_wait3A_240 : memref<256x64xf32, #tpu.memory_space<hbm>>) dst(%dma_wait3A_235 : memref<128x64xf32, #tpu.memory_space<vmem>>)
    %dma_wait3A_241 = arith.constant 768 : i32
    %dma_wait3A_242 = arith.constant 0 : i32
    %dma_wait3A_243 = tpu.memref_slice %arg10[%dma_wait3A_241, %dma_wait3A_242] : memref<1024x64xf32, #tpu.memory_space<vmem>> -> memref<128x64xf32, #tpu.memory_space<vmem>>
    %dma_wait3A_244 = arith.constant 768 : i32
    %dma_wait3A_245 = tpu.memref_slice %arg9[%dma_wait3A_244] : memref<1024xi32, #tpu.memory_space<vmem>> -> memref<128xi32, #tpu.memory_space<vmem>>
    %dma_wait3A_246 = arith.constant 0 : i32
    %dma_wait3A_247 = arith.constant 0 : i32
    %dma_wait3A_248 = tpu.memref_slice %arg3[%dma_wait3A_246, %dma_wait3A_247] : memref<256x64xf32, #tpu.memory_space<hbm>> -> memref<256x64xf32, #tpu.memory_space<hbm>>
    tpu.wait_indirect_dma semaphore(%arg11 : memref<!tpu.dma_semaphore, #tpu.memory_space<semaphore_mem>>) src(%dma_wait3A_248 : memref<256x64xf32, #tpu.memory_space<hbm>>) dst(%dma_wait3A_243 : memref<128x64xf32, #tpu.memory_space<vmem>>)
    %dma_wait3A_249 = arith.constant 896 : i32
    %dma_wait3A_250 = arith.constant 0 : i32
    %dma_wait3A_251 = tpu.memref_slice %arg10[%dma_wait3A_249, %dma_wait3A_250] : memref<1024x64xf32, #tpu.memory_space<vmem>> -> memref<128x64xf32, #tpu.memory_space<vmem>>
    %dma_wait3A_252 = arith.constant 896 : i32
    %dma_wait3A_253 = tpu.memref_slice %arg9[%dma_wait3A_252] : memref<1024xi32, #tpu.memory_space<vmem>> -> memref<128xi32, #tpu.memory_space<vmem>>
    %dma_wait3A_254 = arith.constant 0 : i32
    %dma_wait3A_255 = arith.constant 0 : i32
    %dma_wait3A_256 = tpu.memref_slice %arg3[%dma_wait3A_254, %dma_wait3A_255] : memref<256x64xf32, #tpu.memory_space<hbm>> -> memref<256x64xf32, #tpu.memory_space<hbm>>
    tpu.wait_indirect_dma semaphore(%arg11 : memref<!tpu.dma_semaphore, #tpu.memory_space<semaphore_mem>>) src(%dma_wait3A_256 : memref<256x64xf32, #tpu.memory_space<hbm>>) dst(%dma_wait3A_251 : memref<128x64xf32, #tpu.memory_space<vmem>>)
    "tpu.region"() ({
      %run_scoped3A = tpu.sem_alloc : memref<!tpu.dma_semaphore, #tpu.memory_space<semaphore_mem>>
      %dma_start3A_385 = arith.constant 0 : i32
      %dma_start3A_386 = tpu.memref_slice %arg7[%mul3A_2, %dma_start3A_385] : memref<32768x64xf32, #tpu.memory_space<hbm>> -> memref<1024x64xf32, #tpu.memory_space<hbm>>
      %dma_start3A_387 = arith.constant 0 : i32
      %dma_start3A_388 = tpu.memref_slice %arg7[%mul3A_2, %dma_start3A_387] : memref<32768x64xf32, #tpu.memory_space<hbm>> -> memref<1024x64xf32, #tpu.memory_space<hbm>>
      tpu.enqueue_dma source(%arg10 : memref<1024x64xf32, #tpu.memory_space<vmem>>) target(%dma_start3A_388 : memref<1024x64xf32, #tpu.memory_space<hbm>>) target_semaphore(%run_scoped3A : memref<!tpu.dma_semaphore, #tpu.memory_space<semaphore_mem>>)
      %dma_wait3A_389 = arith.constant 0 : i32
      %dma_wait3A_390 = tpu.memref_slice %arg7[%mul3A_2, %dma_wait3A_389] : memref<32768x64xf32, #tpu.memory_space<hbm>> -> memref<1024x64xf32, #tpu.memory_space<hbm>>
      %dma_wait3A_391 = arith.constant 0 : i32
      %dma_wait3A_392 = tpu.memref_slice %arg7[%mul3A_2, %dma_wait3A_391] : memref<32768x64xf32, #tpu.memory_space<hbm>> -> memref<1024x64xf32, #tpu.memory_space<hbm>>
      tpu.wait_dma2 semaphore(%run_scoped3A : memref<!tpu.dma_semaphore, #tpu.memory_space<semaphore_mem>>) src(%arg10 : memref<1024x64xf32, #tpu.memory_space<vmem>>) dst(%dma_wait3A_392 : memref<1024x64xf32, #tpu.memory_space<hbm>>)
      tpu.yield
    }) : () -> ()
    %dma_start3A_257 = arith.constant 0 : i32
    %dma_start3A_258 = arith.constant 0 : i32
    %dma_start3A_259 = tpu.memref_slice %arg10[%dma_start3A_257, %dma_start3A_258] : memref<1024x64xf32, #tpu.memory_space<vmem>> -> memref<128x64xf32, #tpu.memory_space<vmem>>
    %dma_start3A_260 = arith.constant 0 : i32
    %dma_start3A_261 = tpu.memref_slice %arg9[%dma_start3A_260] : memref<1024xi32, #tpu.memory_space<vmem>> -> memref<128xi32, #tpu.memory_space<vmem>>
    %dma_start3A_262 = arith.constant 0 : i32
    %dma_start3A_263 = arith.constant 0 : i32
    %dma_start3A_264 = tpu.memref_slice %arg4[%dma_start3A_262, %dma_start3A_263] : memref<256x64xf32, #tpu.memory_space<hbm>> -> memref<256x64xf32, #tpu.memory_space<hbm>>
    tpu.enqueue_indirect_dma source(%dma_start3A_264 : memref<256x64xf32, #tpu.memory_space<hbm>>) target(%dma_start3A_259 : memref<128x64xf32, #tpu.memory_space<vmem>>) offsets(%dma_start3A_261 : memref<128xi32, #tpu.memory_space<vmem>>) semaphore(%arg11 : memref<!tpu.dma_semaphore, #tpu.memory_space<semaphore_mem>>)
    %dma_start3A_265 = arith.constant 128 : i32
    %dma_start3A_266 = arith.constant 0 : i32
    %dma_start3A_267 = tpu.memref_slice %arg10[%dma_start3A_265, %dma_start3A_266] : memref<1024x64xf32, #tpu.memory_space<vmem>> -> memref<128x64xf32, #tpu.memory_space<vmem>>
    %dma_start3A_268 = arith.constant 128 : i32
    %dma_start3A_269 = tpu.memref_slice %arg9[%dma_start3A_268] : memref<1024xi32, #tpu.memory_space<vmem>> -> memref<128xi32, #tpu.memory_space<vmem>>
    %dma_start3A_270 = arith.constant 0 : i32
    %dma_start3A_271 = arith.constant 0 : i32
    %dma_start3A_272 = tpu.memref_slice %arg4[%dma_start3A_270, %dma_start3A_271] : memref<256x64xf32, #tpu.memory_space<hbm>> -> memref<256x64xf32, #tpu.memory_space<hbm>>
    tpu.enqueue_indirect_dma source(%dma_start3A_272 : memref<256x64xf32, #tpu.memory_space<hbm>>) target(%dma_start3A_267 : memref<128x64xf32, #tpu.memory_space<vmem>>) offsets(%dma_start3A_269 : memref<128xi32, #tpu.memory_space<vmem>>) semaphore(%arg11 : memref<!tpu.dma_semaphore, #tpu.memory_space<semaphore_mem>>)
    %dma_start3A_273 = arith.constant 256 : i32
    %dma_start3A_274 = arith.constant 0 : i32
    %dma_start3A_275 = tpu.memref_slice %arg10[%dma_start3A_273, %dma_start3A_274] : memref<1024x64xf32, #tpu.memory_space<vmem>> -> memref<128x64xf32, #tpu.memory_space<vmem>>
    %dma_start3A_276 = arith.constant 256 : i32
    %dma_start3A_277 = tpu.memref_slice %arg9[%dma_start3A_276] : memref<1024xi32, #tpu.memory_space<vmem>> -> memref<128xi32, #tpu.memory_space<vmem>>
    %dma_start3A_278 = arith.constant 0 : i32
    %dma_start3A_279 = arith.constant 0 : i32
    %dma_start3A_280 = tpu.memref_slice %arg4[%dma_start3A_278, %dma_start3A_279] : memref<256x64xf32, #tpu.memory_space<hbm>> -> memref<256x64xf32, #tpu.memory_space<hbm>>
    tpu.enqueue_indirect_dma source(%dma_start3A_280 : memref<256x64xf32, #tpu.memory_space<hbm>>) target(%dma_start3A_275 : memref<128x64xf32, #tpu.memory_space<vmem>>) offsets(%dma_start3A_277 : memref<128xi32, #tpu.memory_space<vmem>>) semaphore(%arg11 : memref<!tpu.dma_semaphore, #tpu.memory_space<semaphore_mem>>)
    %dma_start3A_281 = arith.constant 384 : i32
    %dma_start3A_282 = arith.constant 0 : i32
    %dma_start3A_283 = tpu.memref_slice %arg10[%dma_start3A_281, %dma_start3A_282] : memref<1024x64xf32, #tpu.memory_space<vmem>> -> memref<128x64xf32, #tpu.memory_space<vmem>>
    %dma_start3A_284 = arith.constant 384 : i32
    %dma_start3A_285 = tpu.memref_slice %arg9[%dma_start3A_284] : memref<1024xi32, #tpu.memory_space<vmem>> -> memref<128xi32, #tpu.memory_space<vmem>>
    %dma_start3A_286 = arith.constant 0 : i32
    %dma_start3A_287 = arith.constant 0 : i32
    %dma_start3A_288 = tpu.memref_slice %arg4[%dma_start3A_286, %dma_start3A_287] : memref<256x64xf32, #tpu.memory_space<hbm>> -> memref<256x64xf32, #tpu.memory_space<hbm>>
    tpu.enqueue_indirect_dma source(%dma_start3A_288 : memref<256x64xf32, #tpu.memory_space<hbm>>) target(%dma_start3A_283 : memref<128x64xf32, #tpu.memory_space<vmem>>) offsets(%dma_start3A_285 : memref<128xi32, #tpu.memory_space<vmem>>) semaphore(%arg11 : memref<!tpu.dma_semaphore, #tpu.memory_space<semaphore_mem>>)
    %dma_start3A_289 = arith.constant 512 : i32
    %dma_start3A_290 = arith.constant 0 : i32
    %dma_start3A_291 = tpu.memref_slice %arg10[%dma_start3A_289, %dma_start3A_290] : memref<1024x64xf32, #tpu.memory_space<vmem>> -> memref<128x64xf32, #tpu.memory_space<vmem>>
    %dma_start3A_292 = arith.constant 512 : i32
    %dma_start3A_293 = tpu.memref_slice %arg9[%dma_start3A_292] : memref<1024xi32, #tpu.memory_space<vmem>> -> memref<128xi32, #tpu.memory_space<vmem>>
    %dma_start3A_294 = arith.constant 0 : i32
    %dma_start3A_295 = arith.constant 0 : i32
    %dma_start3A_296 = tpu.memref_slice %arg4[%dma_start3A_294, %dma_start3A_295] : memref<256x64xf32, #tpu.memory_space<hbm>> -> memref<256x64xf32, #tpu.memory_space<hbm>>
    tpu.enqueue_indirect_dma source(%dma_start3A_296 : memref<256x64xf32, #tpu.memory_space<hbm>>) target(%dma_start3A_291 : memref<128x64xf32, #tpu.memory_space<vmem>>) offsets(%dma_start3A_293 : memref<128xi32, #tpu.memory_space<vmem>>) semaphore(%arg11 : memref<!tpu.dma_semaphore, #tpu.memory_space<semaphore_mem>>)
    %dma_start3A_297 = arith.constant 640 : i32
    %dma_start3A_298 = arith.constant 0 : i32
    %dma_start3A_299 = tpu.memref_slice %arg10[%dma_start3A_297, %dma_start3A_298] : memref<1024x64xf32, #tpu.memory_space<vmem>> -> memref<128x64xf32, #tpu.memory_space<vmem>>
    %dma_start3A_300 = arith.constant 640 : i32
    %dma_start3A_301 = tpu.memref_slice %arg9[%dma_start3A_300] : memref<1024xi32, #tpu.memory_space<vmem>> -> memref<128xi32, #tpu.memory_space<vmem>>
    %dma_start3A_302 = arith.constant 0 : i32
    %dma_start3A_303 = arith.constant 0 : i32
    %dma_start3A_304 = tpu.memref_slice %arg4[%dma_start3A_302, %dma_start3A_303] : memref<256x64xf32, #tpu.memory_space<hbm>> -> memref<256x64xf32, #tpu.memory_space<hbm>>
    tpu.enqueue_indirect_dma source(%dma_start3A_304 : memref<256x64xf32, #tpu.memory_space<hbm>>) target(%dma_start3A_299 : memref<128x64xf32, #tpu.memory_space<vmem>>) offsets(%dma_start3A_301 : memref<128xi32, #tpu.memory_space<vmem>>) semaphore(%arg11 : memref<!tpu.dma_semaphore, #tpu.memory_space<semaphore_mem>>)
    %dma_start3A_305 = arith.constant 768 : i32
    %dma_start3A_306 = arith.constant 0 : i32
    %dma_start3A_307 = tpu.memref_slice %arg10[%dma_start3A_305, %dma_start3A_306] : memref<1024x64xf32, #tpu.memory_space<vmem>> -> memref<128x64xf32, #tpu.memory_space<vmem>>
    %dma_start3A_308 = arith.constant 768 : i32
    %dma_start3A_309 = tpu.memref_slice %arg9[%dma_start3A_308] : memref<1024xi32, #tpu.memory_space<vmem>> -> memref<128xi32, #tpu.memory_space<vmem>>
    %dma_start3A_310 = arith.constant 0 : i32
    %dma_start3A_311 = arith.constant 0 : i32
    %dma_start3A_312 = tpu.memref_slice %arg4[%dma_start3A_310, %dma_start3A_311] : memref<256x64xf32, #tpu.memory_space<hbm>> -> memref<256x64xf32, #tpu.memory_space<hbm>>
    tpu.enqueue_indirect_dma source(%dma_start3A_312 : memref<256x64xf32, #tpu.memory_space<hbm>>) target(%dma_start3A_307 : memref<128x64xf32, #tpu.memory_space<vmem>>) offsets(%dma_start3A_309 : memref<128xi32, #tpu.memory_space<vmem>>) semaphore(%arg11 : memref<!tpu.dma_semaphore, #tpu.memory_space<semaphore_mem>>)
    %dma_start3A_313 = arith.constant 896 : i32
    %dma_start3A_314 = arith.constant 0 : i32
    %dma_start3A_315 = tpu.memref_slice %arg10[%dma_start3A_313, %dma_start3A_314] : memref<1024x64xf32, #tpu.memory_space<vmem>> -> memref<128x64xf32, #tpu.memory_space<vmem>>
    %dma_start3A_316 = arith.constant 896 : i32
    %dma_start3A_317 = tpu.memref_slice %arg9[%dma_start3A_316] : memref<1024xi32, #tpu.memory_space<vmem>> -> memref<128xi32, #tpu.memory_space<vmem>>
    %dma_start3A_318 = arith.constant 0 : i32
    %dma_start3A_319 = arith.constant 0 : i32
    %dma_start3A_320 = tpu.memref_slice %arg4[%dma_start3A_318, %dma_start3A_319] : memref<256x64xf32, #tpu.memory_space<hbm>> -> memref<256x64xf32, #tpu.memory_space<hbm>>
    tpu.enqueue_indirect_dma source(%dma_start3A_320 : memref<256x64xf32, #tpu.memory_space<hbm>>) target(%dma_start3A_315 : memref<128x64xf32, #tpu.memory_space<vmem>>) offsets(%dma_start3A_317 : memref<128xi32, #tpu.memory_space<vmem>>) semaphore(%arg11 : memref<!tpu.dma_semaphore, #tpu.memory_space<semaphore_mem>>)
    %dma_wait3A_321 = arith.constant 0 : i32
    %dma_wait3A_322 = arith.constant 0 : i32
    %dma_wait3A_323 = tpu.memref_slice %arg10[%dma_wait3A_321, %dma_wait3A_322] : memref<1024x64xf32, #tpu.memory_space<vmem>> -> memref<128x64xf32, #tpu.memory_space<vmem>>
    %dma_wait3A_324 = arith.constant 0 : i32
    %dma_wait3A_325 = tpu.memref_slice %arg9[%dma_wait3A_324] : memref<1024xi32, #tpu.memory_space<vmem>> -> memref<128xi32, #tpu.memory_space<vmem>>
    %dma_wait3A_326 = arith.constant 0 : i32
    %dma_wait3A_327 = arith.constant 0 : i32
    %dma_wait3A_328 = tpu.memref_slice %arg4[%dma_wait3A_326, %dma_wait3A_327] : memref<256x64xf32, #tpu.memory_space<hbm>> -> memref<256x64xf32, #tpu.memory_space<hbm>>
    tpu.wait_indirect_dma semaphore(%arg11 : memref<!tpu.dma_semaphore, #tpu.memory_space<semaphore_mem>>) src(%dma_wait3A_328 : memref<256x64xf32, #tpu.memory_space<hbm>>) dst(%dma_wait3A_323 : memref<128x64xf32, #tpu.memory_space<vmem>>)
    %dma_wait3A_329 = arith.constant 128 : i32
    %dma_wait3A_330 = arith.constant 0 : i32
    %dma_wait3A_331 = tpu.memref_slice %arg10[%dma_wait3A_329, %dma_wait3A_330] : memref<1024x64xf32, #tpu.memory_space<vmem>> -> memref<128x64xf32, #tpu.memory_space<vmem>>
    %dma_wait3A_332 = arith.constant 128 : i32
    %dma_wait3A_333 = tpu.memref_slice %arg9[%dma_wait3A_332] : memref<1024xi32, #tpu.memory_space<vmem>> -> memref<128xi32, #tpu.memory_space<vmem>>
    %dma_wait3A_334 = arith.constant 0 : i32
    %dma_wait3A_335 = arith.constant 0 : i32
    %dma_wait3A_336 = tpu.memref_slice %arg4[%dma_wait3A_334, %dma_wait3A_335] : memref<256x64xf32, #tpu.memory_space<hbm>> -> memref<256x64xf32, #tpu.memory_space<hbm>>
    tpu.wait_indirect_dma semaphore(%arg11 : memref<!tpu.dma_semaphore, #tpu.memory_space<semaphore_mem>>) src(%dma_wait3A_336 : memref<256x64xf32, #tpu.memory_space<hbm>>) dst(%dma_wait3A_331 : memref<128x64xf32, #tpu.memory_space<vmem>>)
    %dma_wait3A_337 = arith.constant 256 : i32
    %dma_wait3A_338 = arith.constant 0 : i32
    %dma_wait3A_339 = tpu.memref_slice %arg10[%dma_wait3A_337, %dma_wait3A_338] : memref<1024x64xf32, #tpu.memory_space<vmem>> -> memref<128x64xf32, #tpu.memory_space<vmem>>
    %dma_wait3A_340 = arith.constant 256 : i32
    %dma_wait3A_341 = tpu.memref_slice %arg9[%dma_wait3A_340] : memref<1024xi32, #tpu.memory_space<vmem>> -> memref<128xi32, #tpu.memory_space<vmem>>
    %dma_wait3A_342 = arith.constant 0 : i32
    %dma_wait3A_343 = arith.constant 0 : i32
    %dma_wait3A_344 = tpu.memref_slice %arg4[%dma_wait3A_342, %dma_wait3A_343] : memref<256x64xf32, #tpu.memory_space<hbm>> -> memref<256x64xf32, #tpu.memory_space<hbm>>
    tpu.wait_indirect_dma semaphore(%arg11 : memref<!tpu.dma_semaphore, #tpu.memory_space<semaphore_mem>>) src(%dma_wait3A_344 : memref<256x64xf32, #tpu.memory_space<hbm>>) dst(%dma_wait3A_339 : memref<128x64xf32, #tpu.memory_space<vmem>>)
    %dma_wait3A_345 = arith.constant 384 : i32
    %dma_wait3A_346 = arith.constant 0 : i32
    %dma_wait3A_347 = tpu.memref_slice %arg10[%dma_wait3A_345, %dma_wait3A_346] : memref<1024x64xf32, #tpu.memory_space<vmem>> -> memref<128x64xf32, #tpu.memory_space<vmem>>
    %dma_wait3A_348 = arith.constant 384 : i32
    %dma_wait3A_349 = tpu.memref_slice %arg9[%dma_wait3A_348] : memref<1024xi32, #tpu.memory_space<vmem>> -> memref<128xi32, #tpu.memory_space<vmem>>
    %dma_wait3A_350 = arith.constant 0 : i32
    %dma_wait3A_351 = arith.constant 0 : i32
    %dma_wait3A_352 = tpu.memref_slice %arg4[%dma_wait3A_350, %dma_wait3A_351] : memref<256x64xf32, #tpu.memory_space<hbm>> -> memref<256x64xf32, #tpu.memory_space<hbm>>
    tpu.wait_indirect_dma semaphore(%arg11 : memref<!tpu.dma_semaphore, #tpu.memory_space<semaphore_mem>>) src(%dma_wait3A_352 : memref<256x64xf32, #tpu.memory_space<hbm>>) dst(%dma_wait3A_347 : memref<128x64xf32, #tpu.memory_space<vmem>>)
    %dma_wait3A_353 = arith.constant 512 : i32
    %dma_wait3A_354 = arith.constant 0 : i32
    %dma_wait3A_355 = tpu.memref_slice %arg10[%dma_wait3A_353, %dma_wait3A_354] : memref<1024x64xf32, #tpu.memory_space<vmem>> -> memref<128x64xf32, #tpu.memory_space<vmem>>
    %dma_wait3A_356 = arith.constant 512 : i32
    %dma_wait3A_357 = tpu.memref_slice %arg9[%dma_wait3A_356] : memref<1024xi32, #tpu.memory_space<vmem>> -> memref<128xi32, #tpu.memory_space<vmem>>
    %dma_wait3A_358 = arith.constant 0 : i32
    %dma_wait3A_359 = arith.constant 0 : i32
    %dma_wait3A_360 = tpu.memref_slice %arg4[%dma_wait3A_358, %dma_wait3A_359] : memref<256x64xf32, #tpu.memory_space<hbm>> -> memref<256x64xf32, #tpu.memory_space<hbm>>
    tpu.wait_indirect_dma semaphore(%arg11 : memref<!tpu.dma_semaphore, #tpu.memory_space<semaphore_mem>>) src(%dma_wait3A_360 : memref<256x64xf32, #tpu.memory_space<hbm>>) dst(%dma_wait3A_355 : memref<128x64xf32, #tpu.memory_space<vmem>>)
    %dma_wait3A_361 = arith.constant 640 : i32
    %dma_wait3A_362 = arith.constant 0 : i32
    %dma_wait3A_363 = tpu.memref_slice %arg10[%dma_wait3A_361, %dma_wait3A_362] : memref<1024x64xf32, #tpu.memory_space<vmem>> -> memref<128x64xf32, #tpu.memory_space<vmem>>
    %dma_wait3A_364 = arith.constant 640 : i32
    %dma_wait3A_365 = tpu.memref_slice %arg9[%dma_wait3A_364] : memref<1024xi32, #tpu.memory_space<vmem>> -> memref<128xi32, #tpu.memory_space<vmem>>
    %dma_wait3A_366 = arith.constant 0 : i32
    %dma_wait3A_367 = arith.constant 0 : i32
    %dma_wait3A_368 = tpu.memref_slice %arg4[%dma_wait3A_366, %dma_wait3A_367] : memref<256x64xf32, #tpu.memory_space<hbm>> -> memref<256x64xf32, #tpu.memory_space<hbm>>
    tpu.wait_indirect_dma semaphore(%arg11 : memref<!tpu.dma_semaphore, #tpu.memory_space<semaphore_mem>>) src(%dma_wait3A_368 : memref<256x64xf32, #tpu.memory_space<hbm>>) dst(%dma_wait3A_363 : memref<128x64xf32, #tpu.memory_space<vmem>>)
    %dma_wait3A_369 = arith.constant 768 : i32
    %dma_wait3A_370 = arith.constant 0 : i32
    %dma_wait3A_371 = tpu.memref_slice %arg10[%dma_wait3A_369, %dma_wait3A_370] : memref<1024x64xf32, #tpu.memory_space<vmem>> -> memref<128x64xf32, #tpu.memory_space<vmem>>
    %dma_wait3A_372 = arith.constant 768 : i32
    %dma_wait3A_373 = tpu.memref_slice %arg9[%dma_wait3A_372] : memref<1024xi32, #tpu.memory_space<vmem>> -> memref<128xi32, #tpu.memory_space<vmem>>
    %dma_wait3A_374 = arith.constant 0 : i32
    %dma_wait3A_375 = arith.constant 0 : i32
    %dma_wait3A_376 = tpu.memref_slice %arg4[%dma_wait3A_374, %dma_wait3A_375] : memref<256x64xf32, #tpu.memory_space<hbm>> -> memref<256x64xf32, #tpu.memory_space<hbm>>
    tpu.wait_indirect_dma semaphore(%arg11 : memref<!tpu.dma_semaphore, #tpu.memory_space<semaphore_mem>>) src(%dma_wait3A_376 : memref<256x64xf32, #tpu.memory_space<hbm>>) dst(%dma_wait3A_371 : memref<128x64xf32, #tpu.memory_space<vmem>>)
    %dma_wait3A_377 = arith.constant 896 : i32
    %dma_wait3A_378 = arith.constant 0 : i32
    %dma_wait3A_379 = tpu.memref_slice %arg10[%dma_wait3A_377, %dma_wait3A_378] : memref<1024x64xf32, #tpu.memory_space<vmem>> -> memref<128x64xf32, #tpu.memory_space<vmem>>
    %dma_wait3A_380 = arith.constant 896 : i32
    %dma_wait3A_381 = tpu.memref_slice %arg9[%dma_wait3A_380] : memref<1024xi32, #tpu.memory_space<vmem>> -> memref<128xi32, #tpu.memory_space<vmem>>
    %dma_wait3A_382 = arith.constant 0 : i32
    %dma_wait3A_383 = arith.constant 0 : i32
    %dma_wait3A_384 = tpu.memref_slice %arg4[%dma_wait3A_382, %dma_wait3A_383] : memref<256x64xf32, #tpu.memory_space<hbm>> -> memref<256x64xf32, #tpu.memory_space<hbm>>
    tpu.wait_indirect_dma semaphore(%arg11 : memref<!tpu.dma_semaphore, #tpu.memory_space<semaphore_mem>>) src(%dma_wait3A_384 : memref<256x64xf32, #tpu.memory_space<hbm>>) dst(%dma_wait3A_379 : memref<128x64xf32, #tpu.memory_space<vmem>>)
    "tpu.region"() ({
      %run_scoped3A = tpu.sem_alloc : memref<!tpu.dma_semaphore, #tpu.memory_space<semaphore_mem>>
      %dma_start3A_385 = arith.constant 0 : i32
      %dma_start3A_386 = tpu.memref_slice %arg8[%mul3A_2, %dma_start3A_385] : memref<32768x64xf32, #tpu.memory_space<hbm>> -> memref<1024x64xf32, #tpu.memory_space<hbm>>
      %dma_start3A_387 = arith.constant 0 : i32
      %dma_start3A_388 = tpu.memref_slice %arg8[%mul3A_2, %dma_start3A_387] : memref<32768x64xf32, #tpu.memory_space<hbm>> -> memref<1024x64xf32, #tpu.memory_space<hbm>>
      tpu.enqueue_dma source(%arg10 : memref<1024x64xf32, #tpu.memory_space<vmem>>) target(%dma_start3A_388 : memref<1024x64xf32, #tpu.memory_space<hbm>>) target_semaphore(%run_scoped3A : memref<!tpu.dma_semaphore, #tpu.memory_space<semaphore_mem>>)
      %dma_wait3A_389 = arith.constant 0 : i32
      %dma_wait3A_390 = tpu.memref_slice %arg8[%mul3A_2, %dma_wait3A_389] : memref<32768x64xf32, #tpu.memory_space<hbm>> -> memref<1024x64xf32, #tpu.memory_space<hbm>>
      %dma_wait3A_391 = arith.constant 0 : i32
      %dma_wait3A_392 = tpu.memref_slice %arg8[%mul3A_2, %dma_wait3A_391] : memref<32768x64xf32, #tpu.memory_space<hbm>> -> memref<1024x64xf32, #tpu.memory_space<hbm>>
      tpu.wait_dma2 semaphore(%run_scoped3A : memref<!tpu.dma_semaphore, #tpu.memory_space<semaphore_mem>>) src(%arg10 : memref<1024x64xf32, #tpu.memory_space<vmem>>) dst(%dma_wait3A_392 : memref<1024x64xf32, #tpu.memory_space<hbm>>)
      tpu.yield
    }) : () -> ()
    return
  }
}

#map = affine_map<(d0, d1) -> (0, 0)>
#map1 = affine_map<(d0, d1) -> (0)>
module attributes {stable_mosaic.version = 14 : i64} {
  func.func @gather(%arg0: i32, %arg1: i32, %arg2: memref<16384x80xf32, #tpu.memory_space<hbm>>, %arg3: memref<32768xi32, #tpu.memory_space<hbm>>, %arg4: memref<32768x80xf32, #tpu.memory_space<hbm>>, %arg5: memref<1024xi32, #tpu.memory_space<vmem>>, %arg6: memref<1024x80xf32, #tpu.memory_space<vmem>>, %arg7: memref<!tpu.dma_semaphore, #tpu.memory_space<semaphore_mem>>) attributes {dimension_semantics = [#tpu.dimension_semantics<core_parallel>, #tpu.dimension_semantics<subcore_parallel>], iteration_bounds = array<i64: 2, 16>, scalar_prefetch = 0 : i64, scratch_operands = 3 : i64, tpu.core_type = #tpu.core_type<sc_vector_subcore>, window_params = [{transform_indices = #map}, {transform_indices = #map1}, {transform_indices = #map}]} {
    %mul3A = arith.constant 2 : i32
    %mul3A_0 = arith.muli %arg1, %mul3A : i32
    %add3A = arith.addi %mul3A_0, %arg0 : i32
    %mul3A_1 = arith.constant 1024 : i32
    %mul3A_2 = arith.muli %add3A, %mul3A_1 : i32
    "tpu.region"() ({
      %run_scoped3A = tpu.sem_alloc : memref<!tpu.dma_semaphore, #tpu.memory_space<semaphore_mem>>
      %dma_start3A_129 = tpu.memref_slice %arg3[%mul3A_2] : memref<32768xi32, #tpu.memory_space<hbm>> -> memref<1024xi32, #tpu.memory_space<hbm>>
      %dma_start3A_130 = tpu.memref_slice %arg3[%mul3A_2] : memref<32768xi32, #tpu.memory_space<hbm>> -> memref<1024xi32, #tpu.memory_space<hbm>>
      tpu.enqueue_dma source(%dma_start3A_130 : memref<1024xi32, #tpu.memory_space<hbm>>) target(%arg5 : memref<1024xi32, #tpu.memory_space<vmem>>) target_semaphore(%run_scoped3A : memref<!tpu.dma_semaphore, #tpu.memory_space<semaphore_mem>>)
      %dma_wait3A_131 = tpu.memref_slice %arg3[%mul3A_2] : memref<32768xi32, #tpu.memory_space<hbm>> -> memref<1024xi32, #tpu.memory_space<hbm>>
      %dma_wait3A_132 = tpu.memref_slice %arg3[%mul3A_2] : memref<32768xi32, #tpu.memory_space<hbm>> -> memref<1024xi32, #tpu.memory_space<hbm>>
      tpu.wait_dma2 semaphore(%run_scoped3A : memref<!tpu.dma_semaphore, #tpu.memory_space<semaphore_mem>>) src(%dma_wait3A_132 : memref<1024xi32, #tpu.memory_space<hbm>>) dst(%arg5 : memref<1024xi32, #tpu.memory_space<vmem>>)
      tpu.yield
    }) : () -> ()
    %dma_start3A = arith.constant 0 : i32
    %dma_start3A_3 = arith.constant 0 : i32
    %dma_start3A_4 = tpu.memref_slice %arg6[%dma_start3A, %dma_start3A_3] : memref<1024x80xf32, #tpu.memory_space<vmem>> -> memref<128x80xf32, #tpu.memory_space<vmem>>
    %dma_start3A_5 = arith.constant 0 : i32
    %dma_start3A_6 = tpu.memref_slice %arg5[%dma_start3A_5] : memref<1024xi32, #tpu.memory_space<vmem>> -> memref<128xi32, #tpu.memory_space<vmem>>
    %dma_start3A_7 = arith.constant 0 : i32
    %dma_start3A_8 = arith.constant 0 : i32
    %dma_start3A_9 = tpu.memref_slice %arg2[%dma_start3A_7, %dma_start3A_8] : memref<16384x80xf32, #tpu.memory_space<hbm>> -> memref<16384x80xf32, #tpu.memory_space<hbm>>
    tpu.enqueue_indirect_dma source(%dma_start3A_9 : memref<16384x80xf32, #tpu.memory_space<hbm>>) target(%dma_start3A_4 : memref<128x80xf32, #tpu.memory_space<vmem>>) offsets(%dma_start3A_6 : memref<128xi32, #tpu.memory_space<vmem>>) semaphore(%arg7 : memref<!tpu.dma_semaphore, #tpu.memory_space<semaphore_mem>>)
    %dma_start3A_10 = arith.constant 128 : i32
    %dma_start3A_11 = arith.constant 0 : i32
    %dma_start3A_12 = tpu.memref_slice %arg6[%dma_start3A_10, %dma_start3A_11] : memref<1024x80xf32, #tpu.memory_space<vmem>> -> memref<128x80xf32, #tpu.memory_space<vmem>>
    %dma_start3A_13 = arith.constant 128 : i32
    %dma_start3A_14 = tpu.memref_slice %arg5[%dma_start3A_13] : memref<1024xi32, #tpu.memory_space<vmem>> -> memref<128xi32, #tpu.memory_space<vmem>>
    %dma_start3A_15 = arith.constant 0 : i32
    %dma_start3A_16 = arith.constant 0 : i32
    %dma_start3A_17 = tpu.memref_slice %arg2[%dma_start3A_15, %dma_start3A_16] : memref<16384x80xf32, #tpu.memory_space<hbm>> -> memref<16384x80xf32, #tpu.memory_space<hbm>>
    tpu.enqueue_indirect_dma source(%dma_start3A_17 : memref<16384x80xf32, #tpu.memory_space<hbm>>) target(%dma_start3A_12 : memref<128x80xf32, #tpu.memory_space<vmem>>) offsets(%dma_start3A_14 : memref<128xi32, #tpu.memory_space<vmem>>) semaphore(%arg7 : memref<!tpu.dma_semaphore, #tpu.memory_space<semaphore_mem>>)
    %dma_start3A_18 = arith.constant 256 : i32
    %dma_start3A_19 = arith.constant 0 : i32
    %dma_start3A_20 = tpu.memref_slice %arg6[%dma_start3A_18, %dma_start3A_19] : memref<1024x80xf32, #tpu.memory_space<vmem>> -> memref<128x80xf32, #tpu.memory_space<vmem>>
    %dma_start3A_21 = arith.constant 256 : i32
    %dma_start3A_22 = tpu.memref_slice %arg5[%dma_start3A_21] : memref<1024xi32, #tpu.memory_space<vmem>> -> memref<128xi32, #tpu.memory_space<vmem>>
    %dma_start3A_23 = arith.constant 0 : i32
    %dma_start3A_24 = arith.constant 0 : i32
    %dma_start3A_25 = tpu.memref_slice %arg2[%dma_start3A_23, %dma_start3A_24] : memref<16384x80xf32, #tpu.memory_space<hbm>> -> memref<16384x80xf32, #tpu.memory_space<hbm>>
    tpu.enqueue_indirect_dma source(%dma_start3A_25 : memref<16384x80xf32, #tpu.memory_space<hbm>>) target(%dma_start3A_20 : memref<128x80xf32, #tpu.memory_space<vmem>>) offsets(%dma_start3A_22 : memref<128xi32, #tpu.memory_space<vmem>>) semaphore(%arg7 : memref<!tpu.dma_semaphore, #tpu.memory_space<semaphore_mem>>)
    %dma_start3A_26 = arith.constant 384 : i32
    %dma_start3A_27 = arith.constant 0 : i32
    %dma_start3A_28 = tpu.memref_slice %arg6[%dma_start3A_26, %dma_start3A_27] : memref<1024x80xf32, #tpu.memory_space<vmem>> -> memref<128x80xf32, #tpu.memory_space<vmem>>
    %dma_start3A_29 = arith.constant 384 : i32
    %dma_start3A_30 = tpu.memref_slice %arg5[%dma_start3A_29] : memref<1024xi32, #tpu.memory_space<vmem>> -> memref<128xi32, #tpu.memory_space<vmem>>
    %dma_start3A_31 = arith.constant 0 : i32
    %dma_start3A_32 = arith.constant 0 : i32
    %dma_start3A_33 = tpu.memref_slice %arg2[%dma_start3A_31, %dma_start3A_32] : memref<16384x80xf32, #tpu.memory_space<hbm>> -> memref<16384x80xf32, #tpu.memory_space<hbm>>
    tpu.enqueue_indirect_dma source(%dma_start3A_33 : memref<16384x80xf32, #tpu.memory_space<hbm>>) target(%dma_start3A_28 : memref<128x80xf32, #tpu.memory_space<vmem>>) offsets(%dma_start3A_30 : memref<128xi32, #tpu.memory_space<vmem>>) semaphore(%arg7 : memref<!tpu.dma_semaphore, #tpu.memory_space<semaphore_mem>>)
    %dma_start3A_34 = arith.constant 512 : i32
    %dma_start3A_35 = arith.constant 0 : i32
    %dma_start3A_36 = tpu.memref_slice %arg6[%dma_start3A_34, %dma_start3A_35] : memref<1024x80xf32, #tpu.memory_space<vmem>> -> memref<128x80xf32, #tpu.memory_space<vmem>>
    %dma_start3A_37 = arith.constant 512 : i32
    %dma_start3A_38 = tpu.memref_slice %arg5[%dma_start3A_37] : memref<1024xi32, #tpu.memory_space<vmem>> -> memref<128xi32, #tpu.memory_space<vmem>>
    %dma_start3A_39 = arith.constant 0 : i32
    %dma_start3A_40 = arith.constant 0 : i32
    %dma_start3A_41 = tpu.memref_slice %arg2[%dma_start3A_39, %dma_start3A_40] : memref<16384x80xf32, #tpu.memory_space<hbm>> -> memref<16384x80xf32, #tpu.memory_space<hbm>>
    tpu.enqueue_indirect_dma source(%dma_start3A_41 : memref<16384x80xf32, #tpu.memory_space<hbm>>) target(%dma_start3A_36 : memref<128x80xf32, #tpu.memory_space<vmem>>) offsets(%dma_start3A_38 : memref<128xi32, #tpu.memory_space<vmem>>) semaphore(%arg7 : memref<!tpu.dma_semaphore, #tpu.memory_space<semaphore_mem>>)
    %dma_start3A_42 = arith.constant 640 : i32
    %dma_start3A_43 = arith.constant 0 : i32
    %dma_start3A_44 = tpu.memref_slice %arg6[%dma_start3A_42, %dma_start3A_43] : memref<1024x80xf32, #tpu.memory_space<vmem>> -> memref<128x80xf32, #tpu.memory_space<vmem>>
    %dma_start3A_45 = arith.constant 640 : i32
    %dma_start3A_46 = tpu.memref_slice %arg5[%dma_start3A_45] : memref<1024xi32, #tpu.memory_space<vmem>> -> memref<128xi32, #tpu.memory_space<vmem>>
    %dma_start3A_47 = arith.constant 0 : i32
    %dma_start3A_48 = arith.constant 0 : i32
    %dma_start3A_49 = tpu.memref_slice %arg2[%dma_start3A_47, %dma_start3A_48] : memref<16384x80xf32, #tpu.memory_space<hbm>> -> memref<16384x80xf32, #tpu.memory_space<hbm>>
    tpu.enqueue_indirect_dma source(%dma_start3A_49 : memref<16384x80xf32, #tpu.memory_space<hbm>>) target(%dma_start3A_44 : memref<128x80xf32, #tpu.memory_space<vmem>>) offsets(%dma_start3A_46 : memref<128xi32, #tpu.memory_space<vmem>>) semaphore(%arg7 : memref<!tpu.dma_semaphore, #tpu.memory_space<semaphore_mem>>)
    %dma_start3A_50 = arith.constant 768 : i32
    %dma_start3A_51 = arith.constant 0 : i32
    %dma_start3A_52 = tpu.memref_slice %arg6[%dma_start3A_50, %dma_start3A_51] : memref<1024x80xf32, #tpu.memory_space<vmem>> -> memref<128x80xf32, #tpu.memory_space<vmem>>
    %dma_start3A_53 = arith.constant 768 : i32
    %dma_start3A_54 = tpu.memref_slice %arg5[%dma_start3A_53] : memref<1024xi32, #tpu.memory_space<vmem>> -> memref<128xi32, #tpu.memory_space<vmem>>
    %dma_start3A_55 = arith.constant 0 : i32
    %dma_start3A_56 = arith.constant 0 : i32
    %dma_start3A_57 = tpu.memref_slice %arg2[%dma_start3A_55, %dma_start3A_56] : memref<16384x80xf32, #tpu.memory_space<hbm>> -> memref<16384x80xf32, #tpu.memory_space<hbm>>
    tpu.enqueue_indirect_dma source(%dma_start3A_57 : memref<16384x80xf32, #tpu.memory_space<hbm>>) target(%dma_start3A_52 : memref<128x80xf32, #tpu.memory_space<vmem>>) offsets(%dma_start3A_54 : memref<128xi32, #tpu.memory_space<vmem>>) semaphore(%arg7 : memref<!tpu.dma_semaphore, #tpu.memory_space<semaphore_mem>>)
    %dma_start3A_58 = arith.constant 896 : i32
    %dma_start3A_59 = arith.constant 0 : i32
    %dma_start3A_60 = tpu.memref_slice %arg6[%dma_start3A_58, %dma_start3A_59] : memref<1024x80xf32, #tpu.memory_space<vmem>> -> memref<128x80xf32, #tpu.memory_space<vmem>>
    %dma_start3A_61 = arith.constant 896 : i32
    %dma_start3A_62 = tpu.memref_slice %arg5[%dma_start3A_61] : memref<1024xi32, #tpu.memory_space<vmem>> -> memref<128xi32, #tpu.memory_space<vmem>>
    %dma_start3A_63 = arith.constant 0 : i32
    %dma_start3A_64 = arith.constant 0 : i32
    %dma_start3A_65 = tpu.memref_slice %arg2[%dma_start3A_63, %dma_start3A_64] : memref<16384x80xf32, #tpu.memory_space<hbm>> -> memref<16384x80xf32, #tpu.memory_space<hbm>>
    tpu.enqueue_indirect_dma source(%dma_start3A_65 : memref<16384x80xf32, #tpu.memory_space<hbm>>) target(%dma_start3A_60 : memref<128x80xf32, #tpu.memory_space<vmem>>) offsets(%dma_start3A_62 : memref<128xi32, #tpu.memory_space<vmem>>) semaphore(%arg7 : memref<!tpu.dma_semaphore, #tpu.memory_space<semaphore_mem>>)
    %dma_wait3A = arith.constant 0 : i32
    %dma_wait3A_66 = arith.constant 0 : i32
    %dma_wait3A_67 = tpu.memref_slice %arg6[%dma_wait3A, %dma_wait3A_66] : memref<1024x80xf32, #tpu.memory_space<vmem>> -> memref<128x80xf32, #tpu.memory_space<vmem>>
    %dma_wait3A_68 = arith.constant 0 : i32
    %dma_wait3A_69 = tpu.memref_slice %arg5[%dma_wait3A_68] : memref<1024xi32, #tpu.memory_space<vmem>> -> memref<128xi32, #tpu.memory_space<vmem>>
    %dma_wait3A_70 = arith.constant 0 : i32
    %dma_wait3A_71 = arith.constant 0 : i32
    %dma_wait3A_72 = tpu.memref_slice %arg2[%dma_wait3A_70, %dma_wait3A_71] : memref<16384x80xf32, #tpu.memory_space<hbm>> -> memref<16384x80xf32, #tpu.memory_space<hbm>>
    tpu.wait_indirect_dma semaphore(%arg7 : memref<!tpu.dma_semaphore, #tpu.memory_space<semaphore_mem>>) src(%dma_wait3A_72 : memref<16384x80xf32, #tpu.memory_space<hbm>>) dst(%dma_wait3A_67 : memref<128x80xf32, #tpu.memory_space<vmem>>)
    %dma_wait3A_73 = arith.constant 128 : i32
    %dma_wait3A_74 = arith.constant 0 : i32
    %dma_wait3A_75 = tpu.memref_slice %arg6[%dma_wait3A_73, %dma_wait3A_74] : memref<1024x80xf32, #tpu.memory_space<vmem>> -> memref<128x80xf32, #tpu.memory_space<vmem>>
    %dma_wait3A_76 = arith.constant 128 : i32
    %dma_wait3A_77 = tpu.memref_slice %arg5[%dma_wait3A_76] : memref<1024xi32, #tpu.memory_space<vmem>> -> memref<128xi32, #tpu.memory_space<vmem>>
    %dma_wait3A_78 = arith.constant 0 : i32
    %dma_wait3A_79 = arith.constant 0 : i32
    %dma_wait3A_80 = tpu.memref_slice %arg2[%dma_wait3A_78, %dma_wait3A_79] : memref<16384x80xf32, #tpu.memory_space<hbm>> -> memref<16384x80xf32, #tpu.memory_space<hbm>>
    tpu.wait_indirect_dma semaphore(%arg7 : memref<!tpu.dma_semaphore, #tpu.memory_space<semaphore_mem>>) src(%dma_wait3A_80 : memref<16384x80xf32, #tpu.memory_space<hbm>>) dst(%dma_wait3A_75 : memref<128x80xf32, #tpu.memory_space<vmem>>)
    %dma_wait3A_81 = arith.constant 256 : i32
    %dma_wait3A_82 = arith.constant 0 : i32
    %dma_wait3A_83 = tpu.memref_slice %arg6[%dma_wait3A_81, %dma_wait3A_82] : memref<1024x80xf32, #tpu.memory_space<vmem>> -> memref<128x80xf32, #tpu.memory_space<vmem>>
    %dma_wait3A_84 = arith.constant 256 : i32
    %dma_wait3A_85 = tpu.memref_slice %arg5[%dma_wait3A_84] : memref<1024xi32, #tpu.memory_space<vmem>> -> memref<128xi32, #tpu.memory_space<vmem>>
    %dma_wait3A_86 = arith.constant 0 : i32
    %dma_wait3A_87 = arith.constant 0 : i32
    %dma_wait3A_88 = tpu.memref_slice %arg2[%dma_wait3A_86, %dma_wait3A_87] : memref<16384x80xf32, #tpu.memory_space<hbm>> -> memref<16384x80xf32, #tpu.memory_space<hbm>>
    tpu.wait_indirect_dma semaphore(%arg7 : memref<!tpu.dma_semaphore, #tpu.memory_space<semaphore_mem>>) src(%dma_wait3A_88 : memref<16384x80xf32, #tpu.memory_space<hbm>>) dst(%dma_wait3A_83 : memref<128x80xf32, #tpu.memory_space<vmem>>)
    %dma_wait3A_89 = arith.constant 384 : i32
    %dma_wait3A_90 = arith.constant 0 : i32
    %dma_wait3A_91 = tpu.memref_slice %arg6[%dma_wait3A_89, %dma_wait3A_90] : memref<1024x80xf32, #tpu.memory_space<vmem>> -> memref<128x80xf32, #tpu.memory_space<vmem>>
    %dma_wait3A_92 = arith.constant 384 : i32
    %dma_wait3A_93 = tpu.memref_slice %arg5[%dma_wait3A_92] : memref<1024xi32, #tpu.memory_space<vmem>> -> memref<128xi32, #tpu.memory_space<vmem>>
    %dma_wait3A_94 = arith.constant 0 : i32
    %dma_wait3A_95 = arith.constant 0 : i32
    %dma_wait3A_96 = tpu.memref_slice %arg2[%dma_wait3A_94, %dma_wait3A_95] : memref<16384x80xf32, #tpu.memory_space<hbm>> -> memref<16384x80xf32, #tpu.memory_space<hbm>>
    tpu.wait_indirect_dma semaphore(%arg7 : memref<!tpu.dma_semaphore, #tpu.memory_space<semaphore_mem>>) src(%dma_wait3A_96 : memref<16384x80xf32, #tpu.memory_space<hbm>>) dst(%dma_wait3A_91 : memref<128x80xf32, #tpu.memory_space<vmem>>)
    %dma_wait3A_97 = arith.constant 512 : i32
    %dma_wait3A_98 = arith.constant 0 : i32
    %dma_wait3A_99 = tpu.memref_slice %arg6[%dma_wait3A_97, %dma_wait3A_98] : memref<1024x80xf32, #tpu.memory_space<vmem>> -> memref<128x80xf32, #tpu.memory_space<vmem>>
    %dma_wait3A_100 = arith.constant 512 : i32
    %dma_wait3A_101 = tpu.memref_slice %arg5[%dma_wait3A_100] : memref<1024xi32, #tpu.memory_space<vmem>> -> memref<128xi32, #tpu.memory_space<vmem>>
    %dma_wait3A_102 = arith.constant 0 : i32
    %dma_wait3A_103 = arith.constant 0 : i32
    %dma_wait3A_104 = tpu.memref_slice %arg2[%dma_wait3A_102, %dma_wait3A_103] : memref<16384x80xf32, #tpu.memory_space<hbm>> -> memref<16384x80xf32, #tpu.memory_space<hbm>>
    tpu.wait_indirect_dma semaphore(%arg7 : memref<!tpu.dma_semaphore, #tpu.memory_space<semaphore_mem>>) src(%dma_wait3A_104 : memref<16384x80xf32, #tpu.memory_space<hbm>>) dst(%dma_wait3A_99 : memref<128x80xf32, #tpu.memory_space<vmem>>)
    %dma_wait3A_105 = arith.constant 640 : i32
    %dma_wait3A_106 = arith.constant 0 : i32
    %dma_wait3A_107 = tpu.memref_slice %arg6[%dma_wait3A_105, %dma_wait3A_106] : memref<1024x80xf32, #tpu.memory_space<vmem>> -> memref<128x80xf32, #tpu.memory_space<vmem>>
    %dma_wait3A_108 = arith.constant 640 : i32
    %dma_wait3A_109 = tpu.memref_slice %arg5[%dma_wait3A_108] : memref<1024xi32, #tpu.memory_space<vmem>> -> memref<128xi32, #tpu.memory_space<vmem>>
    %dma_wait3A_110 = arith.constant 0 : i32
    %dma_wait3A_111 = arith.constant 0 : i32
    %dma_wait3A_112 = tpu.memref_slice %arg2[%dma_wait3A_110, %dma_wait3A_111] : memref<16384x80xf32, #tpu.memory_space<hbm>> -> memref<16384x80xf32, #tpu.memory_space<hbm>>
    tpu.wait_indirect_dma semaphore(%arg7 : memref<!tpu.dma_semaphore, #tpu.memory_space<semaphore_mem>>) src(%dma_wait3A_112 : memref<16384x80xf32, #tpu.memory_space<hbm>>) dst(%dma_wait3A_107 : memref<128x80xf32, #tpu.memory_space<vmem>>)
    %dma_wait3A_113 = arith.constant 768 : i32
    %dma_wait3A_114 = arith.constant 0 : i32
    %dma_wait3A_115 = tpu.memref_slice %arg6[%dma_wait3A_113, %dma_wait3A_114] : memref<1024x80xf32, #tpu.memory_space<vmem>> -> memref<128x80xf32, #tpu.memory_space<vmem>>
    %dma_wait3A_116 = arith.constant 768 : i32
    %dma_wait3A_117 = tpu.memref_slice %arg5[%dma_wait3A_116] : memref<1024xi32, #tpu.memory_space<vmem>> -> memref<128xi32, #tpu.memory_space<vmem>>
    %dma_wait3A_118 = arith.constant 0 : i32
    %dma_wait3A_119 = arith.constant 0 : i32
    %dma_wait3A_120 = tpu.memref_slice %arg2[%dma_wait3A_118, %dma_wait3A_119] : memref<16384x80xf32, #tpu.memory_space<hbm>> -> memref<16384x80xf32, #tpu.memory_space<hbm>>
    tpu.wait_indirect_dma semaphore(%arg7 : memref<!tpu.dma_semaphore, #tpu.memory_space<semaphore_mem>>) src(%dma_wait3A_120 : memref<16384x80xf32, #tpu.memory_space<hbm>>) dst(%dma_wait3A_115 : memref<128x80xf32, #tpu.memory_space<vmem>>)
    %dma_wait3A_121 = arith.constant 896 : i32
    %dma_wait3A_122 = arith.constant 0 : i32
    %dma_wait3A_123 = tpu.memref_slice %arg6[%dma_wait3A_121, %dma_wait3A_122] : memref<1024x80xf32, #tpu.memory_space<vmem>> -> memref<128x80xf32, #tpu.memory_space<vmem>>
    %dma_wait3A_124 = arith.constant 896 : i32
    %dma_wait3A_125 = tpu.memref_slice %arg5[%dma_wait3A_124] : memref<1024xi32, #tpu.memory_space<vmem>> -> memref<128xi32, #tpu.memory_space<vmem>>
    %dma_wait3A_126 = arith.constant 0 : i32
    %dma_wait3A_127 = arith.constant 0 : i32
    %dma_wait3A_128 = tpu.memref_slice %arg2[%dma_wait3A_126, %dma_wait3A_127] : memref<16384x80xf32, #tpu.memory_space<hbm>> -> memref<16384x80xf32, #tpu.memory_space<hbm>>
    tpu.wait_indirect_dma semaphore(%arg7 : memref<!tpu.dma_semaphore, #tpu.memory_space<semaphore_mem>>) src(%dma_wait3A_128 : memref<16384x80xf32, #tpu.memory_space<hbm>>) dst(%dma_wait3A_123 : memref<128x80xf32, #tpu.memory_space<vmem>>)
    "tpu.region"() ({
      %run_scoped3A = tpu.sem_alloc : memref<!tpu.dma_semaphore, #tpu.memory_space<semaphore_mem>>
      %dma_start3A_129 = arith.constant 0 : i32
      %dma_start3A_130 = tpu.memref_slice %arg4[%mul3A_2, %dma_start3A_129] : memref<32768x80xf32, #tpu.memory_space<hbm>> -> memref<1024x80xf32, #tpu.memory_space<hbm>>
      %dma_start3A_131 = arith.constant 0 : i32
      %dma_start3A_132 = tpu.memref_slice %arg4[%mul3A_2, %dma_start3A_131] : memref<32768x80xf32, #tpu.memory_space<hbm>> -> memref<1024x80xf32, #tpu.memory_space<hbm>>
      tpu.enqueue_dma source(%arg6 : memref<1024x80xf32, #tpu.memory_space<vmem>>) target(%dma_start3A_132 : memref<1024x80xf32, #tpu.memory_space<hbm>>) target_semaphore(%run_scoped3A : memref<!tpu.dma_semaphore, #tpu.memory_space<semaphore_mem>>)
      %dma_wait3A_133 = arith.constant 0 : i32
      %dma_wait3A_134 = tpu.memref_slice %arg4[%mul3A_2, %dma_wait3A_133] : memref<32768x80xf32, #tpu.memory_space<hbm>> -> memref<1024x80xf32, #tpu.memory_space<hbm>>
      %dma_wait3A_135 = arith.constant 0 : i32
      %dma_wait3A_136 = tpu.memref_slice %arg4[%mul3A_2, %dma_wait3A_135] : memref<32768x80xf32, #tpu.memory_space<hbm>> -> memref<1024x80xf32, #tpu.memory_space<hbm>>
      tpu.wait_dma2 semaphore(%run_scoped3A : memref<!tpu.dma_semaphore, #tpu.memory_space<semaphore_mem>>) src(%arg6 : memref<1024x80xf32, #tpu.memory_space<vmem>>) dst(%dma_wait3A_136 : memref<1024x80xf32, #tpu.memory_space<hbm>>)
      tpu.yield
    }) : () -> ()
    return
  }
}

module attributes {stable_mosaic.version = 14 : i64} {
  func.func @_dist_body(%arg0: i32, %arg1: i32, %arg2: memref<1x512x3xf32, #tpu.memory_space<vmem>>, %arg3: memref<1x3x8192xf32, #tpu.memory_space<vmem>>, %arg4: memref<512x16xi32, #tpu.memory_space<vmem>>, %arg5: memref<512x128xf32, #tpu.memory_space<vmem>>) attributes {dimension_semantics = [#tpu.dimension_semantics<arbitrary>, #tpu.dimension_semantics<arbitrary>], iteration_bounds = array<i64: 2, 2>, scalar_prefetch = 0 : i64, scratch_operands = 1 : i64, tpu.core_type = #tpu.core_type<tc>, window_params = [{transform_indices = @transform_0, window_bounds = array<i64: 1, 512, 3>}, {transform_indices = @transform_1, window_bounds = array<i64: 1, 3, 8192>}, {transform_indices = @transform_2, window_bounds = array<i64: 512, 16>}]} {
    %get3A = arith.constant 0 : index
    %get3A_0 = arith.constant 0 : index
    %get3A_1 = arith.constant 0 : index
    %get3A_2 = vector.load %arg2[%get3A, %get3A_0, %get3A_1] : memref<1x512x3xf32, #tpu.memory_space<vmem>>, vector<1x512x3xf32>
    %get3A_3 = vector.shape_cast %get3A_2 : vector<1x512x3xf32> to vector<512x3xf32>
    %get3A_4 = arith.constant 0 : index
    %get3A_5 = arith.constant 0 : index
    %get3A_6 = arith.constant 0 : index
    %get3A_7 = vector.load %arg3[%get3A_4, %get3A_5, %get3A_6] : memref<1x3x8192xf32, #tpu.memory_space<vmem>>, vector<1x3x8192xf32>
    %get3A_8 = vector.shape_cast %get3A_7 : vector<1x3x8192xf32> to vector<3x8192xf32>
    %slice3A = vector.extract_strided_slice %get3A_3 {offsets = [0, 0], sizes = [512, 1], strides = [1, 1]} : vector<512x3xf32> to vector<512x1xf32>
    %slice3A_9 = vector.extract_strided_slice %get3A_3 {offsets = [0, 1], sizes = [512, 1], strides = [1, 1]} : vector<512x3xf32> to vector<512x1xf32>
    %slice3A_10 = vector.extract_strided_slice %get3A_3 {offsets = [0, 2], sizes = [512, 1], strides = [1, 1]} : vector<512x3xf32> to vector<512x1xf32>
    %slice3A_11 = vector.extract_strided_slice %get3A_8 {offsets = [0, 0], sizes = [1, 8192], strides = [1, 1]} : vector<3x8192xf32> to vector<1x8192xf32>
    %sub3A = vector.broadcast %slice3A_11 : vector<1x8192xf32> to vector<512x8192xf32>
    %sub3A_12 = vector.broadcast %slice3A : vector<512x1xf32> to vector<512x8192xf32>
    %sub3A_13 = arith.subf %sub3A, %sub3A_12 : vector<512x8192xf32>
    %slice3A_14 = vector.extract_strided_slice %get3A_8 {offsets = [1, 0], sizes = [1, 8192], strides = [1, 1]} : vector<3x8192xf32> to vector<1x8192xf32>
    %sub3A_15 = vector.broadcast %slice3A_14 : vector<1x8192xf32> to vector<512x8192xf32>
    %sub3A_16 = vector.broadcast %slice3A_9 : vector<512x1xf32> to vector<512x8192xf32>
    %sub3A_17 = arith.subf %sub3A_15, %sub3A_16 : vector<512x8192xf32>
    %slice3A_18 = vector.extract_strided_slice %get3A_8 {offsets = [2, 0], sizes = [1, 8192], strides = [1, 1]} : vector<3x8192xf32> to vector<1x8192xf32>
    %sub3A_19 = vector.broadcast %slice3A_18 : vector<1x8192xf32> to vector<512x8192xf32>
    %sub3A_20 = vector.broadcast %slice3A_10 : vector<512x1xf32> to vector<512x8192xf32>
    %sub3A_21 = arith.subf %sub3A_19, %sub3A_20 : vector<512x8192xf32>
    %mul3A = arith.mulf %sub3A_13, %sub3A_13 : vector<512x8192xf32>
    %mul3A_22 = arith.mulf %sub3A_17, %sub3A_17 : vector<512x8192xf32>
    %add3A = arith.addf %mul3A, %mul3A_22 : vector<512x8192xf32>
    %mul3A_23 = arith.mulf %sub3A_21, %sub3A_21 : vector<512x8192xf32>
    %add3A_24 = arith.addf %add3A, %mul3A_23 : vector<512x8192xf32>
    %reshape3A = vector.shape_cast %add3A_24 : vector<512x8192xf32> to vector<512x64x128xf32>
    %reduce_min3A = arith.constant dense<0x7F800000> : vector<512x128xf32>
    %reduce_min3A_25 = vector.multi_reduction <minimumf>, %reshape3A, %reduce_min3A [1] : vector<512x64x128xf32> to vector<512x128xf32>
    %swap3A = arith.constant 0 : index
    %swap3A_26 = arith.constant 0 : index
    %swap3A_27 = vector.load %arg5[%swap3A, %swap3A_26] : memref<512x128xf32, #tpu.memory_space<vmem>>, vector<512x128xf32>
    tpu.vector_store %arg5[%swap3A, %swap3A_26], %reduce_min3A_25 {strides = array<i32>} : memref<512x128xf32, #tpu.memory_space<vmem>>, vector<512x128xf32>,
    %iota3A = tpu.iota {dimensions = array<i32: 1>} : vector<512x128xi32>
    %get3A_28 = arith.constant 0 : index
    %get3A_29 = arith.constant 0 : index
    %get3A_30 = vector.load %arg5[%get3A_28, %get3A_29] : memref<512x128xf32, #tpu.memory_space<vmem>>, vector<512x128xf32>
    %reduce_min3A_31 = arith.constant dense<0x7F800000> : vector<512xf32>
    %reduce_min3A_32 = vector.multi_reduction <minimumf>, %get3A_30, %reduce_min3A_31 [1] : vector<512x128xf32> to vector<512xf32>
    %broadcast_in_dim3A = vector.shape_cast %reduce_min3A_32 : vector<512xf32> to vector<512x1xf32>
    %le3A = vector.broadcast %broadcast_in_dim3A : vector<512x1xf32> to vector<512x128xf32>
    %le3A_33 = arith.cmpf ole, %get3A_30, %le3A : vector<512x128xf32>
    %jit3A = arith.constant 128 : i32
    %broadcast_in_dim3A_34 = vector.broadcast %jit3A : i32 to vector<512x128xi32>
    %select_n3A = arith.select %le3A_33, %iota3A, %broadcast_in_dim3A_34 : vector<512x128xi1>, vector<512x128xi32>
    %reduce_min3A_35 = arith.constant dense<2147483647> : vector<512xi32>
    %reduce_min3A_36 = vector.multi_reduction <minsi>, %select_n3A, %reduce_min3A_35 [1] : vector<512x128xi32> to vector<512xi32>
    %broadcast_in_dim3A_37 = vector.shape_cast %reduce_min3A_36 : vector<512xi32> to vector<512x1xi32>
    %mul3A_38 = arith.constant 128 : i32
    %mul3A_39 = arith.muli %arg0, %mul3A_38 : i32
    %add3A_40 = vector.broadcast %mul3A_39 : i32 to vector<512x1xi32>
    %add3A_41 = arith.addi %broadcast_in_dim3A_37, %add3A_40 : vector<512x1xi32>
    %swap3A_42 = arith.constant 0 : index
    %swap3A_43 = arith.constant 0 : index
    %swap3A_44 = vector.load %arg4[%swap3A_42, %swap3A_43] : memref<512x16xi32, #tpu.memory_space<vmem>>, vector<512x1xi32>
    tpu.vector_store %arg4[%swap3A_42, %swap3A_43], %add3A_41 {strides = array<i32>} : memref<512x16xi32, #tpu.memory_space<vmem>>, vector<512x1xi32>,
    %eq3A = vector.broadcast %broadcast_in_dim3A_37 : vector<512x1xi32> to vector<512x128xi32>
    %eq3A_45 = arith.cmpi eq, %select_n3A, %eq3A : vector<512x128xi32>
    %jit3A_46 = arith.constant 0x7F800000 : f32
    %broadcast_in_dim3A_47 = vector.broadcast %jit3A_46 : f32 to vector<512x128xf32>
    %select_n3A_48 = arith.select %eq3A_45, %broadcast_in_dim3A_47, %get3A_30 : vector<512x128xi1>, vector<512x128xf32>
    %swap3A_49 = arith.constant 0 : index
    %swap3A_50 = arith.constant 0 : index
    %swap3A_51 = vector.load %arg5[%swap3A_49, %swap3A_50] : memref<512x128xf32, #tpu.memory_space<vmem>>, vector<512x128xf32>
    tpu.vector_store %arg5[%swap3A_49, %swap3A_50], %select_n3A_48 {strides = array<i32>} : memref<512x128xf32, #tpu.memory_space<vmem>>, vector<512x128xf32>,
    %get3A_52 = arith.constant 0 : index
    %get3A_53 = arith.constant 0 : index
    %get3A_54 = vector.load %arg5[%get3A_52, %get3A_53] : memref<512x128xf32, #tpu.memory_space<vmem>>, vector<512x128xf32>
    %reduce_min3A_55 = arith.constant dense<0x7F800000> : vector<512xf32>
    %reduce_min3A_56 = vector.multi_reduction <minimumf>, %get3A_54, %reduce_min3A_55 [1] : vector<512x128xf32> to vector<512xf32>
    %broadcast_in_dim3A_57 = vector.shape_cast %reduce_min3A_56 : vector<512xf32> to vector<512x1xf32>
    %le3A_58 = vector.broadcast %broadcast_in_dim3A_57 : vector<512x1xf32> to vector<512x128xf32>
    %le3A_59 = arith.cmpf ole, %get3A_54, %le3A_58 : vector<512x128xf32>
    %jit3A_60 = arith.constant 128 : i32
    %broadcast_in_dim3A_61 = vector.broadcast %jit3A_60 : i32 to vector<512x128xi32>
    %select_n3A_62 = arith.select %le3A_59, %iota3A, %broadcast_in_dim3A_61 : vector<512x128xi1>, vector<512x128xi32>
    %reduce_min3A_63 = arith.constant dense<2147483647> : vector<512xi32>
    %reduce_min3A_64 = vector.multi_reduction <minsi>, %select_n3A_62, %reduce_min3A_63 [1] : vector<512x128xi32> to vector<512xi32>
    %broadcast_in_dim3A_65 = vector.shape_cast %reduce_min3A_64 : vector<512xi32> to vector<512x1xi32>
    %mul3A_66 = arith.constant 128 : i32
    %mul3A_67 = arith.muli %arg0, %mul3A_66 : i32
    %add3A_68 = vector.broadcast %mul3A_67 : i32 to vector<512x1xi32>
    %add3A_69 = arith.addi %broadcast_in_dim3A_65, %add3A_68 : vector<512x1xi32>
    %swap3A_70 = arith.constant 0 : index
    %swap3A_71 = arith.constant 1 : index
    %swap3A_72 = vector.load %arg4[%swap3A_70, %swap3A_71] : memref<512x16xi32, #tpu.memory_space<vmem>>, vector<512x1xi32>
    tpu.vector_store %arg4[%swap3A_70, %swap3A_71], %add3A_69 {strides = array<i32>} : memref<512x16xi32, #tpu.memory_space<vmem>>, vector<512x1xi32>,
    %eq3A_73 = vector.broadcast %broadcast_in_dim3A_65 : vector<512x1xi32> to vector<512x128xi32>
    %eq3A_74 = arith.cmpi eq, %select_n3A_62, %eq3A_73 : vector<512x128xi32>
    %jit3A_75 = arith.constant 0x7F800000 : f32
    %broadcast_in_dim3A_76 = vector.broadcast %jit3A_75 : f32 to vector<512x128xf32>
    %select_n3A_77 = arith.select %eq3A_74, %broadcast_in_dim3A_76, %get3A_54 : vector<512x128xi1>, vector<512x128xf32>
    %swap3A_78 = arith.constant 0 : index
    %swap3A_79 = arith.constant 0 : index
    %swap3A_80 = vector.load %arg5[%swap3A_78, %swap3A_79] : memref<512x128xf32, #tpu.memory_space<vmem>>, vector<512x128xf32>
    tpu.vector_store %arg5[%swap3A_78, %swap3A_79], %select_n3A_77 {strides = array<i32>} : memref<512x128xf32, #tpu.memory_space<vmem>>, vector<512x128xf32>,
    %get3A_81 = arith.constant 0 : index
    %get3A_82 = arith.constant 0 : index
    %get3A_83 = vector.load %arg5[%get3A_81, %get3A_82] : memref<512x128xf32, #tpu.memory_space<vmem>>, vector<512x128xf32>
    %reduce_min3A_84 = arith.constant dense<0x7F800000> : vector<512xf32>
    %reduce_min3A_85 = vector.multi_reduction <minimumf>, %get3A_83, %reduce_min3A_84 [1] : vector<512x128xf32> to vector<512xf32>
    %broadcast_in_dim3A_86 = vector.shape_cast %reduce_min3A_85 : vector<512xf32> to vector<512x1xf32>
    %le3A_87 = vector.broadcast %broadcast_in_dim3A_86 : vector<512x1xf32> to vector<512x128xf32>
    %le3A_88 = arith.cmpf ole, %get3A_83, %le3A_87 : vector<512x128xf32>
    %jit3A_89 = arith.constant 128 : i32
    %broadcast_in_dim3A_90 = vector.broadcast %jit3A_89 : i32 to vector<512x128xi32>
    %select_n3A_91 = arith.select %le3A_88, %iota3A, %broadcast_in_dim3A_90 : vector<512x128xi1>, vector<512x128xi32>
    %reduce_min3A_92 = arith.constant dense<2147483647> : vector<512xi32>
    %reduce_min3A_93 = vector.multi_reduction <minsi>, %select_n3A_91, %reduce_min3A_92 [1] : vector<512x128xi32> to vector<512xi32>
    %broadcast_in_dim3A_94 = vector.shape_cast %reduce_min3A_93 : vector<512xi32> to vector<512x1xi32>
    %mul3A_95 = arith.constant 128 : i32
    %mul3A_96 = arith.muli %arg0, %mul3A_95 : i32
    %add3A_97 = vector.broadcast %mul3A_96 : i32 to vector<512x1xi32>
    %add3A_98 = arith.addi %broadcast_in_dim3A_94, %add3A_97 : vector<512x1xi32>
    %swap3A_99 = arith.constant 0 : index
    %swap3A_100 = arith.constant 2 : index
    %swap3A_101 = vector.load %arg4[%swap3A_99, %swap3A_100] : memref<512x16xi32, #tpu.memory_space<vmem>>, vector<512x1xi32>
    tpu.vector_store %arg4[%swap3A_99, %swap3A_100], %add3A_98 {strides = array<i32>} : memref<512x16xi32, #tpu.memory_space<vmem>>, vector<512x1xi32>,
    %eq3A_102 = vector.broadcast %broadcast_in_dim3A_94 : vector<512x1xi32> to vector<512x128xi32>
    %eq3A_103 = arith.cmpi eq, %select_n3A_91, %eq3A_102 : vector<512x128xi32>
    %jit3A_104 = arith.constant 0x7F800000 : f32
    %broadcast_in_dim3A_105 = vector.broadcast %jit3A_104 : f32 to vector<512x128xf32>
    %select_n3A_106 = arith.select %eq3A_103, %broadcast_in_dim3A_105, %get3A_83 : vector<512x128xi1>, vector<512x128xf32>
    %swap3A_107 = arith.constant 0 : index
    %swap3A_108 = arith.constant 0 : index
    %swap3A_109 = vector.load %arg5[%swap3A_107, %swap3A_108] : memref<512x128xf32, #tpu.memory_space<vmem>>, vector<512x128xf32>
    tpu.vector_store %arg5[%swap3A_107, %swap3A_108], %select_n3A_106 {strides = array<i32>} : memref<512x128xf32, #tpu.memory_space<vmem>>, vector<512x128xf32>,
    %get3A_110 = arith.constant 0 : index
    %get3A_111 = arith.constant 0 : index
    %get3A_112 = vector.load %arg5[%get3A_110, %get3A_111] : memref<512x128xf32, #tpu.memory_space<vmem>>, vector<512x128xf32>
    %reduce_min3A_113 = arith.constant dense<0x7F800000> : vector<512xf32>
    %reduce_min3A_114 = vector.multi_reduction <minimumf>, %get3A_112, %reduce_min3A_113 [1] : vector<512x128xf32> to vector<512xf32>
    %broadcast_in_dim3A_115 = vector.shape_cast %reduce_min3A_114 : vector<512xf32> to vector<512x1xf32>
    %le3A_116 = vector.broadcast %broadcast_in_dim3A_115 : vector<512x1xf32> to vector<512x128xf32>
    %le3A_117 = arith.cmpf ole, %get3A_112, %le3A_116 : vector<512x128xf32>
    %jit3A_118 = arith.constant 128 : i32
    %broadcast_in_dim3A_119 = vector.broadcast %jit3A_118 : i32 to vector<512x128xi32>
    %select_n3A_120 = arith.select %le3A_117, %iota3A, %broadcast_in_dim3A_119 : vector<512x128xi1>, vector<512x128xi32>
    %reduce_min3A_121 = arith.constant dense<2147483647> : vector<512xi32>
    %reduce_min3A_122 = vector.multi_reduction <minsi>, %select_n3A_120, %reduce_min3A_121 [1] : vector<512x128xi32> to vector<512xi32>
    %broadcast_in_dim3A_123 = vector.shape_cast %reduce_min3A_122 : vector<512xi32> to vector<512x1xi32>
    %mul3A_124 = arith.constant 128 : i32
    %mul3A_125 = arith.muli %arg0, %mul3A_124 : i32
    %add3A_126 = vector.broadcast %mul3A_125 : i32 to vector<512x1xi32>
    %add3A_127 = arith.addi %broadcast_in_dim3A_123, %add3A_126 : vector<512x1xi32>
    %swap3A_128 = arith.constant 0 : index
    %swap3A_129 = arith.constant 3 : index
    %swap3A_130 = vector.load %arg4[%swap3A_128, %swap3A_129] : memref<512x16xi32, #tpu.memory_space<vmem>>, vector<512x1xi32>
    tpu.vector_store %arg4[%swap3A_128, %swap3A_129], %add3A_127 {strides = array<i32>} : memref<512x16xi32, #tpu.memory_space<vmem>>, vector<512x1xi32>,
    %eq3A_131 = vector.broadcast %broadcast_in_dim3A_123 : vector<512x1xi32> to vector<512x128xi32>
    %eq3A_132 = arith.cmpi eq, %select_n3A_120, %eq3A_131 : vector<512x128xi32>
    %jit3A_133 = arith.constant 0x7F800000 : f32
    %broadcast_in_dim3A_134 = vector.broadcast %jit3A_133 : f32 to vector<512x128xf32>
    %select_n3A_135 = arith.select %eq3A_132, %broadcast_in_dim3A_134, %get3A_112 : vector<512x128xi1>, vector<512x128xf32>
    %swap3A_136 = arith.constant 0 : index
    %swap3A_137 = arith.constant 0 : index
    %swap3A_138 = vector.load %arg5[%swap3A_136, %swap3A_137] : memref<512x128xf32, #tpu.memory_space<vmem>>, vector<512x128xf32>
    tpu.vector_store %arg5[%swap3A_136, %swap3A_137], %select_n3A_135 {strides = array<i32>} : memref<512x128xf32, #tpu.memory_space<vmem>>, vector<512x128xf32>,
    %get3A_139 = arith.constant 0 : index
    %get3A_140 = arith.constant 0 : index
    %get3A_141 = vector.load %arg5[%get3A_139, %get3A_140] : memref<512x128xf32, #tpu.memory_space<vmem>>, vector<512x128xf32>
    %reduce_min3A_142 = arith.constant dense<0x7F800000> : vector<512xf32>
    %reduce_min3A_143 = vector.multi_reduction <minimumf>, %get3A_141, %reduce_min3A_142 [1] : vector<512x128xf32> to vector<512xf32>
    %broadcast_in_dim3A_144 = vector.shape_cast %reduce_min3A_143 : vector<512xf32> to vector<512x1xf32>
    %le3A_145 = vector.broadcast %broadcast_in_dim3A_144 : vector<512x1xf32> to vector<512x128xf32>
    %le3A_146 = arith.cmpf ole, %get3A_141, %le3A_145 : vector<512x128xf32>
    %jit3A_147 = arith.constant 128 : i32
    %broadcast_in_dim3A_148 = vector.broadcast %jit3A_147 : i32 to vector<512x128xi32>
    %select_n3A_149 = arith.select %le3A_146, %iota3A, %broadcast_in_dim3A_148 : vector<512x128xi1>, vector<512x128xi32>
    %reduce_min3A_150 = arith.constant dense<2147483647> : vector<512xi32>
    %reduce_min3A_151 = vector.multi_reduction <minsi>, %select_n3A_149, %reduce_min3A_150 [1] : vector<512x128xi32> to vector<512xi32>
    %broadcast_in_dim3A_152 = vector.shape_cast %reduce_min3A_151 : vector<512xi32> to vector<512x1xi32>
    %mul3A_153 = arith.constant 128 : i32
    %mul3A_154 = arith.muli %arg0, %mul3A_153 : i32
    %add3A_155 = vector.broadcast %mul3A_154 : i32 to vector<512x1xi32>
    %add3A_156 = arith.addi %broadcast_in_dim3A_152, %add3A_155 : vector<512x1xi32>
    %swap3A_157 = arith.constant 0 : index
    %swap3A_158 = arith.constant 4 : index
    %swap3A_159 = vector.load %arg4[%swap3A_157, %swap3A_158] : memref<512x16xi32, #tpu.memory_space<vmem>>, vector<512x1xi32>
    tpu.vector_store %arg4[%swap3A_157, %swap3A_158], %add3A_156 {strides = array<i32>} : memref<512x16xi32, #tpu.memory_space<vmem>>, vector<512x1xi32>,
    %eq3A_160 = vector.broadcast %broadcast_in_dim3A_152 : vector<512x1xi32> to vector<512x128xi32>
    %eq3A_161 = arith.cmpi eq, %select_n3A_149, %eq3A_160 : vector<512x128xi32>
    %jit3A_162 = arith.constant 0x7F800000 : f32
    %broadcast_in_dim3A_163 = vector.broadcast %jit3A_162 : f32 to vector<512x128xf32>
    %select_n3A_164 = arith.select %eq3A_161, %broadcast_in_dim3A_163, %get3A_141 : vector<512x128xi1>, vector<512x128xf32>
    %swap3A_165 = arith.constant 0 : index
    %swap3A_166 = arith.constant 0 : index
    %swap3A_167 = vector.load %arg5[%swap3A_165, %swap3A_166] : memref<512x128xf32, #tpu.memory_space<vmem>>, vector<512x128xf32>
    tpu.vector_store %arg5[%swap3A_165, %swap3A_166], %select_n3A_164 {strides = array<i32>} : memref<512x128xf32, #tpu.memory_space<vmem>>, vector<512x128xf32>,
    %get3A_168 = arith.constant 0 : index
    %get3A_169 = arith.constant 0 : index
    %get3A_170 = vector.load %arg5[%get3A_168, %get3A_169] : memref<512x128xf32, #tpu.memory_space<vmem>>, vector<512x128xf32>
    %reduce_min3A_171 = arith.constant dense<0x7F800000> : vector<512xf32>
    %reduce_min3A_172 = vector.multi_reduction <minimumf>, %get3A_170, %reduce_min3A_171 [1] : vector<512x128xf32> to vector<512xf32>
    %broadcast_in_dim3A_173 = vector.shape_cast %reduce_min3A_172 : vector<512xf32> to vector<512x1xf32>
    %le3A_174 = vector.broadcast %broadcast_in_dim3A_173 : vector<512x1xf32> to vector<512x128xf32>
    %le3A_175 = arith.cmpf ole, %get3A_170, %le3A_174 : vector<512x128xf32>
    %jit3A_176 = arith.constant 128 : i32
    %broadcast_in_dim3A_177 = vector.broadcast %jit3A_176 : i32 to vector<512x128xi32>
    %select_n3A_178 = arith.select %le3A_175, %iota3A, %broadcast_in_dim3A_177 : vector<512x128xi1>, vector<512x128xi32>
    %reduce_min3A_179 = arith.constant dense<2147483647> : vector<512xi32>
    %reduce_min3A_180 = vector.multi_reduction <minsi>, %select_n3A_178, %reduce_min3A_179 [1] : vector<512x128xi32> to vector<512xi32>
    %broadcast_in_dim3A_181 = vector.shape_cast %reduce_min3A_180 : vector<512xi32> to vector<512x1xi32>
    %mul3A_182 = arith.constant 128 : i32
    %mul3A_183 = arith.muli %arg0, %mul3A_182 : i32
    %add3A_184 = vector.broadcast %mul3A_183 : i32 to vector<512x1xi32>
    %add3A_185 = arith.addi %broadcast_in_dim3A_181, %add3A_184 : vector<512x1xi32>
    %swap3A_186 = arith.constant 0 : index
    %swap3A_187 = arith.constant 5 : index
    %swap3A_188 = vector.load %arg4[%swap3A_186, %swap3A_187] : memref<512x16xi32, #tpu.memory_space<vmem>>, vector<512x1xi32>
    tpu.vector_store %arg4[%swap3A_186, %swap3A_187], %add3A_185 {strides = array<i32>} : memref<512x16xi32, #tpu.memory_space<vmem>>, vector<512x1xi32>,
    %eq3A_189 = vector.broadcast %broadcast_in_dim3A_181 : vector<512x1xi32> to vector<512x128xi32>
    %eq3A_190 = arith.cmpi eq, %select_n3A_178, %eq3A_189 : vector<512x128xi32>
    %jit3A_191 = arith.constant 0x7F800000 : f32
    %broadcast_in_dim3A_192 = vector.broadcast %jit3A_191 : f32 to vector<512x128xf32>
    %select_n3A_193 = arith.select %eq3A_190, %broadcast_in_dim3A_192, %get3A_170 : vector<512x128xi1>, vector<512x128xf32>
    %swap3A_194 = arith.constant 0 : index
    %swap3A_195 = arith.constant 0 : index
    %swap3A_196 = vector.load %arg5[%swap3A_194, %swap3A_195] : memref<512x128xf32, #tpu.memory_space<vmem>>, vector<512x128xf32>
    tpu.vector_store %arg5[%swap3A_194, %swap3A_195], %select_n3A_193 {strides = array<i32>} : memref<512x128xf32, #tpu.memory_space<vmem>>, vector<512x128xf32>,
    %get3A_197 = arith.constant 0 : index
    %get3A_198 = arith.constant 0 : index
    %get3A_199 = vector.load %arg5[%get3A_197, %get3A_198] : memref<512x128xf32, #tpu.memory_space<vmem>>, vector<512x128xf32>
    %reduce_min3A_200 = arith.constant dense<0x7F800000> : vector<512xf32>
    %reduce_min3A_201 = vector.multi_reduction <minimumf>, %get3A_199, %reduce_min3A_200 [1] : vector<512x128xf32> to vector<512xf32>
    %broadcast_in_dim3A_202 = vector.shape_cast %reduce_min3A_201 : vector<512xf32> to vector<512x1xf32>
    %le3A_203 = vector.broadcast %broadcast_in_dim3A_202 : vector<512x1xf32> to vector<512x128xf32>
    %le3A_204 = arith.cmpf ole, %get3A_199, %le3A_203 : vector<512x128xf32>
    %jit3A_205 = arith.constant 128 : i32
    %broadcast_in_dim3A_206 = vector.broadcast %jit3A_205 : i32 to vector<512x128xi32>
    %select_n3A_207 = arith.select %le3A_204, %iota3A, %broadcast_in_dim3A_206 : vector<512x128xi1>, vector<512x128xi32>
    %reduce_min3A_208 = arith.constant dense<2147483647> : vector<512xi32>
    %reduce_min3A_209 = vector.multi_reduction <minsi>, %select_n3A_207, %reduce_min3A_208 [1] : vector<512x128xi32> to vector<512xi32>
    %broadcast_in_dim3A_210 = vector.shape_cast %reduce_min3A_209 : vector<512xi32> to vector<512x1xi32>
    %mul3A_211 = arith.constant 128 : i32
    %mul3A_212 = arith.muli %arg0, %mul3A_211 : i32
    %add3A_213 = vector.broadcast %mul3A_212 : i32 to vector<512x1xi32>
    %add3A_214 = arith.addi %broadcast_in_dim3A_210, %add3A_213 : vector<512x1xi32>
    %swap3A_215 = arith.constant 0 : index
    %swap3A_216 = arith.constant 6 : index
    %swap3A_217 = vector.load %arg4[%swap3A_215, %swap3A_216] : memref<512x16xi32, #tpu.memory_space<vmem>>, vector<512x1xi32>
    tpu.vector_store %arg4[%swap3A_215, %swap3A_216], %add3A_214 {strides = array<i32>} : memref<512x16xi32, #tpu.memory_space<vmem>>, vector<512x1xi32>,
    %eq3A_218 = vector.broadcast %broadcast_in_dim3A_210 : vector<512x1xi32> to vector<512x128xi32>
    %eq3A_219 = arith.cmpi eq, %select_n3A_207, %eq3A_218 : vector<512x128xi32>
    %jit3A_220 = arith.constant 0x7F800000 : f32
    %broadcast_in_dim3A_221 = vector.broadcast %jit3A_220 : f32 to vector<512x128xf32>
    %select_n3A_222 = arith.select %eq3A_219, %broadcast_in_dim3A_221, %get3A_199 : vector<512x128xi1>, vector<512x128xf32>
    %swap3A_223 = arith.constant 0 : index
    %swap3A_224 = arith.constant 0 : index
    %swap3A_225 = vector.load %arg5[%swap3A_223, %swap3A_224] : memref<512x128xf32, #tpu.memory_space<vmem>>, vector<512x128xf32>
    tpu.vector_store %arg5[%swap3A_223, %swap3A_224], %select_n3A_222 {strides = array<i32>} : memref<512x128xf32, #tpu.memory_space<vmem>>, vector<512x128xf32>,
    %get3A_226 = arith.constant 0 : index
    %get3A_227 = arith.constant 0 : index
    %get3A_228 = vector.load %arg5[%get3A_226, %get3A_227] : memref<512x128xf32, #tpu.memory_space<vmem>>, vector<512x128xf32>
    %reduce_min3A_229 = arith.constant dense<0x7F800000> : vector<512xf32>
    %reduce_min3A_230 = vector.multi_reduction <minimumf>, %get3A_228, %reduce_min3A_229 [1] : vector<512x128xf32> to vector<512xf32>
    %broadcast_in_dim3A_231 = vector.shape_cast %reduce_min3A_230 : vector<512xf32> to vector<512x1xf32>
    %le3A_232 = vector.broadcast %broadcast_in_dim3A_231 : vector<512x1xf32> to vector<512x128xf32>
    %le3A_233 = arith.cmpf ole, %get3A_228, %le3A_232 : vector<512x128xf32>
    %jit3A_234 = arith.constant 128 : i32
    %broadcast_in_dim3A_235 = vector.broadcast %jit3A_234 : i32 to vector<512x128xi32>
    %select_n3A_236 = arith.select %le3A_233, %iota3A, %broadcast_in_dim3A_235 : vector<512x128xi1>, vector<512x128xi32>
    %reduce_min3A_237 = arith.constant dense<2147483647> : vector<512xi32>
    %reduce_min3A_238 = vector.multi_reduction <minsi>, %select_n3A_236, %reduce_min3A_237 [1] : vector<512x128xi32> to vector<512xi32>
    %broadcast_in_dim3A_239 = vector.shape_cast %reduce_min3A_238 : vector<512xi32> to vector<512x1xi32>
    %mul3A_240 = arith.constant 128 : i32
    %mul3A_241 = arith.muli %arg0, %mul3A_240 : i32
    %add3A_242 = vector.broadcast %mul3A_241 : i32 to vector<512x1xi32>
    %add3A_243 = arith.addi %broadcast_in_dim3A_239, %add3A_242 : vector<512x1xi32>
    %swap3A_244 = arith.constant 0 : index
    %swap3A_245 = arith.constant 7 : index
    %swap3A_246 = vector.load %arg4[%swap3A_244, %swap3A_245] : memref<512x16xi32, #tpu.memory_space<vmem>>, vector<512x1xi32>
    tpu.vector_store %arg4[%swap3A_244, %swap3A_245], %add3A_243 {strides = array<i32>} : memref<512x16xi32, #tpu.memory_space<vmem>>, vector<512x1xi32>,
    %eq3A_247 = vector.broadcast %broadcast_in_dim3A_239 : vector<512x1xi32> to vector<512x128xi32>
    %eq3A_248 = arith.cmpi eq, %select_n3A_236, %eq3A_247 : vector<512x128xi32>
    %jit3A_249 = arith.constant 0x7F800000 : f32
    %broadcast_in_dim3A_250 = vector.broadcast %jit3A_249 : f32 to vector<512x128xf32>
    %select_n3A_251 = arith.select %eq3A_248, %broadcast_in_dim3A_250, %get3A_228 : vector<512x128xi1>, vector<512x128xf32>
    %swap3A_252 = arith.constant 0 : index
    %swap3A_253 = arith.constant 0 : index
    %swap3A_254 = vector.load %arg5[%swap3A_252, %swap3A_253] : memref<512x128xf32, #tpu.memory_space<vmem>>, vector<512x128xf32>
    tpu.vector_store %arg5[%swap3A_252, %swap3A_253], %select_n3A_251 {strides = array<i32>} : memref<512x128xf32, #tpu.memory_space<vmem>>, vector<512x128xf32>,
    %get3A_255 = arith.constant 0 : index
    %get3A_256 = arith.constant 0 : index
    %get3A_257 = vector.load %arg5[%get3A_255, %get3A_256] : memref<512x128xf32, #tpu.memory_space<vmem>>, vector<512x128xf32>
    %reduce_min3A_258 = arith.constant dense<0x7F800000> : vector<512xf32>
    %reduce_min3A_259 = vector.multi_reduction <minimumf>, %get3A_257, %reduce_min3A_258 [1] : vector<512x128xf32> to vector<512xf32>
    %broadcast_in_dim3A_260 = vector.shape_cast %reduce_min3A_259 : vector<512xf32> to vector<512x1xf32>
    %le3A_261 = vector.broadcast %broadcast_in_dim3A_260 : vector<512x1xf32> to vector<512x128xf32>
    %le3A_262 = arith.cmpf ole, %get3A_257, %le3A_261 : vector<512x128xf32>
    %jit3A_263 = arith.constant 128 : i32
    %broadcast_in_dim3A_264 = vector.broadcast %jit3A_263 : i32 to vector<512x128xi32>
    %select_n3A_265 = arith.select %le3A_262, %iota3A, %broadcast_in_dim3A_264 : vector<512x128xi1>, vector<512x128xi32>
    %reduce_min3A_266 = arith.constant dense<2147483647> : vector<512xi32>
    %reduce_min3A_267 = vector.multi_reduction <minsi>, %select_n3A_265, %reduce_min3A_266 [1] : vector<512x128xi32> to vector<512xi32>
    %broadcast_in_dim3A_268 = vector.shape_cast %reduce_min3A_267 : vector<512xi32> to vector<512x1xi32>
    %mul3A_269 = arith.constant 128 : i32
    %mul3A_270 = arith.muli %arg0, %mul3A_269 : i32
    %add3A_271 = vector.broadcast %mul3A_270 : i32 to vector<512x1xi32>
    %add3A_272 = arith.addi %broadcast_in_dim3A_268, %add3A_271 : vector<512x1xi32>
    %swap3A_273 = arith.constant 0 : index
    %swap3A_274 = arith.constant 8 : index
    %swap3A_275 = vector.load %arg4[%swap3A_273, %swap3A_274] : memref<512x16xi32, #tpu.memory_space<vmem>>, vector<512x1xi32>
    tpu.vector_store %arg4[%swap3A_273, %swap3A_274], %add3A_272 {strides = array<i32>} : memref<512x16xi32, #tpu.memory_space<vmem>>, vector<512x1xi32>,
    %eq3A_276 = vector.broadcast %broadcast_in_dim3A_268 : vector<512x1xi32> to vector<512x128xi32>
    %eq3A_277 = arith.cmpi eq, %select_n3A_265, %eq3A_276 : vector<512x128xi32>
    %jit3A_278 = arith.constant 0x7F800000 : f32
    %broadcast_in_dim3A_279 = vector.broadcast %jit3A_278 : f32 to vector<512x128xf32>
    %select_n3A_280 = arith.select %eq3A_277, %broadcast_in_dim3A_279, %get3A_257 : vector<512x128xi1>, vector<512x128xf32>
    %swap3A_281 = arith.constant 0 : index
    %swap3A_282 = arith.constant 0 : index
    %swap3A_283 = vector.load %arg5[%swap3A_281, %swap3A_282] : memref<512x128xf32, #tpu.memory_space<vmem>>, vector<512x128xf32>
    tpu.vector_store %arg5[%swap3A_281, %swap3A_282], %select_n3A_280 {strides = array<i32>} : memref<512x128xf32, #tpu.memory_space<vmem>>, vector<512x128xf32>,
    %get3A_284 = arith.constant 0 : index
    %get3A_285 = arith.constant 0 : index
    %get3A_286 = vector.load %arg5[%get3A_284, %get3A_285] : memref<512x128xf32, #tpu.memory_space<vmem>>, vector<512x128xf32>
    %reduce_min3A_287 = arith.constant dense<0x7F800000> : vector<512xf32>
    %reduce_min3A_288 = vector.multi_reduction <minimumf>, %get3A_286, %reduce_min3A_287 [1] : vector<512x128xf32> to vector<512xf32>
    %broadcast_in_dim3A_289 = vector.shape_cast %reduce_min3A_288 : vector<512xf32> to vector<512x1xf32>
    %le3A_290 = vector.broadcast %broadcast_in_dim3A_289 : vector<512x1xf32> to vector<512x128xf32>
    %le3A_291 = arith.cmpf ole, %get3A_286, %le3A_290 : vector<512x128xf32>
    %jit3A_292 = arith.constant 128 : i32
    %broadcast_in_dim3A_293 = vector.broadcast %jit3A_292 : i32 to vector<512x128xi32>
    %select_n3A_294 = arith.select %le3A_291, %iota3A, %broadcast_in_dim3A_293 : vector<512x128xi1>, vector<512x128xi32>
    %reduce_min3A_295 = arith.constant dense<2147483647> : vector<512xi32>
    %reduce_min3A_296 = vector.multi_reduction <minsi>, %select_n3A_294, %reduce_min3A_295 [1] : vector<512x128xi32> to vector<512xi32>
    %broadcast_in_dim3A_297 = vector.shape_cast %reduce_min3A_296 : vector<512xi32> to vector<512x1xi32>
    %mul3A_298 = arith.constant 128 : i32
    %mul3A_299 = arith.muli %arg0, %mul3A_298 : i32
    %add3A_300 = vector.broadcast %mul3A_299 : i32 to vector<512x1xi32>
    %add3A_301 = arith.addi %broadcast_in_dim3A_297, %add3A_300 : vector<512x1xi32>
    %swap3A_302 = arith.constant 0 : index
    %swap3A_303 = arith.constant 9 : index
    %swap3A_304 = vector.load %arg4[%swap3A_302, %swap3A_303] : memref<512x16xi32, #tpu.memory_space<vmem>>, vector<512x1xi32>
    tpu.vector_store %arg4[%swap3A_302, %swap3A_303], %add3A_301 {strides = array<i32>} : memref<512x16xi32, #tpu.memory_space<vmem>>, vector<512x1xi32>,
    %eq3A_305 = vector.broadcast %broadcast_in_dim3A_297 : vector<512x1xi32> to vector<512x128xi32>
    %eq3A_306 = arith.cmpi eq, %select_n3A_294, %eq3A_305 : vector<512x128xi32>
    %jit3A_307 = arith.constant 0x7F800000 : f32
    %broadcast_in_dim3A_308 = vector.broadcast %jit3A_307 : f32 to vector<512x128xf32>
    %select_n3A_309 = arith.select %eq3A_306, %broadcast_in_dim3A_308, %get3A_286 : vector<512x128xi1>, vector<512x128xf32>
    %swap3A_310 = arith.constant 0 : index
    %swap3A_311 = arith.constant 0 : index
    %swap3A_312 = vector.load %arg5[%swap3A_310, %swap3A_311] : memref<512x128xf32, #tpu.memory_space<vmem>>, vector<512x128xf32>
    tpu.vector_store %arg5[%swap3A_310, %swap3A_311], %select_n3A_309 {strides = array<i32>} : memref<512x128xf32, #tpu.memory_space<vmem>>, vector<512x128xf32>,
    %get3A_313 = arith.constant 0 : index
    %get3A_314 = arith.constant 0 : index
    %get3A_315 = vector.load %arg5[%get3A_313, %get3A_314] : memref<512x128xf32, #tpu.memory_space<vmem>>, vector<512x128xf32>
    %reduce_min3A_316 = arith.constant dense<0x7F800000> : vector<512xf32>
    %reduce_min3A_317 = vector.multi_reduction <minimumf>, %get3A_315, %reduce_min3A_316 [1] : vector<512x128xf32> to vector<512xf32>
    %broadcast_in_dim3A_318 = vector.shape_cast %reduce_min3A_317 : vector<512xf32> to vector<512x1xf32>
    %le3A_319 = vector.broadcast %broadcast_in_dim3A_318 : vector<512x1xf32> to vector<512x128xf32>
    %le3A_320 = arith.cmpf ole, %get3A_315, %le3A_319 : vector<512x128xf32>
    %jit3A_321 = arith.constant 128 : i32
    %broadcast_in_dim3A_322 = vector.broadcast %jit3A_321 : i32 to vector<512x128xi32>
    %select_n3A_323 = arith.select %le3A_320, %iota3A, %broadcast_in_dim3A_322 : vector<512x128xi1>, vector<512x128xi32>
    %reduce_min3A_324 = arith.constant dense<2147483647> : vector<512xi32>
    %reduce_min3A_325 = vector.multi_reduction <minsi>, %select_n3A_323, %reduce_min3A_324 [1] : vector<512x128xi32> to vector<512xi32>
    %broadcast_in_dim3A_326 = vector.shape_cast %reduce_min3A_325 : vector<512xi32> to vector<512x1xi32>
    %mul3A_327 = arith.constant 128 : i32
    %mul3A_328 = arith.muli %arg0, %mul3A_327 : i32
    %add3A_329 = vector.broadcast %mul3A_328 : i32 to vector<512x1xi32>
    %add3A_330 = arith.addi %broadcast_in_dim3A_326, %add3A_329 : vector<512x1xi32>
    %swap3A_331 = arith.constant 0 : index
    %swap3A_332 = arith.constant 10 : index
    %swap3A_333 = vector.load %arg4[%swap3A_331, %swap3A_332] : memref<512x16xi32, #tpu.memory_space<vmem>>, vector<512x1xi32>
    tpu.vector_store %arg4[%swap3A_331, %swap3A_332], %add3A_330 {strides = array<i32>} : memref<512x16xi32, #tpu.memory_space<vmem>>, vector<512x1xi32>,
    %eq3A_334 = vector.broadcast %broadcast_in_dim3A_326 : vector<512x1xi32> to vector<512x128xi32>
    %eq3A_335 = arith.cmpi eq, %select_n3A_323, %eq3A_334 : vector<512x128xi32>
    %jit3A_336 = arith.constant 0x7F800000 : f32
    %broadcast_in_dim3A_337 = vector.broadcast %jit3A_336 : f32 to vector<512x128xf32>
    %select_n3A_338 = arith.select %eq3A_335, %broadcast_in_dim3A_337, %get3A_315 : vector<512x128xi1>, vector<512x128xf32>
    %swap3A_339 = arith.constant 0 : index
    %swap3A_340 = arith.constant 0 : index
    %swap3A_341 = vector.load %arg5[%swap3A_339, %swap3A_340] : memref<512x128xf32, #tpu.memory_space<vmem>>, vector<512x128xf32>
    tpu.vector_store %arg5[%swap3A_339, %swap3A_340], %select_n3A_338 {strides = array<i32>} : memref<512x128xf32, #tpu.memory_space<vmem>>, vector<512x128xf32>,
    %get3A_342 = arith.constant 0 : index
    %get3A_343 = arith.constant 0 : index
    %get3A_344 = vector.load %arg5[%get3A_342, %get3A_343] : memref<512x128xf32, #tpu.memory_space<vmem>>, vector<512x128xf32>
    %reduce_min3A_345 = arith.constant dense<0x7F800000> : vector<512xf32>
    %reduce_min3A_346 = vector.multi_reduction <minimumf>, %get3A_344, %reduce_min3A_345 [1] : vector<512x128xf32> to vector<512xf32>
    %broadcast_in_dim3A_347 = vector.shape_cast %reduce_min3A_346 : vector<512xf32> to vector<512x1xf32>
    %le3A_348 = vector.broadcast %broadcast_in_dim3A_347 : vector<512x1xf32> to vector<512x128xf32>
    %le3A_349 = arith.cmpf ole, %get3A_344, %le3A_348 : vector<512x128xf32>
    %jit3A_350 = arith.constant 128 : i32
    %broadcast_in_dim3A_351 = vector.broadcast %jit3A_350 : i32 to vector<512x128xi32>
    %select_n3A_352 = arith.select %le3A_349, %iota3A, %broadcast_in_dim3A_351 : vector<512x128xi1>, vector<512x128xi32>
    %reduce_min3A_353 = arith.constant dense<2147483647> : vector<512xi32>
    %reduce_min3A_354 = vector.multi_reduction <minsi>, %select_n3A_352, %reduce_min3A_353 [1] : vector<512x128xi32> to vector<512xi32>
    %broadcast_in_dim3A_355 = vector.shape_cast %reduce_min3A_354 : vector<512xi32> to vector<512x1xi32>
    %mul3A_356 = arith.constant 128 : i32
    %mul3A_357 = arith.muli %arg0, %mul3A_356 : i32
    %add3A_358 = vector.broadcast %mul3A_357 : i32 to vector<512x1xi32>
    %add3A_359 = arith.addi %broadcast_in_dim3A_355, %add3A_358 : vector<512x1xi32>
    %swap3A_360 = arith.constant 0 : index
    %swap3A_361 = arith.constant 11 : index
    %swap3A_362 = vector.load %arg4[%swap3A_360, %swap3A_361] : memref<512x16xi32, #tpu.memory_space<vmem>>, vector<512x1xi32>
    tpu.vector_store %arg4[%swap3A_360, %swap3A_361], %add3A_359 {strides = array<i32>} : memref<512x16xi32, #tpu.memory_space<vmem>>, vector<512x1xi32>,
    %eq3A_363 = vector.broadcast %broadcast_in_dim3A_355 : vector<512x1xi32> to vector<512x128xi32>
    %eq3A_364 = arith.cmpi eq, %select_n3A_352, %eq3A_363 : vector<512x128xi32>
    %jit3A_365 = arith.constant 0x7F800000 : f32
    %broadcast_in_dim3A_366 = vector.broadcast %jit3A_365 : f32 to vector<512x128xf32>
    %select_n3A_367 = arith.select %eq3A_364, %broadcast_in_dim3A_366, %get3A_344 : vector<512x128xi1>, vector<512x128xf32>
    %swap3A_368 = arith.constant 0 : index
    %swap3A_369 = arith.constant 0 : index
    %swap3A_370 = vector.load %arg5[%swap3A_368, %swap3A_369] : memref<512x128xf32, #tpu.memory_space<vmem>>, vector<512x128xf32>
    tpu.vector_store %arg5[%swap3A_368, %swap3A_369], %select_n3A_367 {strides = array<i32>} : memref<512x128xf32, #tpu.memory_space<vmem>>, vector<512x128xf32>,
    %get3A_371 = arith.constant 0 : index
    %get3A_372 = arith.constant 0 : index
    %get3A_373 = vector.load %arg5[%get3A_371, %get3A_372] : memref<512x128xf32, #tpu.memory_space<vmem>>, vector<512x128xf32>
    %reduce_min3A_374 = arith.constant dense<0x7F800000> : vector<512xf32>
    %reduce_min3A_375 = vector.multi_reduction <minimumf>, %get3A_373, %reduce_min3A_374 [1] : vector<512x128xf32> to vector<512xf32>
    %broadcast_in_dim3A_376 = vector.shape_cast %reduce_min3A_375 : vector<512xf32> to vector<512x1xf32>
    %le3A_377 = vector.broadcast %broadcast_in_dim3A_376 : vector<512x1xf32> to vector<512x128xf32>
    %le3A_378 = arith.cmpf ole, %get3A_373, %le3A_377 : vector<512x128xf32>
    %jit3A_379 = arith.constant 128 : i32
    %broadcast_in_dim3A_380 = vector.broadcast %jit3A_379 : i32 to vector<512x128xi32>
    %select_n3A_381 = arith.select %le3A_378, %iota3A, %broadcast_in_dim3A_380 : vector<512x128xi1>, vector<512x128xi32>
    %reduce_min3A_382 = arith.constant dense<2147483647> : vector<512xi32>
    %reduce_min3A_383 = vector.multi_reduction <minsi>, %select_n3A_381, %reduce_min3A_382 [1] : vector<512x128xi32> to vector<512xi32>
    %broadcast_in_dim3A_384 = vector.shape_cast %reduce_min3A_383 : vector<512xi32> to vector<512x1xi32>
    %mul3A_385 = arith.constant 128 : i32
    %mul3A_386 = arith.muli %arg0, %mul3A_385 : i32
    %add3A_387 = vector.broadcast %mul3A_386 : i32 to vector<512x1xi32>
    %add3A_388 = arith.addi %broadcast_in_dim3A_384, %add3A_387 : vector<512x1xi32>
    %swap3A_389 = arith.constant 0 : index
    %swap3A_390 = arith.constant 12 : index
    %swap3A_391 = vector.load %arg4[%swap3A_389, %swap3A_390] : memref<512x16xi32, #tpu.memory_space<vmem>>, vector<512x1xi32>
    tpu.vector_store %arg4[%swap3A_389, %swap3A_390], %add3A_388 {strides = array<i32>} : memref<512x16xi32, #tpu.memory_space<vmem>>, vector<512x1xi32>,
    %eq3A_392 = vector.broadcast %broadcast_in_dim3A_384 : vector<512x1xi32> to vector<512x128xi32>
    %eq3A_393 = arith.cmpi eq, %select_n3A_381, %eq3A_392 : vector<512x128xi32>
    %jit3A_394 = arith.constant 0x7F800000 : f32
    %broadcast_in_dim3A_395 = vector.broadcast %jit3A_394 : f32 to vector<512x128xf32>
    %select_n3A_396 = arith.select %eq3A_393, %broadcast_in_dim3A_395, %get3A_373 : vector<512x128xi1>, vector<512x128xf32>
    %swap3A_397 = arith.constant 0 : index
    %swap3A_398 = arith.constant 0 : index
    %swap3A_399 = vector.load %arg5[%swap3A_397, %swap3A_398] : memref<512x128xf32, #tpu.memory_space<vmem>>, vector<512x128xf32>
    tpu.vector_store %arg5[%swap3A_397, %swap3A_398], %select_n3A_396 {strides = array<i32>} : memref<512x128xf32, #tpu.memory_space<vmem>>, vector<512x128xf32>,
    %get3A_400 = arith.constant 0 : index
    %get3A_401 = arith.constant 0 : index
    %get3A_402 = vector.load %arg5[%get3A_400, %get3A_401] : memref<512x128xf32, #tpu.memory_space<vmem>>, vector<512x128xf32>
    %reduce_min3A_403 = arith.constant dense<0x7F800000> : vector<512xf32>
    %reduce_min3A_404 = vector.multi_reduction <minimumf>, %get3A_402, %reduce_min3A_403 [1] : vector<512x128xf32> to vector<512xf32>
    %broadcast_in_dim3A_405 = vector.shape_cast %reduce_min3A_404 : vector<512xf32> to vector<512x1xf32>
    %le3A_406 = vector.broadcast %broadcast_in_dim3A_405 : vector<512x1xf32> to vector<512x128xf32>
    %le3A_407 = arith.cmpf ole, %get3A_402, %le3A_406 : vector<512x128xf32>
    %jit3A_408 = arith.constant 128 : i32
    %broadcast_in_dim3A_409 = vector.broadcast %jit3A_408 : i32 to vector<512x128xi32>
    %select_n3A_410 = arith.select %le3A_407, %iota3A, %broadcast_in_dim3A_409 : vector<512x128xi1>, vector<512x128xi32>
    %reduce_min3A_411 = arith.constant dense<2147483647> : vector<512xi32>
    %reduce_min3A_412 = vector.multi_reduction <minsi>, %select_n3A_410, %reduce_min3A_411 [1] : vector<512x128xi32> to vector<512xi32>
    %broadcast_in_dim3A_413 = vector.shape_cast %reduce_min3A_412 : vector<512xi32> to vector<512x1xi32>
    %mul3A_414 = arith.constant 128 : i32
    %mul3A_415 = arith.muli %arg0, %mul3A_414 : i32
    %add3A_416 = vector.broadcast %mul3A_415 : i32 to vector<512x1xi32>
    %add3A_417 = arith.addi %broadcast_in_dim3A_413, %add3A_416 : vector<512x1xi32>
    %swap3A_418 = arith.constant 0 : index
    %swap3A_419 = arith.constant 13 : index
    %swap3A_420 = vector.load %arg4[%swap3A_418, %swap3A_419] : memref<512x16xi32, #tpu.memory_space<vmem>>, vector<512x1xi32>
    tpu.vector_store %arg4[%swap3A_418, %swap3A_419], %add3A_417 {strides = array<i32>} : memref<512x16xi32, #tpu.memory_space<vmem>>, vector<512x1xi32>,
    %eq3A_421 = vector.broadcast %broadcast_in_dim3A_413 : vector<512x1xi32> to vector<512x128xi32>
    %eq3A_422 = arith.cmpi eq, %select_n3A_410, %eq3A_421 : vector<512x128xi32>
    %jit3A_423 = arith.constant 0x7F800000 : f32
    %broadcast_in_dim3A_424 = vector.broadcast %jit3A_423 : f32 to vector<512x128xf32>
    %select_n3A_425 = arith.select %eq3A_422, %broadcast_in_dim3A_424, %get3A_402 : vector<512x128xi1>, vector<512x128xf32>
    %swap3A_426 = arith.constant 0 : index
    %swap3A_427 = arith.constant 0 : index
    %swap3A_428 = vector.load %arg5[%swap3A_426, %swap3A_427] : memref<512x128xf32, #tpu.memory_space<vmem>>, vector<512x128xf32>
    tpu.vector_store %arg5[%swap3A_426, %swap3A_427], %select_n3A_425 {strides = array<i32>} : memref<512x128xf32, #tpu.memory_space<vmem>>, vector<512x128xf32>,
    %get3A_429 = arith.constant 0 : index
    %get3A_430 = arith.constant 0 : index
    %get3A_431 = vector.load %arg5[%get3A_429, %get3A_430] : memref<512x128xf32, #tpu.memory_space<vmem>>, vector<512x128xf32>
    %reduce_min3A_432 = arith.constant dense<0x7F800000> : vector<512xf32>
    %reduce_min3A_433 = vector.multi_reduction <minimumf>, %get3A_431, %reduce_min3A_432 [1] : vector<512x128xf32> to vector<512xf32>
    %broadcast_in_dim3A_434 = vector.shape_cast %reduce_min3A_433 : vector<512xf32> to vector<512x1xf32>
    %le3A_435 = vector.broadcast %broadcast_in_dim3A_434 : vector<512x1xf32> to vector<512x128xf32>
    %le3A_436 = arith.cmpf ole, %get3A_431, %le3A_435 : vector<512x128xf32>
    %jit3A_437 = arith.constant 128 : i32
    %broadcast_in_dim3A_438 = vector.broadcast %jit3A_437 : i32 to vector<512x128xi32>
    %select_n3A_439 = arith.select %le3A_436, %iota3A, %broadcast_in_dim3A_438 : vector<512x128xi1>, vector<512x128xi32>
    %reduce_min3A_440 = arith.constant dense<2147483647> : vector<512xi32>
    %reduce_min3A_441 = vector.multi_reduction <minsi>, %select_n3A_439, %reduce_min3A_440 [1] : vector<512x128xi32> to vector<512xi32>
    %broadcast_in_dim3A_442 = vector.shape_cast %reduce_min3A_441 : vector<512xi32> to vector<512x1xi32>
    %mul3A_443 = arith.constant 128 : i32
    %mul3A_444 = arith.muli %arg0, %mul3A_443 : i32
    %add3A_445 = vector.broadcast %mul3A_444 : i32 to vector<512x1xi32>
    %add3A_446 = arith.addi %broadcast_in_dim3A_442, %add3A_445 : vector<512x1xi32>
    %swap3A_447 = arith.constant 0 : index
    %swap3A_448 = arith.constant 14 : index
    %swap3A_449 = vector.load %arg4[%swap3A_447, %swap3A_448] : memref<512x16xi32, #tpu.memory_space<vmem>>, vector<512x1xi32>
    tpu.vector_store %arg4[%swap3A_447, %swap3A_448], %add3A_446 {strides = array<i32>} : memref<512x16xi32, #tpu.memory_space<vmem>>, vector<512x1xi32>,
    %eq3A_450 = vector.broadcast %broadcast_in_dim3A_442 : vector<512x1xi32> to vector<512x128xi32>
    %eq3A_451 = arith.cmpi eq, %select_n3A_439, %eq3A_450 : vector<512x128xi32>
    %jit3A_452 = arith.constant 0x7F800000 : f32
    %broadcast_in_dim3A_453 = vector.broadcast %jit3A_452 : f32 to vector<512x128xf32>
    %select_n3A_454 = arith.select %eq3A_451, %broadcast_in_dim3A_453, %get3A_431 : vector<512x128xi1>, vector<512x128xf32>
    %swap3A_455 = arith.constant 0 : index
    %swap3A_456 = arith.constant 0 : index
    %swap3A_457 = vector.load %arg5[%swap3A_455, %swap3A_456] : memref<512x128xf32, #tpu.memory_space<vmem>>, vector<512x128xf32>
    tpu.vector_store %arg5[%swap3A_455, %swap3A_456], %select_n3A_454 {strides = array<i32>} : memref<512x128xf32, #tpu.memory_space<vmem>>, vector<512x128xf32>,
    %get3A_458 = arith.constant 0 : index
    %get3A_459 = arith.constant 0 : index
    %get3A_460 = vector.load %arg5[%get3A_458, %get3A_459] : memref<512x128xf32, #tpu.memory_space<vmem>>, vector<512x128xf32>
    %reduce_min3A_461 = arith.constant dense<0x7F800000> : vector<512xf32>
    %reduce_min3A_462 = vector.multi_reduction <minimumf>, %get3A_460, %reduce_min3A_461 [1] : vector<512x128xf32> to vector<512xf32>
    %broadcast_in_dim3A_463 = vector.shape_cast %reduce_min3A_462 : vector<512xf32> to vector<512x1xf32>
    %le3A_464 = vector.broadcast %broadcast_in_dim3A_463 : vector<512x1xf32> to vector<512x128xf32>
    %le3A_465 = arith.cmpf ole, %get3A_460, %le3A_464 : vector<512x128xf32>
    %jit3A_466 = arith.constant 128 : i32
    %broadcast_in_dim3A_467 = vector.broadcast %jit3A_466 : i32 to vector<512x128xi32>
    %select_n3A_468 = arith.select %le3A_465, %iota3A, %broadcast_in_dim3A_467 : vector<512x128xi1>, vector<512x128xi32>
    %reduce_min3A_469 = arith.constant dense<2147483647> : vector<512xi32>
    %reduce_min3A_470 = vector.multi_reduction <minsi>, %select_n3A_468, %reduce_min3A_469 [1] : vector<512x128xi32> to vector<512xi32>
    %broadcast_in_dim3A_471 = vector.shape_cast %reduce_min3A_470 : vector<512xi32> to vector<512x1xi32>
    %mul3A_472 = arith.constant 128 : i32
    %mul3A_473 = arith.muli %arg0, %mul3A_472 : i32
    %add3A_474 = vector.broadcast %mul3A_473 : i32 to vector<512x1xi32>
    %add3A_475 = arith.addi %broadcast_in_dim3A_471, %add3A_474 : vector<512x1xi32>
    %swap3A_476 = arith.constant 0 : index
    %swap3A_477 = arith.constant 15 : index
    %swap3A_478 = vector.load %arg4[%swap3A_476, %swap3A_477] : memref<512x16xi32, #tpu.memory_space<vmem>>, vector<512x1xi32>
    tpu.vector_store %arg4[%swap3A_476, %swap3A_477], %add3A_475 {strides = array<i32>} : memref<512x16xi32, #tpu.memory_space<vmem>>, vector<512x1xi32>,
    %eq3A_479 = vector.broadcast %broadcast_in_dim3A_471 : vector<512x1xi32> to vector<512x128xi32>
    %eq3A_480 = arith.cmpi eq, %select_n3A_468, %eq3A_479 : vector<512x128xi32>
    %jit3A_481 = arith.constant 0x7F800000 : f32
    %broadcast_in_dim3A_482 = vector.broadcast %jit3A_481 : f32 to vector<512x128xf32>
    %select_n3A_483 = arith.select %eq3A_480, %broadcast_in_dim3A_482, %get3A_460 : vector<512x128xi1>, vector<512x128xf32>
    %swap3A_484 = arith.constant 0 : index
    %swap3A_485 = arith.constant 0 : index
    %swap3A_486 = vector.load %arg5[%swap3A_484, %swap3A_485] : memref<512x128xf32, #tpu.memory_space<vmem>>, vector<512x128xf32>
    tpu.vector_store %arg5[%swap3A_484, %swap3A_485], %select_n3A_483 {strides = array<i32>} : memref<512x128xf32, #tpu.memory_space<vmem>>, vector<512x128xf32>,
    return
  }
  func.func @transform_0(%arg0: i32, %arg1: i32) -> (i32, i32, i32) {
    %c0_i32 = arith.constant 0 : i32
    %c0_i32_0 = arith.constant 0 : i32
    return %arg0, %arg1, %c0_i32 : i32, i32, i32
  }
  func.func @transform_1(%arg0: i32, %arg1: i32) -> (i32, i32, i32) {
    %c0_i32 = arith.constant 0 : i32
    %c0_i32_0 = arith.constant 0 : i32
    %c0_i32_1 = arith.constant 0 : i32
    return %arg0, %c0_i32, %c0_i32_0 : i32, i32, i32
  }
  func.func @transform_2(%arg0: i32, %arg1: i32) -> (i32, i32) {
    %mul3A = arith.constant 2 : i32
    %mul3A_0 = arith.muli %arg0, %mul3A : i32
    %add3A = arith.addi %mul3A_0, %arg1 : i32
    %c0_i32 = arith.constant 0 : i32
    %c0_i32_1 = arith.constant 0 : i32
    return %add3A, %c0_i32 : i32, i32
  }
}

module attributes {stable_mosaic.version = 14 : i64} {
  func.func @_extract_body(%arg0: i32, %arg1: i32, %arg2: memref<512x1024xf32, #tpu.memory_space<vmem>>, %arg3: memref<512x1024xf32, #tpu.memory_space<vmem>>, %arg4: memref<512x1024xf32, #tpu.memory_space<vmem>>, %arg5: memref<1x512x3xf32, #tpu.memory_space<vmem>>, %arg6: memref<512x16xi32, #tpu.memory_space<vmem>>, %arg7: memref<512x16xi32, #tpu.memory_space<vmem>>, %arg8: memref<512x1024xf32, #tpu.memory_space<vmem>>) attributes {dimension_semantics = [#tpu.dimension_semantics<arbitrary>, #tpu.dimension_semantics<arbitrary>], iteration_bounds = array<i64: 2, 2>, scalar_prefetch = 0 : i64, scratch_operands = 1 : i64, tpu.core_type = #tpu.core_type<tc>, window_params = [{transform_indices = @transform_0, window_bounds = array<i64: 512, 1024>}, {transform_indices = @transform_1, window_bounds = array<i64: 512, 1024>}, {transform_indices = @transform_2, window_bounds = array<i64: 512, 1024>}, {transform_indices = @transform_3, window_bounds = array<i64: 1, 512, 3>}, {transform_indices = @transform_4, window_bounds = array<i64: 512, 16>}, {transform_indices = @transform_5, window_bounds = array<i64: 512, 16>}]} {
    %get3A = arith.constant 0 : index
    %get3A_0 = arith.constant 0 : index
    %get3A_1 = arith.constant 0 : index
    %get3A_2 = vector.load %arg5[%get3A, %get3A_0, %get3A_1] : memref<1x512x3xf32, #tpu.memory_space<vmem>>, vector<1x512x3xf32>
    %get3A_3 = vector.shape_cast %get3A_2 : vector<1x512x3xf32> to vector<512x3xf32>
    %slice3A = vector.extract_strided_slice %get3A_3 {offsets = [0, 0], sizes = [512, 1], strides = [1, 1]} : vector<512x3xf32> to vector<512x1xf32>
    %slice3A_4 = vector.extract_strided_slice %get3A_3 {offsets = [0, 1], sizes = [512, 1], strides = [1, 1]} : vector<512x3xf32> to vector<512x1xf32>
    %slice3A_5 = vector.extract_strided_slice %get3A_3 {offsets = [0, 2], sizes = [512, 1], strides = [1, 1]} : vector<512x3xf32> to vector<512x1xf32>
    %get3A_6 = arith.constant 0 : index
    %get3A_7 = arith.constant 0 : index
    %get3A_8 = vector.load %arg2[%get3A_6, %get3A_7] : memref<512x1024xf32, #tpu.memory_space<vmem>>, vector<512x1024xf32>
    %sub3A = vector.broadcast %slice3A : vector<512x1xf32> to vector<512x1024xf32>
    %sub3A_9 = arith.subf %get3A_8, %sub3A : vector<512x1024xf32>
    %get3A_10 = arith.constant 0 : index
    %get3A_11 = arith.constant 0 : index
    %get3A_12 = vector.load %arg3[%get3A_10, %get3A_11] : memref<512x1024xf32, #tpu.memory_space<vmem>>, vector<512x1024xf32>
    %sub3A_13 = vector.broadcast %slice3A_4 : vector<512x1xf32> to vector<512x1024xf32>
    %sub3A_14 = arith.subf %get3A_12, %sub3A_13 : vector<512x1024xf32>
    %get3A_15 = arith.constant 0 : index
    %get3A_16 = arith.constant 0 : index
    %get3A_17 = vector.load %arg4[%get3A_15, %get3A_16] : memref<512x1024xf32, #tpu.memory_space<vmem>>, vector<512x1024xf32>
    %sub3A_18 = vector.broadcast %slice3A_5 : vector<512x1xf32> to vector<512x1024xf32>
    %sub3A_19 = arith.subf %get3A_17, %sub3A_18 : vector<512x1024xf32>
    %mul3A = arith.mulf %sub3A_9, %sub3A_9 : vector<512x1024xf32>
    %mul3A_20 = arith.mulf %sub3A_14, %sub3A_14 : vector<512x1024xf32>
    %add3A = arith.addf %mul3A, %mul3A_20 : vector<512x1024xf32>
    %mul3A_21 = arith.mulf %sub3A_19, %sub3A_19 : vector<512x1024xf32>
    %add3A_22 = arith.addf %add3A, %mul3A_21 : vector<512x1024xf32>
    %swap3A = arith.constant 0 : index
    %swap3A_23 = arith.constant 0 : index
    %swap3A_24 = vector.load %arg8[%swap3A, %swap3A_23] : memref<512x1024xf32, #tpu.memory_space<vmem>>, vector<512x1024xf32>
    tpu.vector_store %arg8[%swap3A, %swap3A_23], %add3A_22 {strides = array<i32>} : memref<512x1024xf32, #tpu.memory_space<vmem>>, vector<512x1024xf32>,
    %get3A_25 = arith.constant 0 : index
    %get3A_26 = arith.constant 0 : index
    %get3A_27 = vector.load %arg6[%get3A_25, %get3A_26] : memref<512x16xi32, #tpu.memory_space<vmem>>, vector<512x16xi32>
    %mul3A_28 = arith.constant 128 : i32
    %mul3A_29 = arith.muli %arg0, %mul3A_28 : i32
    %sub3A_30 = vector.broadcast %mul3A_29 : i32 to vector<512x16xi32>
    %sub3A_31 = arith.subi %get3A_27, %sub3A_30 : vector<512x16xi32>
    %iota3A = tpu.iota {dimensions = array<i32: 1>} : vector<512x1024xi32>
    %iota3A_32 = tpu.iota {dimensions = array<i32: 1>} : vector<512x16xi32>
    %mul3A_33 = arith.constant 8192 : i32
    %mul3A_34 = arith.muli %arg0, %mul3A_33 : i32
    %get3A_35 = arith.constant 0 : index
    %get3A_36 = arith.constant 0 : index
    %get3A_37 = vector.load %arg8[%get3A_35, %get3A_36] : memref<512x1024xf32, #tpu.memory_space<vmem>>, vector<512x1024xf32>
    %reduce_min3A = arith.constant dense<0x7F800000> : vector<512xf32>
    %reduce_min3A_38 = vector.multi_reduction <minimumf>, %get3A_37, %reduce_min3A [1] : vector<512x1024xf32> to vector<512xf32>
    %broadcast_in_dim3A = vector.shape_cast %reduce_min3A_38 : vector<512xf32> to vector<512x1xf32>
    %le3A = vector.broadcast %broadcast_in_dim3A : vector<512x1xf32> to vector<512x1024xf32>
    %le3A_39 = arith.cmpf ole, %get3A_37, %le3A : vector<512x1024xf32>
    %jit3A = arith.constant 1024 : i32
    %broadcast_in_dim3A_40 = vector.broadcast %jit3A : i32 to vector<512x1024xi32>
    %select_n3A = arith.select %le3A_39, %iota3A, %broadcast_in_dim3A_40 : vector<512x1024xi1>, vector<512x1024xi32>
    %reduce_min3A_41 = arith.constant dense<2147483647> : vector<512xi32>
    %reduce_min3A_42 = vector.multi_reduction <minsi>, %select_n3A, %reduce_min3A_41 [1] : vector<512x1024xi32> to vector<512xi32>
    %broadcast_in_dim3A_43 = vector.shape_cast %reduce_min3A_42 : vector<512xi32> to vector<512x1xi32>
    %shift_right_logical3A = arith.constant 6 : i32
    %shift_right_logical3A_44 = vector.broadcast %shift_right_logical3A : i32 to vector<512x1xi32>
    %shift_right_logical3A_45 = arith.shrui %broadcast_in_dim3A_43, %shift_right_logical3A_44 : vector<512x1xi32>
    %mul3A_46 = arith.constant 64 : i32
    %mul3A_47 = vector.broadcast %mul3A_46 : i32 to vector<512x1xi32>
    %mul3A_48 = arith.muli %shift_right_logical3A_45, %mul3A_47 : vector<512x1xi32>
    %sub3A_49 = arith.subi %broadcast_in_dim3A_43, %mul3A_48 : vector<512x1xi32>
    %eq3A = vector.broadcast %shift_right_logical3A_45 : vector<512x1xi32> to vector<512x16xi32>
    %eq3A_50 = arith.cmpi eq, %iota3A_32, %eq3A : vector<512x16xi32>
    %jit3A_51 = arith.constant 0 : i32
    %broadcast_in_dim3A_52 = vector.broadcast %jit3A_51 : i32 to vector<512x16xi32>
    %select_n3A_53 = arith.select %eq3A_50, %sub3A_31, %broadcast_in_dim3A_52 : vector<512x16xi1>, vector<512x16xi32>
    %reduce_sum3A = arith.constant dense<0> : vector<512xi32>
    %reduce_sum3A_54 = vector.multi_reduction <add>, %select_n3A_53, %reduce_sum3A [1] : vector<512x16xi32> to vector<512xi32>
    %broadcast_in_dim3A_55 = vector.shape_cast %reduce_sum3A_54 : vector<512xi32> to vector<512x1xi32>
    %mul3A_56 = arith.constant 128 : i32
    %mul3A_57 = vector.broadcast %mul3A_56 : i32 to vector<512x1xi32>
    %mul3A_58 = arith.muli %sub3A_49, %mul3A_57 : vector<512x1xi32>
    %add3A_59 = arith.addi %broadcast_in_dim3A_55, %mul3A_58 : vector<512x1xi32>
    %add3A_60 = vector.broadcast %mul3A_34 : i32 to vector<512x1xi32>
    %add3A_61 = arith.addi %add3A_59, %add3A_60 : vector<512x1xi32>
    %swap3A_62 = arith.constant 0 : index
    %swap3A_63 = arith.constant 0 : index
    %swap3A_64 = vector.load %arg7[%swap3A_62, %swap3A_63] : memref<512x16xi32, #tpu.memory_space<vmem>>, vector<512x1xi32>
    tpu.vector_store %arg7[%swap3A_62, %swap3A_63], %add3A_61 {strides = array<i32>} : memref<512x16xi32, #tpu.memory_space<vmem>>, vector<512x1xi32>,
    %eq3A_65 = vector.broadcast %broadcast_in_dim3A_43 : vector<512x1xi32> to vector<512x1024xi32>
    %eq3A_66 = arith.cmpi eq, %select_n3A, %eq3A_65 : vector<512x1024xi32>
    %jit3A_67 = arith.constant 0x7F800000 : f32
    %broadcast_in_dim3A_68 = vector.broadcast %jit3A_67 : f32 to vector<512x1024xf32>
    %select_n3A_69 = arith.select %eq3A_66, %broadcast_in_dim3A_68, %get3A_37 : vector<512x1024xi1>, vector<512x1024xf32>
    %swap3A_70 = arith.constant 0 : index
    %swap3A_71 = arith.constant 0 : index
    %swap3A_72 = vector.load %arg8[%swap3A_70, %swap3A_71] : memref<512x1024xf32, #tpu.memory_space<vmem>>, vector<512x1024xf32>
    tpu.vector_store %arg8[%swap3A_70, %swap3A_71], %select_n3A_69 {strides = array<i32>} : memref<512x1024xf32, #tpu.memory_space<vmem>>, vector<512x1024xf32>,
    %get3A_73 = arith.constant 0 : index
    %get3A_74 = arith.constant 0 : index
    %get3A_75 = vector.load %arg8[%get3A_73, %get3A_74] : memref<512x1024xf32, #tpu.memory_space<vmem>>, vector<512x1024xf32>
    %reduce_min3A_76 = arith.constant dense<0x7F800000> : vector<512xf32>
    %reduce_min3A_77 = vector.multi_reduction <minimumf>, %get3A_75, %reduce_min3A_76 [1] : vector<512x1024xf32> to vector<512xf32>
    %broadcast_in_dim3A_78 = vector.shape_cast %reduce_min3A_77 : vector<512xf32> to vector<512x1xf32>
    %le3A_79 = vector.broadcast %broadcast_in_dim3A_78 : vector<512x1xf32> to vector<512x1024xf32>
    %le3A_80 = arith.cmpf ole, %get3A_75, %le3A_79 : vector<512x1024xf32>
    %jit3A_81 = arith.constant 1024 : i32
    %broadcast_in_dim3A_82 = vector.broadcast %jit3A_81 : i32 to vector<512x1024xi32>
    %select_n3A_83 = arith.select %le3A_80, %iota3A, %broadcast_in_dim3A_82 : vector<512x1024xi1>, vector<512x1024xi32>
    %reduce_min3A_84 = arith.constant dense<2147483647> : vector<512xi32>
    %reduce_min3A_85 = vector.multi_reduction <minsi>, %select_n3A_83, %reduce_min3A_84 [1] : vector<512x1024xi32> to vector<512xi32>
    %broadcast_in_dim3A_86 = vector.shape_cast %reduce_min3A_85 : vector<512xi32> to vector<512x1xi32>
    %shift_right_logical3A_87 = arith.constant 6 : i32
    %shift_right_logical3A_88 = vector.broadcast %shift_right_logical3A_87 : i32 to vector<512x1xi32>
    %shift_right_logical3A_89 = arith.shrui %broadcast_in_dim3A_86, %shift_right_logical3A_88 : vector<512x1xi32>
    %mul3A_90 = arith.constant 64 : i32
    %mul3A_91 = vector.broadcast %mul3A_90 : i32 to vector<512x1xi32>
    %mul3A_92 = arith.muli %shift_right_logical3A_89, %mul3A_91 : vector<512x1xi32>
    %sub3A_93 = arith.subi %broadcast_in_dim3A_86, %mul3A_92 : vector<512x1xi32>
    %eq3A_94 = vector.broadcast %shift_right_logical3A_89 : vector<512x1xi32> to vector<512x16xi32>
    %eq3A_95 = arith.cmpi eq, %iota3A_32, %eq3A_94 : vector<512x16xi32>
    %jit3A_96 = arith.constant 0 : i32
    %broadcast_in_dim3A_97 = vector.broadcast %jit3A_96 : i32 to vector<512x16xi32>
    %select_n3A_98 = arith.select %eq3A_95, %sub3A_31, %broadcast_in_dim3A_97 : vector<512x16xi1>, vector<512x16xi32>
    %reduce_sum3A_99 = arith.constant dense<0> : vector<512xi32>
    %reduce_sum3A_100 = vector.multi_reduction <add>, %select_n3A_98, %reduce_sum3A_99 [1] : vector<512x16xi32> to vector<512xi32>
    %broadcast_in_dim3A_101 = vector.shape_cast %reduce_sum3A_100 : vector<512xi32> to vector<512x1xi32>
    %mul3A_102 = arith.constant 128 : i32
    %mul3A_103 = vector.broadcast %mul3A_102 : i32 to vector<512x1xi32>
    %mul3A_104 = arith.muli %sub3A_93, %mul3A_103 : vector<512x1xi32>
    %add3A_105 = arith.addi %broadcast_in_dim3A_101, %mul3A_104 : vector<512x1xi32>
    %add3A_106 = vector.broadcast %mul3A_34 : i32 to vector<512x1xi32>
    %add3A_107 = arith.addi %add3A_105, %add3A_106 : vector<512x1xi32>
    %swap3A_108 = arith.constant 0 : index
    %swap3A_109 = arith.constant 1 : index
    %swap3A_110 = vector.load %arg7[%swap3A_108, %swap3A_109] : memref<512x16xi32, #tpu.memory_space<vmem>>, vector<512x1xi32>
    tpu.vector_store %arg7[%swap3A_108, %swap3A_109], %add3A_107 {strides = array<i32>} : memref<512x16xi32, #tpu.memory_space<vmem>>, vector<512x1xi32>,
    %eq3A_111 = vector.broadcast %broadcast_in_dim3A_86 : vector<512x1xi32> to vector<512x1024xi32>
    %eq3A_112 = arith.cmpi eq, %select_n3A_83, %eq3A_111 : vector<512x1024xi32>
    %jit3A_113 = arith.constant 0x7F800000 : f32
    %broadcast_in_dim3A_114 = vector.broadcast %jit3A_113 : f32 to vector<512x1024xf32>
    %select_n3A_115 = arith.select %eq3A_112, %broadcast_in_dim3A_114, %get3A_75 : vector<512x1024xi1>, vector<512x1024xf32>
    %swap3A_116 = arith.constant 0 : index
    %swap3A_117 = arith.constant 0 : index
    %swap3A_118 = vector.load %arg8[%swap3A_116, %swap3A_117] : memref<512x1024xf32, #tpu.memory_space<vmem>>, vector<512x1024xf32>
    tpu.vector_store %arg8[%swap3A_116, %swap3A_117], %select_n3A_115 {strides = array<i32>} : memref<512x1024xf32, #tpu.memory_space<vmem>>, vector<512x1024xf32>,
    %get3A_119 = arith.constant 0 : index
    %get3A_120 = arith.constant 0 : index
    %get3A_121 = vector.load %arg8[%get3A_119, %get3A_120] : memref<512x1024xf32, #tpu.memory_space<vmem>>, vector<512x1024xf32>
    %reduce_min3A_122 = arith.constant dense<0x7F800000> : vector<512xf32>
    %reduce_min3A_123 = vector.multi_reduction <minimumf>, %get3A_121, %reduce_min3A_122 [1] : vector<512x1024xf32> to vector<512xf32>
    %broadcast_in_dim3A_124 = vector.shape_cast %reduce_min3A_123 : vector<512xf32> to vector<512x1xf32>
    %le3A_125 = vector.broadcast %broadcast_in_dim3A_124 : vector<512x1xf32> to vector<512x1024xf32>
    %le3A_126 = arith.cmpf ole, %get3A_121, %le3A_125 : vector<512x1024xf32>
    %jit3A_127 = arith.constant 1024 : i32
    %broadcast_in_dim3A_128 = vector.broadcast %jit3A_127 : i32 to vector<512x1024xi32>
    %select_n3A_129 = arith.select %le3A_126, %iota3A, %broadcast_in_dim3A_128 : vector<512x1024xi1>, vector<512x1024xi32>
    %reduce_min3A_130 = arith.constant dense<2147483647> : vector<512xi32>
    %reduce_min3A_131 = vector.multi_reduction <minsi>, %select_n3A_129, %reduce_min3A_130 [1] : vector<512x1024xi32> to vector<512xi32>
    %broadcast_in_dim3A_132 = vector.shape_cast %reduce_min3A_131 : vector<512xi32> to vector<512x1xi32>
    %shift_right_logical3A_133 = arith.constant 6 : i32
    %shift_right_logical3A_134 = vector.broadcast %shift_right_logical3A_133 : i32 to vector<512x1xi32>
    %shift_right_logical3A_135 = arith.shrui %broadcast_in_dim3A_132, %shift_right_logical3A_134 : vector<512x1xi32>
    %mul3A_136 = arith.constant 64 : i32
    %mul3A_137 = vector.broadcast %mul3A_136 : i32 to vector<512x1xi32>
    %mul3A_138 = arith.muli %shift_right_logical3A_135, %mul3A_137 : vector<512x1xi32>
    %sub3A_139 = arith.subi %broadcast_in_dim3A_132, %mul3A_138 : vector<512x1xi32>
    %eq3A_140 = vector.broadcast %shift_right_logical3A_135 : vector<512x1xi32> to vector<512x16xi32>
    %eq3A_141 = arith.cmpi eq, %iota3A_32, %eq3A_140 : vector<512x16xi32>
    %jit3A_142 = arith.constant 0 : i32
    %broadcast_in_dim3A_143 = vector.broadcast %jit3A_142 : i32 to vector<512x16xi32>
    %select_n3A_144 = arith.select %eq3A_141, %sub3A_31, %broadcast_in_dim3A_143 : vector<512x16xi1>, vector<512x16xi32>
    %reduce_sum3A_145 = arith.constant dense<0> : vector<512xi32>
    %reduce_sum3A_146 = vector.multi_reduction <add>, %select_n3A_144, %reduce_sum3A_145 [1] : vector<512x16xi32> to vector<512xi32>
    %broadcast_in_dim3A_147 = vector.shape_cast %reduce_sum3A_146 : vector<512xi32> to vector<512x1xi32>
    %mul3A_148 = arith.constant 128 : i32
    %mul3A_149 = vector.broadcast %mul3A_148 : i32 to vector<512x1xi32>
    %mul3A_150 = arith.muli %sub3A_139, %mul3A_149 : vector<512x1xi32>
    %add3A_151 = arith.addi %broadcast_in_dim3A_147, %mul3A_150 : vector<512x1xi32>
    %add3A_152 = vector.broadcast %mul3A_34 : i32 to vector<512x1xi32>
    %add3A_153 = arith.addi %add3A_151, %add3A_152 : vector<512x1xi32>
    %swap3A_154 = arith.constant 0 : index
    %swap3A_155 = arith.constant 2 : index
    %swap3A_156 = vector.load %arg7[%swap3A_154, %swap3A_155] : memref<512x16xi32, #tpu.memory_space<vmem>>, vector<512x1xi32>
    tpu.vector_store %arg7[%swap3A_154, %swap3A_155], %add3A_153 {strides = array<i32>} : memref<512x16xi32, #tpu.memory_space<vmem>>, vector<512x1xi32>,
    %eq3A_157 = vector.broadcast %broadcast_in_dim3A_132 : vector<512x1xi32> to vector<512x1024xi32>
    %eq3A_158 = arith.cmpi eq, %select_n3A_129, %eq3A_157 : vector<512x1024xi32>
    %jit3A_159 = arith.constant 0x7F800000 : f32
    %broadcast_in_dim3A_160 = vector.broadcast %jit3A_159 : f32 to vector<512x1024xf32>
    %select_n3A_161 = arith.select %eq3A_158, %broadcast_in_dim3A_160, %get3A_121 : vector<512x1024xi1>, vector<512x1024xf32>
    %swap3A_162 = arith.constant 0 : index
    %swap3A_163 = arith.constant 0 : index
    %swap3A_164 = vector.load %arg8[%swap3A_162, %swap3A_163] : memref<512x1024xf32, #tpu.memory_space<vmem>>, vector<512x1024xf32>
    tpu.vector_store %arg8[%swap3A_162, %swap3A_163], %select_n3A_161 {strides = array<i32>} : memref<512x1024xf32, #tpu.memory_space<vmem>>, vector<512x1024xf32>,
    %get3A_165 = arith.constant 0 : index
    %get3A_166 = arith.constant 0 : index
    %get3A_167 = vector.load %arg8[%get3A_165, %get3A_166] : memref<512x1024xf32, #tpu.memory_space<vmem>>, vector<512x1024xf32>
    %reduce_min3A_168 = arith.constant dense<0x7F800000> : vector<512xf32>
    %reduce_min3A_169 = vector.multi_reduction <minimumf>, %get3A_167, %reduce_min3A_168 [1] : vector<512x1024xf32> to vector<512xf32>
    %broadcast_in_dim3A_170 = vector.shape_cast %reduce_min3A_169 : vector<512xf32> to vector<512x1xf32>
    %le3A_171 = vector.broadcast %broadcast_in_dim3A_170 : vector<512x1xf32> to vector<512x1024xf32>
    %le3A_172 = arith.cmpf ole, %get3A_167, %le3A_171 : vector<512x1024xf32>
    %jit3A_173 = arith.constant 1024 : i32
    %broadcast_in_dim3A_174 = vector.broadcast %jit3A_173 : i32 to vector<512x1024xi32>
    %select_n3A_175 = arith.select %le3A_172, %iota3A, %broadcast_in_dim3A_174 : vector<512x1024xi1>, vector<512x1024xi32>
    %reduce_min3A_176 = arith.constant dense<2147483647> : vector<512xi32>
    %reduce_min3A_177 = vector.multi_reduction <minsi>, %select_n3A_175, %reduce_min3A_176 [1] : vector<512x1024xi32> to vector<512xi32>
    %broadcast_in_dim3A_178 = vector.shape_cast %reduce_min3A_177 : vector<512xi32> to vector<512x1xi32>
    %shift_right_logical3A_179 = arith.constant 6 : i32
    %shift_right_logical3A_180 = vector.broadcast %shift_right_logical3A_179 : i32 to vector<512x1xi32>
    %shift_right_logical3A_181 = arith.shrui %broadcast_in_dim3A_178, %shift_right_logical3A_180 : vector<512x1xi32>
    %mul3A_182 = arith.constant 64 : i32
    %mul3A_183 = vector.broadcast %mul3A_182 : i32 to vector<512x1xi32>
    %mul3A_184 = arith.muli %shift_right_logical3A_181, %mul3A_183 : vector<512x1xi32>
    %sub3A_185 = arith.subi %broadcast_in_dim3A_178, %mul3A_184 : vector<512x1xi32>
    %eq3A_186 = vector.broadcast %shift_right_logical3A_181 : vector<512x1xi32> to vector<512x16xi32>
    %eq3A_187 = arith.cmpi eq, %iota3A_32, %eq3A_186 : vector<512x16xi32>
    %jit3A_188 = arith.constant 0 : i32
    %broadcast_in_dim3A_189 = vector.broadcast %jit3A_188 : i32 to vector<512x16xi32>
    %select_n3A_190 = arith.select %eq3A_187, %sub3A_31, %broadcast_in_dim3A_189 : vector<512x16xi1>, vector<512x16xi32>
    %reduce_sum3A_191 = arith.constant dense<0> : vector<512xi32>
    %reduce_sum3A_192 = vector.multi_reduction <add>, %select_n3A_190, %reduce_sum3A_191 [1] : vector<512x16xi32> to vector<512xi32>
    %broadcast_in_dim3A_193 = vector.shape_cast %reduce_sum3A_192 : vector<512xi32> to vector<512x1xi32>
    %mul3A_194 = arith.constant 128 : i32
    %mul3A_195 = vector.broadcast %mul3A_194 : i32 to vector<512x1xi32>
    %mul3A_196 = arith.muli %sub3A_185, %mul3A_195 : vector<512x1xi32>
    %add3A_197 = arith.addi %broadcast_in_dim3A_193, %mul3A_196 : vector<512x1xi32>
    %add3A_198 = vector.broadcast %mul3A_34 : i32 to vector<512x1xi32>
    %add3A_199 = arith.addi %add3A_197, %add3A_198 : vector<512x1xi32>
    %swap3A_200 = arith.constant 0 : index
    %swap3A_201 = arith.constant 3 : index
    %swap3A_202 = vector.load %arg7[%swap3A_200, %swap3A_201] : memref<512x16xi32, #tpu.memory_space<vmem>>, vector<512x1xi32>
    tpu.vector_store %arg7[%swap3A_200, %swap3A_201], %add3A_199 {strides = array<i32>} : memref<512x16xi32, #tpu.memory_space<vmem>>, vector<512x1xi32>,
    %eq3A_203 = vector.broadcast %broadcast_in_dim3A_178 : vector<512x1xi32> to vector<512x1024xi32>
    %eq3A_204 = arith.cmpi eq, %select_n3A_175, %eq3A_203 : vector<512x1024xi32>
    %jit3A_205 = arith.constant 0x7F800000 : f32
    %broadcast_in_dim3A_206 = vector.broadcast %jit3A_205 : f32 to vector<512x1024xf32>
    %select_n3A_207 = arith.select %eq3A_204, %broadcast_in_dim3A_206, %get3A_167 : vector<512x1024xi1>, vector<512x1024xf32>
    %swap3A_208 = arith.constant 0 : index
    %swap3A_209 = arith.constant 0 : index
    %swap3A_210 = vector.load %arg8[%swap3A_208, %swap3A_209] : memref<512x1024xf32, #tpu.memory_space<vmem>>, vector<512x1024xf32>
    tpu.vector_store %arg8[%swap3A_208, %swap3A_209], %select_n3A_207 {strides = array<i32>} : memref<512x1024xf32, #tpu.memory_space<vmem>>, vector<512x1024xf32>,
    %get3A_211 = arith.constant 0 : index
    %get3A_212 = arith.constant 0 : index
    %get3A_213 = vector.load %arg8[%get3A_211, %get3A_212] : memref<512x1024xf32, #tpu.memory_space<vmem>>, vector<512x1024xf32>
    %reduce_min3A_214 = arith.constant dense<0x7F800000> : vector<512xf32>
    %reduce_min3A_215 = vector.multi_reduction <minimumf>, %get3A_213, %reduce_min3A_214 [1] : vector<512x1024xf32> to vector<512xf32>
    %broadcast_in_dim3A_216 = vector.shape_cast %reduce_min3A_215 : vector<512xf32> to vector<512x1xf32>
    %le3A_217 = vector.broadcast %broadcast_in_dim3A_216 : vector<512x1xf32> to vector<512x1024xf32>
    %le3A_218 = arith.cmpf ole, %get3A_213, %le3A_217 : vector<512x1024xf32>
    %jit3A_219 = arith.constant 1024 : i32
    %broadcast_in_dim3A_220 = vector.broadcast %jit3A_219 : i32 to vector<512x1024xi32>
    %select_n3A_221 = arith.select %le3A_218, %iota3A, %broadcast_in_dim3A_220 : vector<512x1024xi1>, vector<512x1024xi32>
    %reduce_min3A_222 = arith.constant dense<2147483647> : vector<512xi32>
    %reduce_min3A_223 = vector.multi_reduction <minsi>, %select_n3A_221, %reduce_min3A_222 [1] : vector<512x1024xi32> to vector<512xi32>
    %broadcast_in_dim3A_224 = vector.shape_cast %reduce_min3A_223 : vector<512xi32> to vector<512x1xi32>
    %shift_right_logical3A_225 = arith.constant 6 : i32
    %shift_right_logical3A_226 = vector.broadcast %shift_right_logical3A_225 : i32 to vector<512x1xi32>
    %shift_right_logical3A_227 = arith.shrui %broadcast_in_dim3A_224, %shift_right_logical3A_226 : vector<512x1xi32>
    %mul3A_228 = arith.constant 64 : i32
    %mul3A_229 = vector.broadcast %mul3A_228 : i32 to vector<512x1xi32>
    %mul3A_230 = arith.muli %shift_right_logical3A_227, %mul3A_229 : vector<512x1xi32>
    %sub3A_231 = arith.subi %broadcast_in_dim3A_224, %mul3A_230 : vector<512x1xi32>
    %eq3A_232 = vector.broadcast %shift_right_logical3A_227 : vector<512x1xi32> to vector<512x16xi32>
    %eq3A_233 = arith.cmpi eq, %iota3A_32, %eq3A_232 : vector<512x16xi32>
    %jit3A_234 = arith.constant 0 : i32
    %broadcast_in_dim3A_235 = vector.broadcast %jit3A_234 : i32 to vector<512x16xi32>
    %select_n3A_236 = arith.select %eq3A_233, %sub3A_31, %broadcast_in_dim3A_235 : vector<512x16xi1>, vector<512x16xi32>
    %reduce_sum3A_237 = arith.constant dense<0> : vector<512xi32>
    %reduce_sum3A_238 = vector.multi_reduction <add>, %select_n3A_236, %reduce_sum3A_237 [1] : vector<512x16xi32> to vector<512xi32>
    %broadcast_in_dim3A_239 = vector.shape_cast %reduce_sum3A_238 : vector<512xi32> to vector<512x1xi32>
    %mul3A_240 = arith.constant 128 : i32
    %mul3A_241 = vector.broadcast %mul3A_240 : i32 to vector<512x1xi32>
    %mul3A_242 = arith.muli %sub3A_231, %mul3A_241 : vector<512x1xi32>
    %add3A_243 = arith.addi %broadcast_in_dim3A_239, %mul3A_242 : vector<512x1xi32>
    %add3A_244 = vector.broadcast %mul3A_34 : i32 to vector<512x1xi32>
    %add3A_245 = arith.addi %add3A_243, %add3A_244 : vector<512x1xi32>
    %swap3A_246 = arith.constant 0 : index
    %swap3A_247 = arith.constant 4 : index
    %swap3A_248 = vector.load %arg7[%swap3A_246, %swap3A_247] : memref<512x16xi32, #tpu.memory_space<vmem>>, vector<512x1xi32>
    tpu.vector_store %arg7[%swap3A_246, %swap3A_247], %add3A_245 {strides = array<i32>} : memref<512x16xi32, #tpu.memory_space<vmem>>, vector<512x1xi32>,
    %eq3A_249 = vector.broadcast %broadcast_in_dim3A_224 : vector<512x1xi32> to vector<512x1024xi32>
    %eq3A_250 = arith.cmpi eq, %select_n3A_221, %eq3A_249 : vector<512x1024xi32>
    %jit3A_251 = arith.constant 0x7F800000 : f32
    %broadcast_in_dim3A_252 = vector.broadcast %jit3A_251 : f32 to vector<512x1024xf32>
    %select_n3A_253 = arith.select %eq3A_250, %broadcast_in_dim3A_252, %get3A_213 : vector<512x1024xi1>, vector<512x1024xf32>
    %swap3A_254 = arith.constant 0 : index
    %swap3A_255 = arith.constant 0 : index
    %swap3A_256 = vector.load %arg8[%swap3A_254, %swap3A_255] : memref<512x1024xf32, #tpu.memory_space<vmem>>, vector<512x1024xf32>
    tpu.vector_store %arg8[%swap3A_254, %swap3A_255], %select_n3A_253 {strides = array<i32>} : memref<512x1024xf32, #tpu.memory_space<vmem>>, vector<512x1024xf32>,
    %get3A_257 = arith.constant 0 : index
    %get3A_258 = arith.constant 0 : index
    %get3A_259 = vector.load %arg8[%get3A_257, %get3A_258] : memref<512x1024xf32, #tpu.memory_space<vmem>>, vector<512x1024xf32>
    %reduce_min3A_260 = arith.constant dense<0x7F800000> : vector<512xf32>
    %reduce_min3A_261 = vector.multi_reduction <minimumf>, %get3A_259, %reduce_min3A_260 [1] : vector<512x1024xf32> to vector<512xf32>
    %broadcast_in_dim3A_262 = vector.shape_cast %reduce_min3A_261 : vector<512xf32> to vector<512x1xf32>
    %le3A_263 = vector.broadcast %broadcast_in_dim3A_262 : vector<512x1xf32> to vector<512x1024xf32>
    %le3A_264 = arith.cmpf ole, %get3A_259, %le3A_263 : vector<512x1024xf32>
    %jit3A_265 = arith.constant 1024 : i32
    %broadcast_in_dim3A_266 = vector.broadcast %jit3A_265 : i32 to vector<512x1024xi32>
    %select_n3A_267 = arith.select %le3A_264, %iota3A, %broadcast_in_dim3A_266 : vector<512x1024xi1>, vector<512x1024xi32>
    %reduce_min3A_268 = arith.constant dense<2147483647> : vector<512xi32>
    %reduce_min3A_269 = vector.multi_reduction <minsi>, %select_n3A_267, %reduce_min3A_268 [1] : vector<512x1024xi32> to vector<512xi32>
    %broadcast_in_dim3A_270 = vector.shape_cast %reduce_min3A_269 : vector<512xi32> to vector<512x1xi32>
    %shift_right_logical3A_271 = arith.constant 6 : i32
    %shift_right_logical3A_272 = vector.broadcast %shift_right_logical3A_271 : i32 to vector<512x1xi32>
    %shift_right_logical3A_273 = arith.shrui %broadcast_in_dim3A_270, %shift_right_logical3A_272 : vector<512x1xi32>
    %mul3A_274 = arith.constant 64 : i32
    %mul3A_275 = vector.broadcast %mul3A_274 : i32 to vector<512x1xi32>
    %mul3A_276 = arith.muli %shift_right_logical3A_273, %mul3A_275 : vector<512x1xi32>
    %sub3A_277 = arith.subi %broadcast_in_dim3A_270, %mul3A_276 : vector<512x1xi32>
    %eq3A_278 = vector.broadcast %shift_right_logical3A_273 : vector<512x1xi32> to vector<512x16xi32>
    %eq3A_279 = arith.cmpi eq, %iota3A_32, %eq3A_278 : vector<512x16xi32>
    %jit3A_280 = arith.constant 0 : i32
    %broadcast_in_dim3A_281 = vector.broadcast %jit3A_280 : i32 to vector<512x16xi32>
    %select_n3A_282 = arith.select %eq3A_279, %sub3A_31, %broadcast_in_dim3A_281 : vector<512x16xi1>, vector<512x16xi32>
    %reduce_sum3A_283 = arith.constant dense<0> : vector<512xi32>
    %reduce_sum3A_284 = vector.multi_reduction <add>, %select_n3A_282, %reduce_sum3A_283 [1] : vector<512x16xi32> to vector<512xi32>
    %broadcast_in_dim3A_285 = vector.shape_cast %reduce_sum3A_284 : vector<512xi32> to vector<512x1xi32>
    %mul3A_286 = arith.constant 128 : i32
    %mul3A_287 = vector.broadcast %mul3A_286 : i32 to vector<512x1xi32>
    %mul3A_288 = arith.muli %sub3A_277, %mul3A_287 : vector<512x1xi32>
    %add3A_289 = arith.addi %broadcast_in_dim3A_285, %mul3A_288 : vector<512x1xi32>
    %add3A_290 = vector.broadcast %mul3A_34 : i32 to vector<512x1xi32>
    %add3A_291 = arith.addi %add3A_289, %add3A_290 : vector<512x1xi32>
    %swap3A_292 = arith.constant 0 : index
    %swap3A_293 = arith.constant 5 : index
    %swap3A_294 = vector.load %arg7[%swap3A_292, %swap3A_293] : memref<512x16xi32, #tpu.memory_space<vmem>>, vector<512x1xi32>
    tpu.vector_store %arg7[%swap3A_292, %swap3A_293], %add3A_291 {strides = array<i32>} : memref<512x16xi32, #tpu.memory_space<vmem>>, vector<512x1xi32>,
    %eq3A_295 = vector.broadcast %broadcast_in_dim3A_270 : vector<512x1xi32> to vector<512x1024xi32>
    %eq3A_296 = arith.cmpi eq, %select_n3A_267, %eq3A_295 : vector<512x1024xi32>
    %jit3A_297 = arith.constant 0x7F800000 : f32
    %broadcast_in_dim3A_298 = vector.broadcast %jit3A_297 : f32 to vector<512x1024xf32>
    %select_n3A_299 = arith.select %eq3A_296, %broadcast_in_dim3A_298, %get3A_259 : vector<512x1024xi1>, vector<512x1024xf32>
    %swap3A_300 = arith.constant 0 : index
    %swap3A_301 = arith.constant 0 : index
    %swap3A_302 = vector.load %arg8[%swap3A_300, %swap3A_301] : memref<512x1024xf32, #tpu.memory_space<vmem>>, vector<512x1024xf32>
    tpu.vector_store %arg8[%swap3A_300, %swap3A_301], %select_n3A_299 {strides = array<i32>} : memref<512x1024xf32, #tpu.memory_space<vmem>>, vector<512x1024xf32>,
    %get3A_303 = arith.constant 0 : index
    %get3A_304 = arith.constant 0 : index
    %get3A_305 = vector.load %arg8[%get3A_303, %get3A_304] : memref<512x1024xf32, #tpu.memory_space<vmem>>, vector<512x1024xf32>
    %reduce_min3A_306 = arith.constant dense<0x7F800000> : vector<512xf32>
    %reduce_min3A_307 = vector.multi_reduction <minimumf>, %get3A_305, %reduce_min3A_306 [1] : vector<512x1024xf32> to vector<512xf32>
    %broadcast_in_dim3A_308 = vector.shape_cast %reduce_min3A_307 : vector<512xf32> to vector<512x1xf32>
    %le3A_309 = vector.broadcast %broadcast_in_dim3A_308 : vector<512x1xf32> to vector<512x1024xf32>
    %le3A_310 = arith.cmpf ole, %get3A_305, %le3A_309 : vector<512x1024xf32>
    %jit3A_311 = arith.constant 1024 : i32
    %broadcast_in_dim3A_312 = vector.broadcast %jit3A_311 : i32 to vector<512x1024xi32>
    %select_n3A_313 = arith.select %le3A_310, %iota3A, %broadcast_in_dim3A_312 : vector<512x1024xi1>, vector<512x1024xi32>
    %reduce_min3A_314 = arith.constant dense<2147483647> : vector<512xi32>
    %reduce_min3A_315 = vector.multi_reduction <minsi>, %select_n3A_313, %reduce_min3A_314 [1] : vector<512x1024xi32> to vector<512xi32>
    %broadcast_in_dim3A_316 = vector.shape_cast %reduce_min3A_315 : vector<512xi32> to vector<512x1xi32>
    %shift_right_logical3A_317 = arith.constant 6 : i32
    %shift_right_logical3A_318 = vector.broadcast %shift_right_logical3A_317 : i32 to vector<512x1xi32>
    %shift_right_logical3A_319 = arith.shrui %broadcast_in_dim3A_316, %shift_right_logical3A_318 : vector<512x1xi32>
    %mul3A_320 = arith.constant 64 : i32
    %mul3A_321 = vector.broadcast %mul3A_320 : i32 to vector<512x1xi32>
    %mul3A_322 = arith.muli %shift_right_logical3A_319, %mul3A_321 : vector<512x1xi32>
    %sub3A_323 = arith.subi %broadcast_in_dim3A_316, %mul3A_322 : vector<512x1xi32>
    %eq3A_324 = vector.broadcast %shift_right_logical3A_319 : vector<512x1xi32> to vector<512x16xi32>
    %eq3A_325 = arith.cmpi eq, %iota3A_32, %eq3A_324 : vector<512x16xi32>
    %jit3A_326 = arith.constant 0 : i32
    %broadcast_in_dim3A_327 = vector.broadcast %jit3A_326 : i32 to vector<512x16xi32>
    %select_n3A_328 = arith.select %eq3A_325, %sub3A_31, %broadcast_in_dim3A_327 : vector<512x16xi1>, vector<512x16xi32>
    %reduce_sum3A_329 = arith.constant dense<0> : vector<512xi32>
    %reduce_sum3A_330 = vector.multi_reduction <add>, %select_n3A_328, %reduce_sum3A_329 [1] : vector<512x16xi32> to vector<512xi32>
    %broadcast_in_dim3A_331 = vector.shape_cast %reduce_sum3A_330 : vector<512xi32> to vector<512x1xi32>
    %mul3A_332 = arith.constant 128 : i32
    %mul3A_333 = vector.broadcast %mul3A_332 : i32 to vector<512x1xi32>
    %mul3A_334 = arith.muli %sub3A_323, %mul3A_333 : vector<512x1xi32>
    %add3A_335 = arith.addi %broadcast_in_dim3A_331, %mul3A_334 : vector<512x1xi32>
    %add3A_336 = vector.broadcast %mul3A_34 : i32 to vector<512x1xi32>
    %add3A_337 = arith.addi %add3A_335, %add3A_336 : vector<512x1xi32>
    %swap3A_338 = arith.constant 0 : index
    %swap3A_339 = arith.constant 6 : index
    %swap3A_340 = vector.load %arg7[%swap3A_338, %swap3A_339] : memref<512x16xi32, #tpu.memory_space<vmem>>, vector<512x1xi32>
    tpu.vector_store %arg7[%swap3A_338, %swap3A_339], %add3A_337 {strides = array<i32>} : memref<512x16xi32, #tpu.memory_space<vmem>>, vector<512x1xi32>,
    %eq3A_341 = vector.broadcast %broadcast_in_dim3A_316 : vector<512x1xi32> to vector<512x1024xi32>
    %eq3A_342 = arith.cmpi eq, %select_n3A_313, %eq3A_341 : vector<512x1024xi32>
    %jit3A_343 = arith.constant 0x7F800000 : f32
    %broadcast_in_dim3A_344 = vector.broadcast %jit3A_343 : f32 to vector<512x1024xf32>
    %select_n3A_345 = arith.select %eq3A_342, %broadcast_in_dim3A_344, %get3A_305 : vector<512x1024xi1>, vector<512x1024xf32>
    %swap3A_346 = arith.constant 0 : index
    %swap3A_347 = arith.constant 0 : index
    %swap3A_348 = vector.load %arg8[%swap3A_346, %swap3A_347] : memref<512x1024xf32, #tpu.memory_space<vmem>>, vector<512x1024xf32>
    tpu.vector_store %arg8[%swap3A_346, %swap3A_347], %select_n3A_345 {strides = array<i32>} : memref<512x1024xf32, #tpu.memory_space<vmem>>, vector<512x1024xf32>,
    %get3A_349 = arith.constant 0 : index
    %get3A_350 = arith.constant 0 : index
    %get3A_351 = vector.load %arg8[%get3A_349, %get3A_350] : memref<512x1024xf32, #tpu.memory_space<vmem>>, vector<512x1024xf32>
    %reduce_min3A_352 = arith.constant dense<0x7F800000> : vector<512xf32>
    %reduce_min3A_353 = vector.multi_reduction <minimumf>, %get3A_351, %reduce_min3A_352 [1] : vector<512x1024xf32> to vector<512xf32>
    %broadcast_in_dim3A_354 = vector.shape_cast %reduce_min3A_353 : vector<512xf32> to vector<512x1xf32>
    %le3A_355 = vector.broadcast %broadcast_in_dim3A_354 : vector<512x1xf32> to vector<512x1024xf32>
    %le3A_356 = arith.cmpf ole, %get3A_351, %le3A_355 : vector<512x1024xf32>
    %jit3A_357 = arith.constant 1024 : i32
    %broadcast_in_dim3A_358 = vector.broadcast %jit3A_357 : i32 to vector<512x1024xi32>
    %select_n3A_359 = arith.select %le3A_356, %iota3A, %broadcast_in_dim3A_358 : vector<512x1024xi1>, vector<512x1024xi32>
    %reduce_min3A_360 = arith.constant dense<2147483647> : vector<512xi32>
    %reduce_min3A_361 = vector.multi_reduction <minsi>, %select_n3A_359, %reduce_min3A_360 [1] : vector<512x1024xi32> to vector<512xi32>
    %broadcast_in_dim3A_362 = vector.shape_cast %reduce_min3A_361 : vector<512xi32> to vector<512x1xi32>
    %shift_right_logical3A_363 = arith.constant 6 : i32
    %shift_right_logical3A_364 = vector.broadcast %shift_right_logical3A_363 : i32 to vector<512x1xi32>
    %shift_right_logical3A_365 = arith.shrui %broadcast_in_dim3A_362, %shift_right_logical3A_364 : vector<512x1xi32>
    %mul3A_366 = arith.constant 64 : i32
    %mul3A_367 = vector.broadcast %mul3A_366 : i32 to vector<512x1xi32>
    %mul3A_368 = arith.muli %shift_right_logical3A_365, %mul3A_367 : vector<512x1xi32>
    %sub3A_369 = arith.subi %broadcast_in_dim3A_362, %mul3A_368 : vector<512x1xi32>
    %eq3A_370 = vector.broadcast %shift_right_logical3A_365 : vector<512x1xi32> to vector<512x16xi32>
    %eq3A_371 = arith.cmpi eq, %iota3A_32, %eq3A_370 : vector<512x16xi32>
    %jit3A_372 = arith.constant 0 : i32
    %broadcast_in_dim3A_373 = vector.broadcast %jit3A_372 : i32 to vector<512x16xi32>
    %select_n3A_374 = arith.select %eq3A_371, %sub3A_31, %broadcast_in_dim3A_373 : vector<512x16xi1>, vector<512x16xi32>
    %reduce_sum3A_375 = arith.constant dense<0> : vector<512xi32>
    %reduce_sum3A_376 = vector.multi_reduction <add>, %select_n3A_374, %reduce_sum3A_375 [1] : vector<512x16xi32> to vector<512xi32>
    %broadcast_in_dim3A_377 = vector.shape_cast %reduce_sum3A_376 : vector<512xi32> to vector<512x1xi32>
    %mul3A_378 = arith.constant 128 : i32
    %mul3A_379 = vector.broadcast %mul3A_378 : i32 to vector<512x1xi32>
    %mul3A_380 = arith.muli %sub3A_369, %mul3A_379 : vector<512x1xi32>
    %add3A_381 = arith.addi %broadcast_in_dim3A_377, %mul3A_380 : vector<512x1xi32>
    %add3A_382 = vector.broadcast %mul3A_34 : i32 to vector<512x1xi32>
    %add3A_383 = arith.addi %add3A_381, %add3A_382 : vector<512x1xi32>
    %swap3A_384 = arith.constant 0 : index
    %swap3A_385 = arith.constant 7 : index
    %swap3A_386 = vector.load %arg7[%swap3A_384, %swap3A_385] : memref<512x16xi32, #tpu.memory_space<vmem>>, vector<512x1xi32>
    tpu.vector_store %arg7[%swap3A_384, %swap3A_385], %add3A_383 {strides = array<i32>} : memref<512x16xi32, #tpu.memory_space<vmem>>, vector<512x1xi32>,
    %eq3A_387 = vector.broadcast %broadcast_in_dim3A_362 : vector<512x1xi32> to vector<512x1024xi32>
    %eq3A_388 = arith.cmpi eq, %select_n3A_359, %eq3A_387 : vector<512x1024xi32>
    %jit3A_389 = arith.constant 0x7F800000 : f32
    %broadcast_in_dim3A_390 = vector.broadcast %jit3A_389 : f32 to vector<512x1024xf32>
    %select_n3A_391 = arith.select %eq3A_388, %broadcast_in_dim3A_390, %get3A_351 : vector<512x1024xi1>, vector<512x1024xf32>
    %swap3A_392 = arith.constant 0 : index
    %swap3A_393 = arith.constant 0 : index
    %swap3A_394 = vector.load %arg8[%swap3A_392, %swap3A_393] : memref<512x1024xf32, #tpu.memory_space<vmem>>, vector<512x1024xf32>
    tpu.vector_store %arg8[%swap3A_392, %swap3A_393], %select_n3A_391 {strides = array<i32>} : memref<512x1024xf32, #tpu.memory_space<vmem>>, vector<512x1024xf32>,
    %get3A_395 = arith.constant 0 : index
    %get3A_396 = arith.constant 0 : index
    %get3A_397 = vector.load %arg8[%get3A_395, %get3A_396] : memref<512x1024xf32, #tpu.memory_space<vmem>>, vector<512x1024xf32>
    %reduce_min3A_398 = arith.constant dense<0x7F800000> : vector<512xf32>
    %reduce_min3A_399 = vector.multi_reduction <minimumf>, %get3A_397, %reduce_min3A_398 [1] : vector<512x1024xf32> to vector<512xf32>
    %broadcast_in_dim3A_400 = vector.shape_cast %reduce_min3A_399 : vector<512xf32> to vector<512x1xf32>
    %le3A_401 = vector.broadcast %broadcast_in_dim3A_400 : vector<512x1xf32> to vector<512x1024xf32>
    %le3A_402 = arith.cmpf ole, %get3A_397, %le3A_401 : vector<512x1024xf32>
    %jit3A_403 = arith.constant 1024 : i32
    %broadcast_in_dim3A_404 = vector.broadcast %jit3A_403 : i32 to vector<512x1024xi32>
    %select_n3A_405 = arith.select %le3A_402, %iota3A, %broadcast_in_dim3A_404 : vector<512x1024xi1>, vector<512x1024xi32>
    %reduce_min3A_406 = arith.constant dense<2147483647> : vector<512xi32>
    %reduce_min3A_407 = vector.multi_reduction <minsi>, %select_n3A_405, %reduce_min3A_406 [1] : vector<512x1024xi32> to vector<512xi32>
    %broadcast_in_dim3A_408 = vector.shape_cast %reduce_min3A_407 : vector<512xi32> to vector<512x1xi32>
    %shift_right_logical3A_409 = arith.constant 6 : i32
    %shift_right_logical3A_410 = vector.broadcast %shift_right_logical3A_409 : i32 to vector<512x1xi32>
    %shift_right_logical3A_411 = arith.shrui %broadcast_in_dim3A_408, %shift_right_logical3A_410 : vector<512x1xi32>
    %mul3A_412 = arith.constant 64 : i32
    %mul3A_413 = vector.broadcast %mul3A_412 : i32 to vector<512x1xi32>
    %mul3A_414 = arith.muli %shift_right_logical3A_411, %mul3A_413 : vector<512x1xi32>
    %sub3A_415 = arith.subi %broadcast_in_dim3A_408, %mul3A_414 : vector<512x1xi32>
    %eq3A_416 = vector.broadcast %shift_right_logical3A_411 : vector<512x1xi32> to vector<512x16xi32>
    %eq3A_417 = arith.cmpi eq, %iota3A_32, %eq3A_416 : vector<512x16xi32>
    %jit3A_418 = arith.constant 0 : i32
    %broadcast_in_dim3A_419 = vector.broadcast %jit3A_418 : i32 to vector<512x16xi32>
    %select_n3A_420 = arith.select %eq3A_417, %sub3A_31, %broadcast_in_dim3A_419 : vector<512x16xi1>, vector<512x16xi32>
    %reduce_sum3A_421 = arith.constant dense<0> : vector<512xi32>
    %reduce_sum3A_422 = vector.multi_reduction <add>, %select_n3A_420, %reduce_sum3A_421 [1] : vector<512x16xi32> to vector<512xi32>
    %broadcast_in_dim3A_423 = vector.shape_cast %reduce_sum3A_422 : vector<512xi32> to vector<512x1xi32>
    %mul3A_424 = arith.constant 128 : i32
    %mul3A_425 = vector.broadcast %mul3A_424 : i32 to vector<512x1xi32>
    %mul3A_426 = arith.muli %sub3A_415, %mul3A_425 : vector<512x1xi32>
    %add3A_427 = arith.addi %broadcast_in_dim3A_423, %mul3A_426 : vector<512x1xi32>
    %add3A_428 = vector.broadcast %mul3A_34 : i32 to vector<512x1xi32>
    %add3A_429 = arith.addi %add3A_427, %add3A_428 : vector<512x1xi32>
    %swap3A_430 = arith.constant 0 : index
    %swap3A_431 = arith.constant 8 : index
    %swap3A_432 = vector.load %arg7[%swap3A_430, %swap3A_431] : memref<512x16xi32, #tpu.memory_space<vmem>>, vector<512x1xi32>
    tpu.vector_store %arg7[%swap3A_430, %swap3A_431], %add3A_429 {strides = array<i32>} : memref<512x16xi32, #tpu.memory_space<vmem>>, vector<512x1xi32>,
    %eq3A_433 = vector.broadcast %broadcast_in_dim3A_408 : vector<512x1xi32> to vector<512x1024xi32>
    %eq3A_434 = arith.cmpi eq, %select_n3A_405, %eq3A_433 : vector<512x1024xi32>
    %jit3A_435 = arith.constant 0x7F800000 : f32
    %broadcast_in_dim3A_436 = vector.broadcast %jit3A_435 : f32 to vector<512x1024xf32>
    %select_n3A_437 = arith.select %eq3A_434, %broadcast_in_dim3A_436, %get3A_397 : vector<512x1024xi1>, vector<512x1024xf32>
    %swap3A_438 = arith.constant 0 : index
    %swap3A_439 = arith.constant 0 : index
    %swap3A_440 = vector.load %arg8[%swap3A_438, %swap3A_439] : memref<512x1024xf32, #tpu.memory_space<vmem>>, vector<512x1024xf32>
    tpu.vector_store %arg8[%swap3A_438, %swap3A_439], %select_n3A_437 {strides = array<i32>} : memref<512x1024xf32, #tpu.memory_space<vmem>>, vector<512x1024xf32>,
    %get3A_441 = arith.constant 0 : index
    %get3A_442 = arith.constant 0 : index
    %get3A_443 = vector.load %arg8[%get3A_441, %get3A_442] : memref<512x1024xf32, #tpu.memory_space<vmem>>, vector<512x1024xf32>
    %reduce_min3A_444 = arith.constant dense<0x7F800000> : vector<512xf32>
    %reduce_min3A_445 = vector.multi_reduction <minimumf>, %get3A_443, %reduce_min3A_444 [1] : vector<512x1024xf32> to vector<512xf32>
    %broadcast_in_dim3A_446 = vector.shape_cast %reduce_min3A_445 : vector<512xf32> to vector<512x1xf32>
    %le3A_447 = vector.broadcast %broadcast_in_dim3A_446 : vector<512x1xf32> to vector<512x1024xf32>
    %le3A_448 = arith.cmpf ole, %get3A_443, %le3A_447 : vector<512x1024xf32>
    %jit3A_449 = arith.constant 1024 : i32
    %broadcast_in_dim3A_450 = vector.broadcast %jit3A_449 : i32 to vector<512x1024xi32>
    %select_n3A_451 = arith.select %le3A_448, %iota3A, %broadcast_in_dim3A_450 : vector<512x1024xi1>, vector<512x1024xi32>
    %reduce_min3A_452 = arith.constant dense<2147483647> : vector<512xi32>
    %reduce_min3A_453 = vector.multi_reduction <minsi>, %select_n3A_451, %reduce_min3A_452 [1] : vector<512x1024xi32> to vector<512xi32>
    %broadcast_in_dim3A_454 = vector.shape_cast %reduce_min3A_453 : vector<512xi32> to vector<512x1xi32>
    %shift_right_logical3A_455 = arith.constant 6 : i32
    %shift_right_logical3A_456 = vector.broadcast %shift_right_logical3A_455 : i32 to vector<512x1xi32>
    %shift_right_logical3A_457 = arith.shrui %broadcast_in_dim3A_454, %shift_right_logical3A_456 : vector<512x1xi32>
    %mul3A_458 = arith.constant 64 : i32
    %mul3A_459 = vector.broadcast %mul3A_458 : i32 to vector<512x1xi32>
    %mul3A_460 = arith.muli %shift_right_logical3A_457, %mul3A_459 : vector<512x1xi32>
    %sub3A_461 = arith.subi %broadcast_in_dim3A_454, %mul3A_460 : vector<512x1xi32>
    %eq3A_462 = vector.broadcast %shift_right_logical3A_457 : vector<512x1xi32> to vector<512x16xi32>
    %eq3A_463 = arith.cmpi eq, %iota3A_32, %eq3A_462 : vector<512x16xi32>
    %jit3A_464 = arith.constant 0 : i32
    %broadcast_in_dim3A_465 = vector.broadcast %jit3A_464 : i32 to vector<512x16xi32>
    %select_n3A_466 = arith.select %eq3A_463, %sub3A_31, %broadcast_in_dim3A_465 : vector<512x16xi1>, vector<512x16xi32>
    %reduce_sum3A_467 = arith.constant dense<0> : vector<512xi32>
    %reduce_sum3A_468 = vector.multi_reduction <add>, %select_n3A_466, %reduce_sum3A_467 [1] : vector<512x16xi32> to vector<512xi32>
    %broadcast_in_dim3A_469 = vector.shape_cast %reduce_sum3A_468 : vector<512xi32> to vector<512x1xi32>
    %mul3A_470 = arith.constant 128 : i32
    %mul3A_471 = vector.broadcast %mul3A_470 : i32 to vector<512x1xi32>
    %mul3A_472 = arith.muli %sub3A_461, %mul3A_471 : vector<512x1xi32>
    %add3A_473 = arith.addi %broadcast_in_dim3A_469, %mul3A_472 : vector<512x1xi32>
    %add3A_474 = vector.broadcast %mul3A_34 : i32 to vector<512x1xi32>
    %add3A_475 = arith.addi %add3A_473, %add3A_474 : vector<512x1xi32>
    %swap3A_476 = arith.constant 0 : index
    %swap3A_477 = arith.constant 9 : index
    %swap3A_478 = vector.load %arg7[%swap3A_476, %swap3A_477] : memref<512x16xi32, #tpu.memory_space<vmem>>, vector<512x1xi32>
    tpu.vector_store %arg7[%swap3A_476, %swap3A_477], %add3A_475 {strides = array<i32>} : memref<512x16xi32, #tpu.memory_space<vmem>>, vector<512x1xi32>,
    %eq3A_479 = vector.broadcast %broadcast_in_dim3A_454 : vector<512x1xi32> to vector<512x1024xi32>
    %eq3A_480 = arith.cmpi eq, %select_n3A_451, %eq3A_479 : vector<512x1024xi32>
    %jit3A_481 = arith.constant 0x7F800000 : f32
    %broadcast_in_dim3A_482 = vector.broadcast %jit3A_481 : f32 to vector<512x1024xf32>
    %select_n3A_483 = arith.select %eq3A_480, %broadcast_in_dim3A_482, %get3A_443 : vector<512x1024xi1>, vector<512x1024xf32>
    %swap3A_484 = arith.constant 0 : index
    %swap3A_485 = arith.constant 0 : index
    %swap3A_486 = vector.load %arg8[%swap3A_484, %swap3A_485] : memref<512x1024xf32, #tpu.memory_space<vmem>>, vector<512x1024xf32>
    tpu.vector_store %arg8[%swap3A_484, %swap3A_485], %select_n3A_483 {strides = array<i32>} : memref<512x1024xf32, #tpu.memory_space<vmem>>, vector<512x1024xf32>,
    %get3A_487 = arith.constant 0 : index
    %get3A_488 = arith.constant 0 : index
    %get3A_489 = vector.load %arg8[%get3A_487, %get3A_488] : memref<512x1024xf32, #tpu.memory_space<vmem>>, vector<512x1024xf32>
    %reduce_min3A_490 = arith.constant dense<0x7F800000> : vector<512xf32>
    %reduce_min3A_491 = vector.multi_reduction <minimumf>, %get3A_489, %reduce_min3A_490 [1] : vector<512x1024xf32> to vector<512xf32>
    %broadcast_in_dim3A_492 = vector.shape_cast %reduce_min3A_491 : vector<512xf32> to vector<512x1xf32>
    %le3A_493 = vector.broadcast %broadcast_in_dim3A_492 : vector<512x1xf32> to vector<512x1024xf32>
    %le3A_494 = arith.cmpf ole, %get3A_489, %le3A_493 : vector<512x1024xf32>
    %jit3A_495 = arith.constant 1024 : i32
    %broadcast_in_dim3A_496 = vector.broadcast %jit3A_495 : i32 to vector<512x1024xi32>
    %select_n3A_497 = arith.select %le3A_494, %iota3A, %broadcast_in_dim3A_496 : vector<512x1024xi1>, vector<512x1024xi32>
    %reduce_min3A_498 = arith.constant dense<2147483647> : vector<512xi32>
    %reduce_min3A_499 = vector.multi_reduction <minsi>, %select_n3A_497, %reduce_min3A_498 [1] : vector<512x1024xi32> to vector<512xi32>
    %broadcast_in_dim3A_500 = vector.shape_cast %reduce_min3A_499 : vector<512xi32> to vector<512x1xi32>
    %shift_right_logical3A_501 = arith.constant 6 : i32
    %shift_right_logical3A_502 = vector.broadcast %shift_right_logical3A_501 : i32 to vector<512x1xi32>
    %shift_right_logical3A_503 = arith.shrui %broadcast_in_dim3A_500, %shift_right_logical3A_502 : vector<512x1xi32>
    %mul3A_504 = arith.constant 64 : i32
    %mul3A_505 = vector.broadcast %mul3A_504 : i32 to vector<512x1xi32>
    %mul3A_506 = arith.muli %shift_right_logical3A_503, %mul3A_505 : vector<512x1xi32>
    %sub3A_507 = arith.subi %broadcast_in_dim3A_500, %mul3A_506 : vector<512x1xi32>
    %eq3A_508 = vector.broadcast %shift_right_logical3A_503 : vector<512x1xi32> to vector<512x16xi32>
    %eq3A_509 = arith.cmpi eq, %iota3A_32, %eq3A_508 : vector<512x16xi32>
    %jit3A_510 = arith.constant 0 : i32
    %broadcast_in_dim3A_511 = vector.broadcast %jit3A_510 : i32 to vector<512x16xi32>
    %select_n3A_512 = arith.select %eq3A_509, %sub3A_31, %broadcast_in_dim3A_511 : vector<512x16xi1>, vector<512x16xi32>
    %reduce_sum3A_513 = arith.constant dense<0> : vector<512xi32>
    %reduce_sum3A_514 = vector.multi_reduction <add>, %select_n3A_512, %reduce_sum3A_513 [1] : vector<512x16xi32> to vector<512xi32>
    %broadcast_in_dim3A_515 = vector.shape_cast %reduce_sum3A_514 : vector<512xi32> to vector<512x1xi32>
    %mul3A_516 = arith.constant 128 : i32
    %mul3A_517 = vector.broadcast %mul3A_516 : i32 to vector<512x1xi32>
    %mul3A_518 = arith.muli %sub3A_507, %mul3A_517 : vector<512x1xi32>
    %add3A_519 = arith.addi %broadcast_in_dim3A_515, %mul3A_518 : vector<512x1xi32>
    %add3A_520 = vector.broadcast %mul3A_34 : i32 to vector<512x1xi32>
    %add3A_521 = arith.addi %add3A_519, %add3A_520 : vector<512x1xi32>
    %swap3A_522 = arith.constant 0 : index
    %swap3A_523 = arith.constant 10 : index
    %swap3A_524 = vector.load %arg7[%swap3A_522, %swap3A_523] : memref<512x16xi32, #tpu.memory_space<vmem>>, vector<512x1xi32>
    tpu.vector_store %arg7[%swap3A_522, %swap3A_523], %add3A_521 {strides = array<i32>} : memref<512x16xi32, #tpu.memory_space<vmem>>, vector<512x1xi32>,
    %eq3A_525 = vector.broadcast %broadcast_in_dim3A_500 : vector<512x1xi32> to vector<512x1024xi32>
    %eq3A_526 = arith.cmpi eq, %select_n3A_497, %eq3A_525 : vector<512x1024xi32>
    %jit3A_527 = arith.constant 0x7F800000 : f32
    %broadcast_in_dim3A_528 = vector.broadcast %jit3A_527 : f32 to vector<512x1024xf32>
    %select_n3A_529 = arith.select %eq3A_526, %broadcast_in_dim3A_528, %get3A_489 : vector<512x1024xi1>, vector<512x1024xf32>
    %swap3A_530 = arith.constant 0 : index
    %swap3A_531 = arith.constant 0 : index
    %swap3A_532 = vector.load %arg8[%swap3A_530, %swap3A_531] : memref<512x1024xf32, #tpu.memory_space<vmem>>, vector<512x1024xf32>
    tpu.vector_store %arg8[%swap3A_530, %swap3A_531], %select_n3A_529 {strides = array<i32>} : memref<512x1024xf32, #tpu.memory_space<vmem>>, vector<512x1024xf32>,
    %get3A_533 = arith.constant 0 : index
    %get3A_534 = arith.constant 0 : index
    %get3A_535 = vector.load %arg8[%get3A_533, %get3A_534] : memref<512x1024xf32, #tpu.memory_space<vmem>>, vector<512x1024xf32>
    %reduce_min3A_536 = arith.constant dense<0x7F800000> : vector<512xf32>
    %reduce_min3A_537 = vector.multi_reduction <minimumf>, %get3A_535, %reduce_min3A_536 [1] : vector<512x1024xf32> to vector<512xf32>
    %broadcast_in_dim3A_538 = vector.shape_cast %reduce_min3A_537 : vector<512xf32> to vector<512x1xf32>
    %le3A_539 = vector.broadcast %broadcast_in_dim3A_538 : vector<512x1xf32> to vector<512x1024xf32>
    %le3A_540 = arith.cmpf ole, %get3A_535, %le3A_539 : vector<512x1024xf32>
    %jit3A_541 = arith.constant 1024 : i32
    %broadcast_in_dim3A_542 = vector.broadcast %jit3A_541 : i32 to vector<512x1024xi32>
    %select_n3A_543 = arith.select %le3A_540, %iota3A, %broadcast_in_dim3A_542 : vector<512x1024xi1>, vector<512x1024xi32>
    %reduce_min3A_544 = arith.constant dense<2147483647> : vector<512xi32>
    %reduce_min3A_545 = vector.multi_reduction <minsi>, %select_n3A_543, %reduce_min3A_544 [1] : vector<512x1024xi32> to vector<512xi32>
    %broadcast_in_dim3A_546 = vector.shape_cast %reduce_min3A_545 : vector<512xi32> to vector<512x1xi32>
    %shift_right_logical3A_547 = arith.constant 6 : i32
    %shift_right_logical3A_548 = vector.broadcast %shift_right_logical3A_547 : i32 to vector<512x1xi32>
    %shift_right_logical3A_549 = arith.shrui %broadcast_in_dim3A_546, %shift_right_logical3A_548 : vector<512x1xi32>
    %mul3A_550 = arith.constant 64 : i32
    %mul3A_551 = vector.broadcast %mul3A_550 : i32 to vector<512x1xi32>
    %mul3A_552 = arith.muli %shift_right_logical3A_549, %mul3A_551 : vector<512x1xi32>
    %sub3A_553 = arith.subi %broadcast_in_dim3A_546, %mul3A_552 : vector<512x1xi32>
    %eq3A_554 = vector.broadcast %shift_right_logical3A_549 : vector<512x1xi32> to vector<512x16xi32>
    %eq3A_555 = arith.cmpi eq, %iota3A_32, %eq3A_554 : vector<512x16xi32>
    %jit3A_556 = arith.constant 0 : i32
    %broadcast_in_dim3A_557 = vector.broadcast %jit3A_556 : i32 to vector<512x16xi32>
    %select_n3A_558 = arith.select %eq3A_555, %sub3A_31, %broadcast_in_dim3A_557 : vector<512x16xi1>, vector<512x16xi32>
    %reduce_sum3A_559 = arith.constant dense<0> : vector<512xi32>
    %reduce_sum3A_560 = vector.multi_reduction <add>, %select_n3A_558, %reduce_sum3A_559 [1] : vector<512x16xi32> to vector<512xi32>
    %broadcast_in_dim3A_561 = vector.shape_cast %reduce_sum3A_560 : vector<512xi32> to vector<512x1xi32>
    %mul3A_562 = arith.constant 128 : i32
    %mul3A_563 = vector.broadcast %mul3A_562 : i32 to vector<512x1xi32>
    %mul3A_564 = arith.muli %sub3A_553, %mul3A_563 : vector<512x1xi32>
    %add3A_565 = arith.addi %broadcast_in_dim3A_561, %mul3A_564 : vector<512x1xi32>
    %add3A_566 = vector.broadcast %mul3A_34 : i32 to vector<512x1xi32>
    %add3A_567 = arith.addi %add3A_565, %add3A_566 : vector<512x1xi32>
    %swap3A_568 = arith.constant 0 : index
    %swap3A_569 = arith.constant 11 : index
    %swap3A_570 = vector.load %arg7[%swap3A_568, %swap3A_569] : memref<512x16xi32, #tpu.memory_space<vmem>>, vector<512x1xi32>
    tpu.vector_store %arg7[%swap3A_568, %swap3A_569], %add3A_567 {strides = array<i32>} : memref<512x16xi32, #tpu.memory_space<vmem>>, vector<512x1xi32>,
    %eq3A_571 = vector.broadcast %broadcast_in_dim3A_546 : vector<512x1xi32> to vector<512x1024xi32>
    %eq3A_572 = arith.cmpi eq, %select_n3A_543, %eq3A_571 : vector<512x1024xi32>
    %jit3A_573 = arith.constant 0x7F800000 : f32
    %broadcast_in_dim3A_574 = vector.broadcast %jit3A_573 : f32 to vector<512x1024xf32>
    %select_n3A_575 = arith.select %eq3A_572, %broadcast_in_dim3A_574, %get3A_535 : vector<512x1024xi1>, vector<512x1024xf32>
    %swap3A_576 = arith.constant 0 : index
    %swap3A_577 = arith.constant 0 : index
    %swap3A_578 = vector.load %arg8[%swap3A_576, %swap3A_577] : memref<512x1024xf32, #tpu.memory_space<vmem>>, vector<512x1024xf32>
    tpu.vector_store %arg8[%swap3A_576, %swap3A_577], %select_n3A_575 {strides = array<i32>} : memref<512x1024xf32, #tpu.memory_space<vmem>>, vector<512x1024xf32>,
    %get3A_579 = arith.constant 0 : index
    %get3A_580 = arith.constant 0 : index
    %get3A_581 = vector.load %arg8[%get3A_579, %get3A_580] : memref<512x1024xf32, #tpu.memory_space<vmem>>, vector<512x1024xf32>
    %reduce_min3A_582 = arith.constant dense<0x7F800000> : vector<512xf32>
    %reduce_min3A_583 = vector.multi_reduction <minimumf>, %get3A_581, %reduce_min3A_582 [1] : vector<512x1024xf32> to vector<512xf32>
    %broadcast_in_dim3A_584 = vector.shape_cast %reduce_min3A_583 : vector<512xf32> to vector<512x1xf32>
    %le3A_585 = vector.broadcast %broadcast_in_dim3A_584 : vector<512x1xf32> to vector<512x1024xf32>
    %le3A_586 = arith.cmpf ole, %get3A_581, %le3A_585 : vector<512x1024xf32>
    %jit3A_587 = arith.constant 1024 : i32
    %broadcast_in_dim3A_588 = vector.broadcast %jit3A_587 : i32 to vector<512x1024xi32>
    %select_n3A_589 = arith.select %le3A_586, %iota3A, %broadcast_in_dim3A_588 : vector<512x1024xi1>, vector<512x1024xi32>
    %reduce_min3A_590 = arith.constant dense<2147483647> : vector<512xi32>
    %reduce_min3A_591 = vector.multi_reduction <minsi>, %select_n3A_589, %reduce_min3A_590 [1] : vector<512x1024xi32> to vector<512xi32>
    %broadcast_in_dim3A_592 = vector.shape_cast %reduce_min3A_591 : vector<512xi32> to vector<512x1xi32>
    %shift_right_logical3A_593 = arith.constant 6 : i32
    %shift_right_logical3A_594 = vector.broadcast %shift_right_logical3A_593 : i32 to vector<512x1xi32>
    %shift_right_logical3A_595 = arith.shrui %broadcast_in_dim3A_592, %shift_right_logical3A_594 : vector<512x1xi32>
    %mul3A_596 = arith.constant 64 : i32
    %mul3A_597 = vector.broadcast %mul3A_596 : i32 to vector<512x1xi32>
    %mul3A_598 = arith.muli %shift_right_logical3A_595, %mul3A_597 : vector<512x1xi32>
    %sub3A_599 = arith.subi %broadcast_in_dim3A_592, %mul3A_598 : vector<512x1xi32>
    %eq3A_600 = vector.broadcast %shift_right_logical3A_595 : vector<512x1xi32> to vector<512x16xi32>
    %eq3A_601 = arith.cmpi eq, %iota3A_32, %eq3A_600 : vector<512x16xi32>
    %jit3A_602 = arith.constant 0 : i32
    %broadcast_in_dim3A_603 = vector.broadcast %jit3A_602 : i32 to vector<512x16xi32>
    %select_n3A_604 = arith.select %eq3A_601, %sub3A_31, %broadcast_in_dim3A_603 : vector<512x16xi1>, vector<512x16xi32>
    %reduce_sum3A_605 = arith.constant dense<0> : vector<512xi32>
    %reduce_sum3A_606 = vector.multi_reduction <add>, %select_n3A_604, %reduce_sum3A_605 [1] : vector<512x16xi32> to vector<512xi32>
    %broadcast_in_dim3A_607 = vector.shape_cast %reduce_sum3A_606 : vector<512xi32> to vector<512x1xi32>
    %mul3A_608 = arith.constant 128 : i32
    %mul3A_609 = vector.broadcast %mul3A_608 : i32 to vector<512x1xi32>
    %mul3A_610 = arith.muli %sub3A_599, %mul3A_609 : vector<512x1xi32>
    %add3A_611 = arith.addi %broadcast_in_dim3A_607, %mul3A_610 : vector<512x1xi32>
    %add3A_612 = vector.broadcast %mul3A_34 : i32 to vector<512x1xi32>
    %add3A_613 = arith.addi %add3A_611, %add3A_612 : vector<512x1xi32>
    %swap3A_614 = arith.constant 0 : index
    %swap3A_615 = arith.constant 12 : index
    %swap3A_616 = vector.load %arg7[%swap3A_614, %swap3A_615] : memref<512x16xi32, #tpu.memory_space<vmem>>, vector<512x1xi32>
    tpu.vector_store %arg7[%swap3A_614, %swap3A_615], %add3A_613 {strides = array<i32>} : memref<512x16xi32, #tpu.memory_space<vmem>>, vector<512x1xi32>,
    %eq3A_617 = vector.broadcast %broadcast_in_dim3A_592 : vector<512x1xi32> to vector<512x1024xi32>
    %eq3A_618 = arith.cmpi eq, %select_n3A_589, %eq3A_617 : vector<512x1024xi32>
    %jit3A_619 = arith.constant 0x7F800000 : f32
    %broadcast_in_dim3A_620 = vector.broadcast %jit3A_619 : f32 to vector<512x1024xf32>
    %select_n3A_621 = arith.select %eq3A_618, %broadcast_in_dim3A_620, %get3A_581 : vector<512x1024xi1>, vector<512x1024xf32>
    %swap3A_622 = arith.constant 0 : index
    %swap3A_623 = arith.constant 0 : index
    %swap3A_624 = vector.load %arg8[%swap3A_622, %swap3A_623] : memref<512x1024xf32, #tpu.memory_space<vmem>>, vector<512x1024xf32>
    tpu.vector_store %arg8[%swap3A_622, %swap3A_623], %select_n3A_621 {strides = array<i32>} : memref<512x1024xf32, #tpu.memory_space<vmem>>, vector<512x1024xf32>,
    %get3A_625 = arith.constant 0 : index
    %get3A_626 = arith.constant 0 : index
    %get3A_627 = vector.load %arg8[%get3A_625, %get3A_626] : memref<512x1024xf32, #tpu.memory_space<vmem>>, vector<512x1024xf32>
    %reduce_min3A_628 = arith.constant dense<0x7F800000> : vector<512xf32>
    %reduce_min3A_629 = vector.multi_reduction <minimumf>, %get3A_627, %reduce_min3A_628 [1] : vector<512x1024xf32> to vector<512xf32>
    %broadcast_in_dim3A_630 = vector.shape_cast %reduce_min3A_629 : vector<512xf32> to vector<512x1xf32>
    %le3A_631 = vector.broadcast %broadcast_in_dim3A_630 : vector<512x1xf32> to vector<512x1024xf32>
    %le3A_632 = arith.cmpf ole, %get3A_627, %le3A_631 : vector<512x1024xf32>
    %jit3A_633 = arith.constant 1024 : i32
    %broadcast_in_dim3A_634 = vector.broadcast %jit3A_633 : i32 to vector<512x1024xi32>
    %select_n3A_635 = arith.select %le3A_632, %iota3A, %broadcast_in_dim3A_634 : vector<512x1024xi1>, vector<512x1024xi32>
    %reduce_min3A_636 = arith.constant dense<2147483647> : vector<512xi32>
    %reduce_min3A_637 = vector.multi_reduction <minsi>, %select_n3A_635, %reduce_min3A_636 [1] : vector<512x1024xi32> to vector<512xi32>
    %broadcast_in_dim3A_638 = vector.shape_cast %reduce_min3A_637 : vector<512xi32> to vector<512x1xi32>
    %shift_right_logical3A_639 = arith.constant 6 : i32
    %shift_right_logical3A_640 = vector.broadcast %shift_right_logical3A_639 : i32 to vector<512x1xi32>
    %shift_right_logical3A_641 = arith.shrui %broadcast_in_dim3A_638, %shift_right_logical3A_640 : vector<512x1xi32>
    %mul3A_642 = arith.constant 64 : i32
    %mul3A_643 = vector.broadcast %mul3A_642 : i32 to vector<512x1xi32>
    %mul3A_644 = arith.muli %shift_right_logical3A_641, %mul3A_643 : vector<512x1xi32>
    %sub3A_645 = arith.subi %broadcast_in_dim3A_638, %mul3A_644 : vector<512x1xi32>
    %eq3A_646 = vector.broadcast %shift_right_logical3A_641 : vector<512x1xi32> to vector<512x16xi32>
    %eq3A_647 = arith.cmpi eq, %iota3A_32, %eq3A_646 : vector<512x16xi32>
    %jit3A_648 = arith.constant 0 : i32
    %broadcast_in_dim3A_649 = vector.broadcast %jit3A_648 : i32 to vector<512x16xi32>
    %select_n3A_650 = arith.select %eq3A_647, %sub3A_31, %broadcast_in_dim3A_649 : vector<512x16xi1>, vector<512x16xi32>
    %reduce_sum3A_651 = arith.constant dense<0> : vector<512xi32>
    %reduce_sum3A_652 = vector.multi_reduction <add>, %select_n3A_650, %reduce_sum3A_651 [1] : vector<512x16xi32> to vector<512xi32>
    %broadcast_in_dim3A_653 = vector.shape_cast %reduce_sum3A_652 : vector<512xi32> to vector<512x1xi32>
    %mul3A_654 = arith.constant 128 : i32
    %mul3A_655 = vector.broadcast %mul3A_654 : i32 to vector<512x1xi32>
    %mul3A_656 = arith.muli %sub3A_645, %mul3A_655 : vector<512x1xi32>
    %add3A_657 = arith.addi %broadcast_in_dim3A_653, %mul3A_656 : vector<512x1xi32>
    %add3A_658 = vector.broadcast %mul3A_34 : i32 to vector<512x1xi32>
    %add3A_659 = arith.addi %add3A_657, %add3A_658 : vector<512x1xi32>
    %swap3A_660 = arith.constant 0 : index
    %swap3A_661 = arith.constant 13 : index
    %swap3A_662 = vector.load %arg7[%swap3A_660, %swap3A_661] : memref<512x16xi32, #tpu.memory_space<vmem>>, vector<512x1xi32>
    tpu.vector_store %arg7[%swap3A_660, %swap3A_661], %add3A_659 {strides = array<i32>} : memref<512x16xi32, #tpu.memory_space<vmem>>, vector<512x1xi32>,
    %eq3A_663 = vector.broadcast %broadcast_in_dim3A_638 : vector<512x1xi32> to vector<512x1024xi32>
    %eq3A_664 = arith.cmpi eq, %select_n3A_635, %eq3A_663 : vector<512x1024xi32>
    %jit3A_665 = arith.constant 0x7F800000 : f32
    %broadcast_in_dim3A_666 = vector.broadcast %jit3A_665 : f32 to vector<512x1024xf32>
    %select_n3A_667 = arith.select %eq3A_664, %broadcast_in_dim3A_666, %get3A_627 : vector<512x1024xi1>, vector<512x1024xf32>
    %swap3A_668 = arith.constant 0 : index
    %swap3A_669 = arith.constant 0 : index
    %swap3A_670 = vector.load %arg8[%swap3A_668, %swap3A_669] : memref<512x1024xf32, #tpu.memory_space<vmem>>, vector<512x1024xf32>
    tpu.vector_store %arg8[%swap3A_668, %swap3A_669], %select_n3A_667 {strides = array<i32>} : memref<512x1024xf32, #tpu.memory_space<vmem>>, vector<512x1024xf32>,
    %get3A_671 = arith.constant 0 : index
    %get3A_672 = arith.constant 0 : index
    %get3A_673 = vector.load %arg8[%get3A_671, %get3A_672] : memref<512x1024xf32, #tpu.memory_space<vmem>>, vector<512x1024xf32>
    %reduce_min3A_674 = arith.constant dense<0x7F800000> : vector<512xf32>
    %reduce_min3A_675 = vector.multi_reduction <minimumf>, %get3A_673, %reduce_min3A_674 [1] : vector<512x1024xf32> to vector<512xf32>
    %broadcast_in_dim3A_676 = vector.shape_cast %reduce_min3A_675 : vector<512xf32> to vector<512x1xf32>
    %le3A_677 = vector.broadcast %broadcast_in_dim3A_676 : vector<512x1xf32> to vector<512x1024xf32>
    %le3A_678 = arith.cmpf ole, %get3A_673, %le3A_677 : vector<512x1024xf32>
    %jit3A_679 = arith.constant 1024 : i32
    %broadcast_in_dim3A_680 = vector.broadcast %jit3A_679 : i32 to vector<512x1024xi32>
    %select_n3A_681 = arith.select %le3A_678, %iota3A, %broadcast_in_dim3A_680 : vector<512x1024xi1>, vector<512x1024xi32>
    %reduce_min3A_682 = arith.constant dense<2147483647> : vector<512xi32>
    %reduce_min3A_683 = vector.multi_reduction <minsi>, %select_n3A_681, %reduce_min3A_682 [1] : vector<512x1024xi32> to vector<512xi32>
    %broadcast_in_dim3A_684 = vector.shape_cast %reduce_min3A_683 : vector<512xi32> to vector<512x1xi32>
    %shift_right_logical3A_685 = arith.constant 6 : i32
    %shift_right_logical3A_686 = vector.broadcast %shift_right_logical3A_685 : i32 to vector<512x1xi32>
    %shift_right_logical3A_687 = arith.shrui %broadcast_in_dim3A_684, %shift_right_logical3A_686 : vector<512x1xi32>
    %mul3A_688 = arith.constant 64 : i32
    %mul3A_689 = vector.broadcast %mul3A_688 : i32 to vector<512x1xi32>
    %mul3A_690 = arith.muli %shift_right_logical3A_687, %mul3A_689 : vector<512x1xi32>
    %sub3A_691 = arith.subi %broadcast_in_dim3A_684, %mul3A_690 : vector<512x1xi32>
    %eq3A_692 = vector.broadcast %shift_right_logical3A_687 : vector<512x1xi32> to vector<512x16xi32>
    %eq3A_693 = arith.cmpi eq, %iota3A_32, %eq3A_692 : vector<512x16xi32>
    %jit3A_694 = arith.constant 0 : i32
    %broadcast_in_dim3A_695 = vector.broadcast %jit3A_694 : i32 to vector<512x16xi32>
    %select_n3A_696 = arith.select %eq3A_693, %sub3A_31, %broadcast_in_dim3A_695 : vector<512x16xi1>, vector<512x16xi32>
    %reduce_sum3A_697 = arith.constant dense<0> : vector<512xi32>
    %reduce_sum3A_698 = vector.multi_reduction <add>, %select_n3A_696, %reduce_sum3A_697 [1] : vector<512x16xi32> to vector<512xi32>
    %broadcast_in_dim3A_699 = vector.shape_cast %reduce_sum3A_698 : vector<512xi32> to vector<512x1xi32>
    %mul3A_700 = arith.constant 128 : i32
    %mul3A_701 = vector.broadcast %mul3A_700 : i32 to vector<512x1xi32>
    %mul3A_702 = arith.muli %sub3A_691, %mul3A_701 : vector<512x1xi32>
    %add3A_703 = arith.addi %broadcast_in_dim3A_699, %mul3A_702 : vector<512x1xi32>
    %add3A_704 = vector.broadcast %mul3A_34 : i32 to vector<512x1xi32>
    %add3A_705 = arith.addi %add3A_703, %add3A_704 : vector<512x1xi32>
    %swap3A_706 = arith.constant 0 : index
    %swap3A_707 = arith.constant 14 : index
    %swap3A_708 = vector.load %arg7[%swap3A_706, %swap3A_707] : memref<512x16xi32, #tpu.memory_space<vmem>>, vector<512x1xi32>
    tpu.vector_store %arg7[%swap3A_706, %swap3A_707], %add3A_705 {strides = array<i32>} : memref<512x16xi32, #tpu.memory_space<vmem>>, vector<512x1xi32>,
    %eq3A_709 = vector.broadcast %broadcast_in_dim3A_684 : vector<512x1xi32> to vector<512x1024xi32>
    %eq3A_710 = arith.cmpi eq, %select_n3A_681, %eq3A_709 : vector<512x1024xi32>
    %jit3A_711 = arith.constant 0x7F800000 : f32
    %broadcast_in_dim3A_712 = vector.broadcast %jit3A_711 : f32 to vector<512x1024xf32>
    %select_n3A_713 = arith.select %eq3A_710, %broadcast_in_dim3A_712, %get3A_673 : vector<512x1024xi1>, vector<512x1024xf32>
    %swap3A_714 = arith.constant 0 : index
    %swap3A_715 = arith.constant 0 : index
    %swap3A_716 = vector.load %arg8[%swap3A_714, %swap3A_715] : memref<512x1024xf32, #tpu.memory_space<vmem>>, vector<512x1024xf32>
    tpu.vector_store %arg8[%swap3A_714, %swap3A_715], %select_n3A_713 {strides = array<i32>} : memref<512x1024xf32, #tpu.memory_space<vmem>>, vector<512x1024xf32>,
    %get3A_717 = arith.constant 0 : index
    %get3A_718 = arith.constant 0 : index
    %get3A_719 = vector.load %arg8[%get3A_717, %get3A_718] : memref<512x1024xf32, #tpu.memory_space<vmem>>, vector<512x1024xf32>
    %reduce_min3A_720 = arith.constant dense<0x7F800000> : vector<512xf32>
    %reduce_min3A_721 = vector.multi_reduction <minimumf>, %get3A_719, %reduce_min3A_720 [1] : vector<512x1024xf32> to vector<512xf32>
    %broadcast_in_dim3A_722 = vector.shape_cast %reduce_min3A_721 : vector<512xf32> to vector<512x1xf32>
    %le3A_723 = vector.broadcast %broadcast_in_dim3A_722 : vector<512x1xf32> to vector<512x1024xf32>
    %le3A_724 = arith.cmpf ole, %get3A_719, %le3A_723 : vector<512x1024xf32>
    %jit3A_725 = arith.constant 1024 : i32
    %broadcast_in_dim3A_726 = vector.broadcast %jit3A_725 : i32 to vector<512x1024xi32>
    %select_n3A_727 = arith.select %le3A_724, %iota3A, %broadcast_in_dim3A_726 : vector<512x1024xi1>, vector<512x1024xi32>
    %reduce_min3A_728 = arith.constant dense<2147483647> : vector<512xi32>
    %reduce_min3A_729 = vector.multi_reduction <minsi>, %select_n3A_727, %reduce_min3A_728 [1] : vector<512x1024xi32> to vector<512xi32>
    %broadcast_in_dim3A_730 = vector.shape_cast %reduce_min3A_729 : vector<512xi32> to vector<512x1xi32>
    %shift_right_logical3A_731 = arith.constant 6 : i32
    %shift_right_logical3A_732 = vector.broadcast %shift_right_logical3A_731 : i32 to vector<512x1xi32>
    %shift_right_logical3A_733 = arith.shrui %broadcast_in_dim3A_730, %shift_right_logical3A_732 : vector<512x1xi32>
    %mul3A_734 = arith.constant 64 : i32
    %mul3A_735 = vector.broadcast %mul3A_734 : i32 to vector<512x1xi32>
    %mul3A_736 = arith.muli %shift_right_logical3A_733, %mul3A_735 : vector<512x1xi32>
    %sub3A_737 = arith.subi %broadcast_in_dim3A_730, %mul3A_736 : vector<512x1xi32>
    %eq3A_738 = vector.broadcast %shift_right_logical3A_733 : vector<512x1xi32> to vector<512x16xi32>
    %eq3A_739 = arith.cmpi eq, %iota3A_32, %eq3A_738 : vector<512x16xi32>
    %jit3A_740 = arith.constant 0 : i32
    %broadcast_in_dim3A_741 = vector.broadcast %jit3A_740 : i32 to vector<512x16xi32>
    %select_n3A_742 = arith.select %eq3A_739, %sub3A_31, %broadcast_in_dim3A_741 : vector<512x16xi1>, vector<512x16xi32>
    %reduce_sum3A_743 = arith.constant dense<0> : vector<512xi32>
    %reduce_sum3A_744 = vector.multi_reduction <add>, %select_n3A_742, %reduce_sum3A_743 [1] : vector<512x16xi32> to vector<512xi32>
    %broadcast_in_dim3A_745 = vector.shape_cast %reduce_sum3A_744 : vector<512xi32> to vector<512x1xi32>
    %mul3A_746 = arith.constant 128 : i32
    %mul3A_747 = vector.broadcast %mul3A_746 : i32 to vector<512x1xi32>
    %mul3A_748 = arith.muli %sub3A_737, %mul3A_747 : vector<512x1xi32>
    %add3A_749 = arith.addi %broadcast_in_dim3A_745, %mul3A_748 : vector<512x1xi32>
    %add3A_750 = vector.broadcast %mul3A_34 : i32 to vector<512x1xi32>
    %add3A_751 = arith.addi %add3A_749, %add3A_750 : vector<512x1xi32>
    %swap3A_752 = arith.constant 0 : index
    %swap3A_753 = arith.constant 15 : index
    %swap3A_754 = vector.load %arg7[%swap3A_752, %swap3A_753] : memref<512x16xi32, #tpu.memory_space<vmem>>, vector<512x1xi32>
    tpu.vector_store %arg7[%swap3A_752, %swap3A_753], %add3A_751 {strides = array<i32>} : memref<512x16xi32, #tpu.memory_space<vmem>>, vector<512x1xi32>,
    %eq3A_755 = vector.broadcast %broadcast_in_dim3A_730 : vector<512x1xi32> to vector<512x1024xi32>
    %eq3A_756 = arith.cmpi eq, %select_n3A_727, %eq3A_755 : vector<512x1024xi32>
    %jit3A_757 = arith.constant 0x7F800000 : f32
    %broadcast_in_dim3A_758 = vector.broadcast %jit3A_757 : f32 to vector<512x1024xf32>
    %select_n3A_759 = arith.select %eq3A_756, %broadcast_in_dim3A_758, %get3A_719 : vector<512x1024xi1>, vector<512x1024xf32>
    %swap3A_760 = arith.constant 0 : index
    %swap3A_761 = arith.constant 0 : index
    %swap3A_762 = vector.load %arg8[%swap3A_760, %swap3A_761] : memref<512x1024xf32, #tpu.memory_space<vmem>>, vector<512x1024xf32>
    tpu.vector_store %arg8[%swap3A_760, %swap3A_761], %select_n3A_759 {strides = array<i32>} : memref<512x1024xf32, #tpu.memory_space<vmem>>, vector<512x1024xf32>,
    return
  }
  func.func @transform_0(%arg0: i32, %arg1: i32) -> (i32, i32) {
    %mul3A = arith.constant 2 : i32
    %mul3A_0 = arith.muli %arg0, %mul3A : i32
    %add3A = arith.addi %mul3A_0, %arg1 : i32
    %c0_i32 = arith.constant 0 : i32
    %c0_i32_1 = arith.constant 0 : i32
    return %add3A, %c0_i32 : i32, i32
  }
  func.func @transform_1(%arg0: i32, %arg1: i32) -> (i32, i32) {
    %mul3A = arith.constant 2 : i32
    %mul3A_0 = arith.muli %arg0, %mul3A : i32
    %add3A = arith.addi %mul3A_0, %arg1 : i32
    %c0_i32 = arith.constant 0 : i32
    %c0_i32_1 = arith.constant 0 : i32
    return %add3A, %c0_i32 : i32, i32
  }
  func.func @transform_2(%arg0: i32, %arg1: i32) -> (i32, i32) {
    %mul3A = arith.constant 2 : i32
    %mul3A_0 = arith.muli %arg0, %mul3A : i32
    %add3A = arith.addi %mul3A_0, %arg1 : i32
    %c0_i32 = arith.constant 0 : i32
    %c0_i32_1 = arith.constant 0 : i32
    return %add3A, %c0_i32 : i32, i32
  }
  func.func @transform_3(%arg0: i32, %arg1: i32) -> (i32, i32, i32) {
    %c0_i32 = arith.constant 0 : i32
    %c0_i32_0 = arith.constant 0 : i32
    return %arg0, %arg1, %c0_i32 : i32, i32, i32
  }
  func.func @transform_4(%arg0: i32, %arg1: i32) -> (i32, i32) {
    %mul3A = arith.constant 2 : i32
    %mul3A_0 = arith.muli %arg0, %mul3A : i32
    %add3A = arith.addi %mul3A_0, %arg1 : i32
    %c0_i32 = arith.constant 0 : i32
    %c0_i32_1 = arith.constant 0 : i32
    return %add3A, %c0_i32 : i32, i32
  }
  func.func @transform_5(%arg0: i32, %arg1: i32) -> (i32, i32) {
    %mul3A = arith.constant 2 : i32
    %mul3A_0 = arith.muli %arg0, %mul3A : i32
    %add3A = arith.addi %mul3A_0, %arg1 : i32
    %c0_i32 = arith.constant 0 : i32
    %c0_i32_1 = arith.constant 0 : i32
    return %add3A, %c0_i32 : i32, i32
  }
}

module attributes {stable_mosaic.version = 14 : i64} {
  func.func @_mlp_body(%arg0: i32, %arg1: memref<8192x80xf32, #tpu.memory_space<vmem>>, %arg2: memref<512x16xf32, #tpu.memory_space<vmem>>, %arg3: memref<16x32xf32, #tpu.memory_space<vmem>>, %arg4: memref<1x32xf32, #tpu.memory_space<vmem>>, %arg5: memref<32x16xf32, #tpu.memory_space<vmem>>, %arg6: memref<1x16xf32, #tpu.memory_space<vmem>>, %arg7: memref<1024x256xf32, #tpu.memory_space<vmem>>, %arg8: memref<1x256xf32, #tpu.memory_space<vmem>>, %arg9: memref<256x128xf32, #tpu.memory_space<vmem>>, %arg10: memref<1x128xf32, #tpu.memory_space<vmem>>, %arg11: memref<512x128xf32, #tpu.memory_space<vmem>>) attributes {dimension_semantics = [#tpu.dimension_semantics<arbitrary>], iteration_bounds = array<i64: 4>, scalar_prefetch = 0 : i64, scratch_operands = 0 : i64, tpu.core_type = #tpu.core_type<tc>, window_params = [{transform_indices = @transform_0, window_bounds = array<i64: 8192, 80>}, {transform_indices = @transform_1, window_bounds = array<i64: 512, 16>}, {pipeline_mode = #tpu.pipeline_mode<synchronous>, transform_indices = @transform_2, window_bounds = array<i64: 16, 32>}, {pipeline_mode = #tpu.pipeline_mode<synchronous>, transform_indices = @transform_3, window_bounds = array<i64: 1, 32>}, {pipeline_mode = #tpu.pipeline_mode<synchronous>, transform_indices = @transform_4, window_bounds = array<i64: 32, 16>}, {pipeline_mode = #tpu.pipeline_mode<synchronous>, transform_indices = @transform_5, window_bounds = array<i64: 1, 16>}, {pipeline_mode = #tpu.pipeline_mode<synchronous>, transform_indices = @transform_6, window_bounds = array<i64: 1024, 256>}, {pipeline_mode = #tpu.pipeline_mode<synchronous>, transform_indices = @transform_7, window_bounds = array<i64: 1, 256>}, {pipeline_mode = #tpu.pipeline_mode<synchronous>, transform_indices = @transform_8, window_bounds = array<i64: 256, 128>}, {pipeline_mode = #tpu.pipeline_mode<synchronous>, transform_indices = @transform_9, window_bounds = array<i64: 1, 128>}, {transform_indices = @transform_10, window_bounds = array<i64: 512, 128>}]} {
    %get3A = arith.constant 0 : index
    %get3A_0 = arith.constant 0 : index
    %get3A_1 = vector.load %arg1[%get3A, %get3A_0] : memref<8192x80xf32, #tpu.memory_space<vmem>>, vector<8192x80xf32>
    %slice3A = vector.extract_strided_slice %get3A_1 {offsets = [0, 64], sizes = [8192, 16], strides = [1, 1]} : vector<8192x80xf32> to vector<8192x16xf32>
    %reshape3A = vector.shape_cast %slice3A : vector<8192x16xf32> to vector<512x16x16xf32>
    %get3A_2 = arith.constant 0 : index
    %get3A_3 = arith.constant 0 : index
    %get3A_4 = vector.load %arg2[%get3A_2, %get3A_3] : memref<512x16xf32, #tpu.memory_space<vmem>>, vector<512x16xf32>
    %broadcast_in_dim3A = vector.shape_cast %get3A_4 : vector<512x16xf32> to vector<512x1x16xf32>
    %sub3A = vector.broadcast %broadcast_in_dim3A : vector<512x1x16xf32> to vector<512x16x16xf32>
    %sub3A_5 = arith.subf %reshape3A, %sub3A : vector<512x16x16xf32>
    %reshape3A_6 = vector.shape_cast %sub3A_5 : vector<512x16x16xf32> to vector<8192x16xf32>
    %get3A_7 = arith.constant 0 : index
    %get3A_8 = arith.constant 0 : index
    %get3A_9 = vector.load %arg3[%get3A_7, %get3A_8] : memref<16x32xf32, #tpu.memory_space<vmem>>, vector<16x32xf32>
    %dot_general3A = arith.constant dense<0.000000e+00> : vector<8192x32xf32>
    %dot_general3A_10 = tpu.matmul %reshape3A_6, %get3A_9, %dot_general3A {dimension_numbers = #tpu.dot_dimension_numbers<[1], [0], [0], [1], [0, 0, 1, 1], [], []>, transpose_lhs_hint = false} : vector<8192x16xf32>, vector<16x32xf32>, vector<8192x32xf32> -> vector<8192x32xf32>
    %get3A_11 = arith.constant 0 : index
    %get3A_12 = arith.constant 0 : index
    %get3A_13 = vector.load %arg4[%get3A_11, %get3A_12] : memref<1x32xf32, #tpu.memory_space<vmem>>, vector<1x32xf32>
    %add3A = vector.broadcast %get3A_13 : vector<1x32xf32> to vector<8192x32xf32>
    %add3A_14 = arith.addf %dot_general3A_10, %add3A : vector<8192x32xf32>
    %max3A = arith.constant 0.000000e+00 : f32
    %max3A_15 = vector.broadcast %max3A : f32 to vector<8192x32xf32>
    %max3A_16 = arith.maximumf %add3A_14, %max3A_15 : vector<8192x32xf32>
    %get3A_17 = arith.constant 0 : index
    %get3A_18 = arith.constant 0 : index
    %get3A_19 = vector.load %arg5[%get3A_17, %get3A_18] : memref<32x16xf32, #tpu.memory_space<vmem>>, vector<32x16xf32>
    %dot_general3A_20 = arith.constant dense<0.000000e+00> : vector<8192x16xf32>
    %dot_general3A_21 = tpu.matmul %max3A_16, %get3A_19, %dot_general3A_20 {dimension_numbers = #tpu.dot_dimension_numbers<[1], [0], [0], [1], [0, 0, 1, 1], [], []>, transpose_lhs_hint = false} : vector<8192x32xf32>, vector<32x16xf32>, vector<8192x16xf32> -> vector<8192x16xf32>
    %get3A_22 = arith.constant 0 : index
    %get3A_23 = arith.constant 0 : index
    %get3A_24 = vector.load %arg6[%get3A_22, %get3A_23] : memref<1x16xf32, #tpu.memory_space<vmem>>, vector<1x16xf32>
    %add3A_25 = vector.broadcast %get3A_24 : vector<1x16xf32> to vector<8192x16xf32>
    %add3A_26 = arith.addf %dot_general3A_21, %add3A_25 : vector<8192x16xf32>
    %max3A_27 = arith.constant 0.000000e+00 : f32
    %max3A_28 = vector.broadcast %max3A_27 : f32 to vector<8192x16xf32>
    %max3A_29 = arith.maximumf %add3A_26, %max3A_28 : vector<8192x16xf32>
    %slice3A_30 = vector.extract_strided_slice %get3A_1 {offsets = [0, 0], sizes = [8192, 64], strides = [1, 1]} : vector<8192x80xf32> to vector<8192x64xf32>
    %slice3A_31 = vector.extract_strided_slice %max3A_29 {offsets = [0, 0], sizes = [8192, 1], strides = [1, 1]} : vector<8192x16xf32> to vector<8192x1xf32>
    %mul3A = vector.broadcast %slice3A_31 : vector<8192x1xf32> to vector<8192x64xf32>
    %mul3A_32 = arith.mulf %mul3A, %slice3A_30 : vector<8192x64xf32>
    %reshape3A_33 = vector.shape_cast %mul3A_32 : vector<8192x64xf32> to vector<512x16x64xf32>
    %reduce_sum3A = arith.constant dense<0.000000e+00> : vector<512x64xf32>
    %reduce_sum3A_34 = vector.multi_reduction <add>, %reshape3A_33, %reduce_sum3A [1] : vector<512x16x64xf32> to vector<512x64xf32>
    %slice3A_35 = vector.extract_strided_slice %max3A_29 {offsets = [0, 1], sizes = [8192, 1], strides = [1, 1]} : vector<8192x16xf32> to vector<8192x1xf32>
    %mul3A_36 = vector.broadcast %slice3A_35 : vector<8192x1xf32> to vector<8192x64xf32>
    %mul3A_37 = arith.mulf %mul3A_36, %slice3A_30 : vector<8192x64xf32>
    %reshape3A_38 = vector.shape_cast %mul3A_37 : vector<8192x64xf32> to vector<512x16x64xf32>
    %reduce_sum3A_39 = arith.constant dense<0.000000e+00> : vector<512x64xf32>
    %reduce_sum3A_40 = vector.multi_reduction <add>, %reshape3A_38, %reduce_sum3A_39 [1] : vector<512x16x64xf32> to vector<512x64xf32>
    %slice3A_41 = vector.extract_strided_slice %max3A_29 {offsets = [0, 2], sizes = [8192, 1], strides = [1, 1]} : vector<8192x16xf32> to vector<8192x1xf32>
    %mul3A_42 = vector.broadcast %slice3A_41 : vector<8192x1xf32> to vector<8192x64xf32>
    %mul3A_43 = arith.mulf %mul3A_42, %slice3A_30 : vector<8192x64xf32>
    %reshape3A_44 = vector.shape_cast %mul3A_43 : vector<8192x64xf32> to vector<512x16x64xf32>
    %reduce_sum3A_45 = arith.constant dense<0.000000e+00> : vector<512x64xf32>
    %reduce_sum3A_46 = vector.multi_reduction <add>, %reshape3A_44, %reduce_sum3A_45 [1] : vector<512x16x64xf32> to vector<512x64xf32>
    %slice3A_47 = vector.extract_strided_slice %max3A_29 {offsets = [0, 3], sizes = [8192, 1], strides = [1, 1]} : vector<8192x16xf32> to vector<8192x1xf32>
    %mul3A_48 = vector.broadcast %slice3A_47 : vector<8192x1xf32> to vector<8192x64xf32>
    %mul3A_49 = arith.mulf %mul3A_48, %slice3A_30 : vector<8192x64xf32>
    %reshape3A_50 = vector.shape_cast %mul3A_49 : vector<8192x64xf32> to vector<512x16x64xf32>
    %reduce_sum3A_51 = arith.constant dense<0.000000e+00> : vector<512x64xf32>
    %reduce_sum3A_52 = vector.multi_reduction <add>, %reshape3A_50, %reduce_sum3A_51 [1] : vector<512x16x64xf32> to vector<512x64xf32>
    %slice3A_53 = vector.extract_strided_slice %max3A_29 {offsets = [0, 4], sizes = [8192, 1], strides = [1, 1]} : vector<8192x16xf32> to vector<8192x1xf32>
    %mul3A_54 = vector.broadcast %slice3A_53 : vector<8192x1xf32> to vector<8192x64xf32>
    %mul3A_55 = arith.mulf %mul3A_54, %slice3A_30 : vector<8192x64xf32>
    %reshape3A_56 = vector.shape_cast %mul3A_55 : vector<8192x64xf32> to vector<512x16x64xf32>
    %reduce_sum3A_57 = arith.constant dense<0.000000e+00> : vector<512x64xf32>
    %reduce_sum3A_58 = vector.multi_reduction <add>, %reshape3A_56, %reduce_sum3A_57 [1] : vector<512x16x64xf32> to vector<512x64xf32>
    %slice3A_59 = vector.extract_strided_slice %max3A_29 {offsets = [0, 5], sizes = [8192, 1], strides = [1, 1]} : vector<8192x16xf32> to vector<8192x1xf32>
    %mul3A_60 = vector.broadcast %slice3A_59 : vector<8192x1xf32> to vector<8192x64xf32>
    %mul3A_61 = arith.mulf %mul3A_60, %slice3A_30 : vector<8192x64xf32>
    %reshape3A_62 = vector.shape_cast %mul3A_61 : vector<8192x64xf32> to vector<512x16x64xf32>
    %reduce_sum3A_63 = arith.constant dense<0.000000e+00> : vector<512x64xf32>
    %reduce_sum3A_64 = vector.multi_reduction <add>, %reshape3A_62, %reduce_sum3A_63 [1] : vector<512x16x64xf32> to vector<512x64xf32>
    %slice3A_65 = vector.extract_strided_slice %max3A_29 {offsets = [0, 6], sizes = [8192, 1], strides = [1, 1]} : vector<8192x16xf32> to vector<8192x1xf32>
    %mul3A_66 = vector.broadcast %slice3A_65 : vector<8192x1xf32> to vector<8192x64xf32>
    %mul3A_67 = arith.mulf %mul3A_66, %slice3A_30 : vector<8192x64xf32>
    %reshape3A_68 = vector.shape_cast %mul3A_67 : vector<8192x64xf32> to vector<512x16x64xf32>
    %reduce_sum3A_69 = arith.constant dense<0.000000e+00> : vector<512x64xf32>
    %reduce_sum3A_70 = vector.multi_reduction <add>, %reshape3A_68, %reduce_sum3A_69 [1] : vector<512x16x64xf32> to vector<512x64xf32>
    %slice3A_71 = vector.extract_strided_slice %max3A_29 {offsets = [0, 7], sizes = [8192, 1], strides = [1, 1]} : vector<8192x16xf32> to vector<8192x1xf32>
    %mul3A_72 = vector.broadcast %slice3A_71 : vector<8192x1xf32> to vector<8192x64xf32>
    %mul3A_73 = arith.mulf %mul3A_72, %slice3A_30 : vector<8192x64xf32>
    %reshape3A_74 = vector.shape_cast %mul3A_73 : vector<8192x64xf32> to vector<512x16x64xf32>
    %reduce_sum3A_75 = arith.constant dense<0.000000e+00> : vector<512x64xf32>
    %reduce_sum3A_76 = vector.multi_reduction <add>, %reshape3A_74, %reduce_sum3A_75 [1] : vector<512x16x64xf32> to vector<512x64xf32>
    %slice3A_77 = vector.extract_strided_slice %max3A_29 {offsets = [0, 8], sizes = [8192, 1], strides = [1, 1]} : vector<8192x16xf32> to vector<8192x1xf32>
    %mul3A_78 = vector.broadcast %slice3A_77 : vector<8192x1xf32> to vector<8192x64xf32>
    %mul3A_79 = arith.mulf %mul3A_78, %slice3A_30 : vector<8192x64xf32>
    %reshape3A_80 = vector.shape_cast %mul3A_79 : vector<8192x64xf32> to vector<512x16x64xf32>
    %reduce_sum3A_81 = arith.constant dense<0.000000e+00> : vector<512x64xf32>
    %reduce_sum3A_82 = vector.multi_reduction <add>, %reshape3A_80, %reduce_sum3A_81 [1] : vector<512x16x64xf32> to vector<512x64xf32>
    %slice3A_83 = vector.extract_strided_slice %max3A_29 {offsets = [0, 9], sizes = [8192, 1], strides = [1, 1]} : vector<8192x16xf32> to vector<8192x1xf32>
    %mul3A_84 = vector.broadcast %slice3A_83 : vector<8192x1xf32> to vector<8192x64xf32>
    %mul3A_85 = arith.mulf %mul3A_84, %slice3A_30 : vector<8192x64xf32>
    %reshape3A_86 = vector.shape_cast %mul3A_85 : vector<8192x64xf32> to vector<512x16x64xf32>
    %reduce_sum3A_87 = arith.constant dense<0.000000e+00> : vector<512x64xf32>
    %reduce_sum3A_88 = vector.multi_reduction <add>, %reshape3A_86, %reduce_sum3A_87 [1] : vector<512x16x64xf32> to vector<512x64xf32>
    %slice3A_89 = vector.extract_strided_slice %max3A_29 {offsets = [0, 10], sizes = [8192, 1], strides = [1, 1]} : vector<8192x16xf32> to vector<8192x1xf32>
    %mul3A_90 = vector.broadcast %slice3A_89 : vector<8192x1xf32> to vector<8192x64xf32>
    %mul3A_91 = arith.mulf %mul3A_90, %slice3A_30 : vector<8192x64xf32>
    %reshape3A_92 = vector.shape_cast %mul3A_91 : vector<8192x64xf32> to vector<512x16x64xf32>
    %reduce_sum3A_93 = arith.constant dense<0.000000e+00> : vector<512x64xf32>
    %reduce_sum3A_94 = vector.multi_reduction <add>, %reshape3A_92, %reduce_sum3A_93 [1] : vector<512x16x64xf32> to vector<512x64xf32>
    %slice3A_95 = vector.extract_strided_slice %max3A_29 {offsets = [0, 11], sizes = [8192, 1], strides = [1, 1]} : vector<8192x16xf32> to vector<8192x1xf32>
    %mul3A_96 = vector.broadcast %slice3A_95 : vector<8192x1xf32> to vector<8192x64xf32>
    %mul3A_97 = arith.mulf %mul3A_96, %slice3A_30 : vector<8192x64xf32>
    %reshape3A_98 = vector.shape_cast %mul3A_97 : vector<8192x64xf32> to vector<512x16x64xf32>
    %reduce_sum3A_99 = arith.constant dense<0.000000e+00> : vector<512x64xf32>
    %reduce_sum3A_100 = vector.multi_reduction <add>, %reshape3A_98, %reduce_sum3A_99 [1] : vector<512x16x64xf32> to vector<512x64xf32>
    %slice3A_101 = vector.extract_strided_slice %max3A_29 {offsets = [0, 12], sizes = [8192, 1], strides = [1, 1]} : vector<8192x16xf32> to vector<8192x1xf32>
    %mul3A_102 = vector.broadcast %slice3A_101 : vector<8192x1xf32> to vector<8192x64xf32>
    %mul3A_103 = arith.mulf %mul3A_102, %slice3A_30 : vector<8192x64xf32>
    %reshape3A_104 = vector.shape_cast %mul3A_103 : vector<8192x64xf32> to vector<512x16x64xf32>
    %reduce_sum3A_105 = arith.constant dense<0.000000e+00> : vector<512x64xf32>
    %reduce_sum3A_106 = vector.multi_reduction <add>, %reshape3A_104, %reduce_sum3A_105 [1] : vector<512x16x64xf32> to vector<512x64xf32>
    %slice3A_107 = vector.extract_strided_slice %max3A_29 {offsets = [0, 13], sizes = [8192, 1], strides = [1, 1]} : vector<8192x16xf32> to vector<8192x1xf32>
    %mul3A_108 = vector.broadcast %slice3A_107 : vector<8192x1xf32> to vector<8192x64xf32>
    %mul3A_109 = arith.mulf %mul3A_108, %slice3A_30 : vector<8192x64xf32>
    %reshape3A_110 = vector.shape_cast %mul3A_109 : vector<8192x64xf32> to vector<512x16x64xf32>
    %reduce_sum3A_111 = arith.constant dense<0.000000e+00> : vector<512x64xf32>
    %reduce_sum3A_112 = vector.multi_reduction <add>, %reshape3A_110, %reduce_sum3A_111 [1] : vector<512x16x64xf32> to vector<512x64xf32>
    %slice3A_113 = vector.extract_strided_slice %max3A_29 {offsets = [0, 14], sizes = [8192, 1], strides = [1, 1]} : vector<8192x16xf32> to vector<8192x1xf32>
    %mul3A_114 = vector.broadcast %slice3A_113 : vector<8192x1xf32> to vector<8192x64xf32>
    %mul3A_115 = arith.mulf %mul3A_114, %slice3A_30 : vector<8192x64xf32>
    %reshape3A_116 = vector.shape_cast %mul3A_115 : vector<8192x64xf32> to vector<512x16x64xf32>
    %reduce_sum3A_117 = arith.constant dense<0.000000e+00> : vector<512x64xf32>
    %reduce_sum3A_118 = vector.multi_reduction <add>, %reshape3A_116, %reduce_sum3A_117 [1] : vector<512x16x64xf32> to vector<512x64xf32>
    %slice3A_119 = vector.extract_strided_slice %max3A_29 {offsets = [0, 15], sizes = [8192, 1], strides = [1, 1]} : vector<8192x16xf32> to vector<8192x1xf32>
    %mul3A_120 = vector.broadcast %slice3A_119 : vector<8192x1xf32> to vector<8192x64xf32>
    %mul3A_121 = arith.mulf %mul3A_120, %slice3A_30 : vector<8192x64xf32>
    %reshape3A_122 = vector.shape_cast %mul3A_121 : vector<8192x64xf32> to vector<512x16x64xf32>
    %reduce_sum3A_123 = arith.constant dense<0.000000e+00> : vector<512x64xf32>
    %reduce_sum3A_124 = vector.multi_reduction <add>, %reshape3A_122, %reduce_sum3A_123 [1] : vector<512x16x64xf32> to vector<512x64xf32>
    %concatenate3A = tpu.concatenate %reduce_sum3A_34, %reduce_sum3A_40, %reduce_sum3A_46, %reduce_sum3A_52, %reduce_sum3A_58, %reduce_sum3A_64, %reduce_sum3A_70, %reduce_sum3A_76, %reduce_sum3A_82, %reduce_sum3A_88, %reduce_sum3A_94, %reduce_sum3A_100, %reduce_sum3A_106, %reduce_sum3A_112, %reduce_sum3A_118, %reduce_sum3A_124 in 1 : vector<512x64xf32>, vector<512x64xf32>, vector<512x64xf32>, vector<512x64xf32>, vector<512x64xf32>, vector<512x64xf32>, vector<512x64xf32>, vector<512x64xf32>, vector<512x64xf32>, vector<512x64xf32>, vector<512x64xf32>, vector<512x64xf32>, vector<512x64xf32>, vector<512x64xf32>, vector<512x64xf32>, vector<512x64xf32> -> vector<512x1024xf32>
    %get3A_125 = arith.constant 0 : index
    %get3A_126 = arith.constant 0 : index
    %get3A_127 = vector.load %arg7[%get3A_125, %get3A_126] : memref<1024x256xf32, #tpu.memory_space<vmem>>, vector<1024x256xf32>
    %dot_general3A_128 = arith.constant dense<0.000000e+00> : vector<512x256xf32>
    %dot_general3A_129 = tpu.matmul %concatenate3A, %get3A_127, %dot_general3A_128 {dimension_numbers = #tpu.dot_dimension_numbers<[1], [0], [0], [1], [0, 0, 1, 1], [], []>, transpose_lhs_hint = false} : vector<512x1024xf32>, vector<1024x256xf32>, vector<512x256xf32> -> vector<512x256xf32>
    %get3A_130 = arith.constant 0 : index
    %get3A_131 = arith.constant 0 : index
    %get3A_132 = vector.load %arg8[%get3A_130, %get3A_131] : memref<1x256xf32, #tpu.memory_space<vmem>>, vector<1x256xf32>
    %add3A_133 = vector.broadcast %get3A_132 : vector<1x256xf32> to vector<512x256xf32>
    %add3A_134 = arith.addf %dot_general3A_129, %add3A_133 : vector<512x256xf32>
    %max3A_135 = arith.constant 0.000000e+00 : f32
    %max3A_136 = vector.broadcast %max3A_135 : f32 to vector<512x256xf32>
    %max3A_137 = arith.maximumf %add3A_134, %max3A_136 : vector<512x256xf32>
    %get3A_138 = arith.constant 0 : index
    %get3A_139 = arith.constant 0 : index
    %get3A_140 = vector.load %arg9[%get3A_138, %get3A_139] : memref<256x128xf32, #tpu.memory_space<vmem>>, vector<256x128xf32>
    %dot_general3A_141 = arith.constant dense<0.000000e+00> : vector<512x128xf32>
    %dot_general3A_142 = tpu.matmul %max3A_137, %get3A_140, %dot_general3A_141 {dimension_numbers = #tpu.dot_dimension_numbers<[1], [0], [0], [1], [0, 0, 1, 1], [], []>, transpose_lhs_hint = false} : vector<512x256xf32>, vector<256x128xf32>, vector<512x128xf32> -> vector<512x128xf32>
    %get3A_143 = arith.constant 0 : index
    %get3A_144 = arith.constant 0 : index
    %get3A_145 = vector.load %arg10[%get3A_143, %get3A_144] : memref<1x128xf32, #tpu.memory_space<vmem>>, vector<1x128xf32>
    %add3A_146 = vector.broadcast %get3A_145 : vector<1x128xf32> to vector<512x128xf32>
    %add3A_147 = arith.addf %dot_general3A_142, %add3A_146 : vector<512x128xf32>
    %swap3A = arith.constant 0 : index
    %swap3A_148 = arith.constant 0 : index
    %swap3A_149 = vector.load %arg11[%swap3A, %swap3A_148] : memref<512x128xf32, #tpu.memory_space<vmem>>, vector<512x128xf32>
    tpu.vector_store %arg11[%swap3A, %swap3A_148], %add3A_147 {strides = array<i32>} : memref<512x128xf32, #tpu.memory_space<vmem>>, vector<512x128xf32>,
    return
  }
  func.func @transform_0(%arg0: i32) -> (i32, i32) {
    %c0_i32 = arith.constant 0 : i32
    %c0_i32_0 = arith.constant 0 : i32
    return %arg0, %c0_i32 : i32, i32
  }
  func.func @transform_1(%arg0: i32) -> (i32, i32) {
    %c0_i32 = arith.constant 0 : i32
    %c0_i32_0 = arith.constant 0 : i32
    return %arg0, %c0_i32 : i32, i32
  }
  func.func @transform_2(%arg0: i32) -> (i32, i32) {
    %c0_i32 = arith.constant 0 : i32
    %c0_i32_0 = arith.constant 0 : i32
    %c0_i32_1 = arith.constant 0 : i32
    return %c0_i32, %c0_i32_0 : i32, i32
  }
  func.func @transform_3(%arg0: i32) -> (i32, i32) {
    %c0_i32 = arith.constant 0 : i32
    %c0_i32_0 = arith.constant 0 : i32
    %c0_i32_1 = arith.constant 0 : i32
    return %c0_i32, %c0_i32_0 : i32, i32
  }
  func.func @transform_4(%arg0: i32) -> (i32, i32) {
    %c0_i32 = arith.constant 0 : i32
    %c0_i32_0 = arith.constant 0 : i32
    %c0_i32_1 = arith.constant 0 : i32
    return %c0_i32, %c0_i32_0 : i32, i32
  }
  func.func @transform_5(%arg0: i32) -> (i32, i32) {
    %c0_i32 = arith.constant 0 : i32
    %c0_i32_0 = arith.constant 0 : i32
    %c0_i32_1 = arith.constant 0 : i32
    return %c0_i32, %c0_i32_0 : i32, i32
  }
  func.func @transform_6(%arg0: i32) -> (i32, i32) {
    %c0_i32 = arith.constant 0 : i32
    %c0_i32_0 = arith.constant 0 : i32
    %c0_i32_1 = arith.constant 0 : i32
    return %c0_i32, %c0_i32_0 : i32, i32
  }
  func.func @transform_7(%arg0: i32) -> (i32, i32) {
    %c0_i32 = arith.constant 0 : i32
    %c0_i32_0 = arith.constant 0 : i32
    %c0_i32_1 = arith.constant 0 : i32
    return %c0_i32, %c0_i32_0 : i32, i32
  }
  func.func @transform_8(%arg0: i32) -> (i32, i32) {
    %c0_i32 = arith.constant 0 : i32
    %c0_i32_0 = arith.constant 0 : i32
    %c0_i32_1 = arith.constant 0 : i32
    return %c0_i32, %c0_i32_0 : i32, i32
  }
  func.func @transform_9(%arg0: i32) -> (i32, i32) {
    %c0_i32 = arith.constant 0 : i32
    %c0_i32_0 = arith.constant 0 : i32
    %c0_i32_1 = arith.constant 0 : i32
    return %c0_i32, %c0_i32_0 : i32, i32
  }
  func.func @transform_10(%arg0: i32) -> (i32, i32) {
    %c0_i32 = arith.constant 0 : i32
    %c0_i32_0 = arith.constant 0 : i32
    return %arg0, %c0_i32 : i32, i32
  }
}

</mosaic_0001>

<sc_bundles>
// kernel: kernel.10.cloned.1.call-start
scs
__scs_entry_jumppad:
0x0: {  	(pc) =	sbr.rel $0x88, $3  }
0x1: {  	(tag) =	ssettag $0x0;
	lr =	simm.s32 $0x1  }
0x2: {  	[smem:$0x3F96] =	sst lr;
	_ =	strace $0xD0000000  }
0x3: {  	_ = 	snop  }
0x4: {  	_ = 	snop  }
0x5: {  	_ = 	snop  }
0x6: {  	_ = 	snop  }
0x7: {  	_ = 	snop  }
__scs_overlays_trampoline_lowered:
0x8: {  	[smem:$0x3FA5] =	sst s0  }
0x9: {  	[smem:$0x3FA6] =	sst s1  }
0xa: {  	[smem:$0x3FA7] =	sst s2  }
0xb: {  	[smem:$0x3FA8] =	sst s3  }
0xc: {  	[smem:$0x3FA9] =	sst s4  }
0xd: {  	[smem:$0x3FAA] =	sst s5  }
0xe: {  	[smem:$0x3FAB] =	sst s6  }
0xf: {  	[smem:$0x3FAC] =	sst s7  }
0x10: {  	[smem:$0x3FAD] =	sst s8  }
0x11: {  	[smem:$0x3FAE] =	sst s9;
	s0 =	simm.s32 @!p0 $0x0  }
0x12: {  	s1 =	sld [smem:$0x3F94];
	s0 =	simm.s32 @p0 $0x1  }
0x13: {  	[smem:$0x3FAF] =	sst s0;
	s0 =	simm.s32 @!p1 $0x0  }
0x14: {  	s2 =	sld [smem:$0x3F93];
	s0 =	simm.s32 @p1 $0x1  }
0x15: {  	[smem:$0x3FB0] =	sst s0;
	s0 =	simm.s32 @!p2 $0x0  }
0x16: {  	s3 =	sld [smem:$0x3FDB];
	s0 =	simm.s32 @p2 $0x1  }
0x17: {  	s4 =	simm.s32 $0x1BF5;
	[smem:$0x3FB2] =	sst s0  }
0x18: {  	s0 =	sld [smem:$0x3F95];
	_ =	swait.ge [sflag:s4], $0x0  }
0x19: {  	s7 =	sld [smem:$0x3F96]  }
0x1a: {  	s8 =	sadd.s32 $0xFFFFE003, lr  }
0x1b: {  	s9 =	sadd.s32 $0xFFFFFEF7, lr;
	s5 =	simm.s32 $0xFFFFFFFF;
	p2 =	slt.u32 s8, $0xFFFFF086  }
0x1c: {  	p1 =	slt.u32 s9, $0xF7A;
	s5 =	simm.s32 @!p2 $0x0  }
0x1d: {  	s5 =	simm.s32 @p1 $0x1;
	p0 =	seq.s32 s7, s2  }
0x1e: {  	s7 =	smul.u32 @!p0 $0xF7A, s2;
	p2 =	seq.s32 @!p0 s5, $0x0  }
0x1f: {  	s9 =	smul.u32 $0xF7A, s1;
	s8 =	simm.s32 @!p0 $0x1BF5;
	p2 =	por !p2, p0  }
0x20: {  	[sflag:s8] =	ssyncset.s32 @!p0 $0xFFFFF086;
	s6 =	sadd.s32 @!p0 s3, s7;
	s7 =	simm.s32 @!p0 $0x108  }
0x21: {  	s3 =	sadd.s32 s3, s9;
	s6 =	sadd.s32 @!p0 $0x88, s6;
	s7 =	simm.s32 @p2 $0x1082  }
0x22: {  	[simem:s7], [sflag:s8] =	dma.local @!p0 [hbm:s6], $0xF7A  }
0x23: {  	s9 =	sor.u32 $0xD0000000, s2;
	s6 =	simm.s32 $0x108;
	_ =	swait.ge @!p0 [sflag:s8], $0x0  }
0x24: {  	s3 =	sadd.s32 $0x88, s3;
	s6 =	simm.s32 @!p1 $0x1082;
	[sflag:s4] =	ssyncset.s32 $0xFFFFF086  }
0x25: {  	[simem:s6], [sflag:s4] =	dma.local [hbm:s3], $0xF7A  }
0x26: {  	[smem:$0x3F96] =	sst s1;
	(tag) =	ssettag s2;
	_ =	strace s9  }
0x27: {  	s1 =	sld [smem:$0x3FA6]  }
0x28: {  	s2 =	sld [smem:$0x3FA7]  }
0x29: {  	s4 =	sld [smem:$0x3FA9]  }
0x2a: {  	p0 =	seq.s32 s5, $0x0;
	s5 =	sld [smem:$0x3FAA]  }
0x2b: {  	s6 =	sld [smem:$0x3FAB]  }
0x2c: {  	s7 =	sld [smem:$0x3FAC]  }
0x2d: {  	s3 =	simm.s32 $0x108;
	s8 =	sld [smem:$0x3FAD]  }
0x2e: {  	s3 =	simm.s32 @!p0 $0x1082;
	s9 =	sld [smem:$0x3FAE]  }
0x2f: {  	lr =	sadd.s32 s0, s3;
	s0 =	sld [smem:$0x3FA5]  }
0x30: {  	s3 =	sld [smem:$0x3FA8]  }
0x31: {  	[smem:$0x3FB1] =	sst s10  }
0x32: {  	s10 =	sld [smem:$0x3FAF];
	_ =	sdelay $0x3  }
0x33: {  	p0 =	seq.s32 s10, $0x1;
	s10 =	sld [smem:$0x3FB1];
	_ =	sdelay $0x3  }
0x34: {  	[smem:$0x3FB1] =	sst s10  }
0x35: {  	s10 =	sld [smem:$0x3FB0];
	_ =	sdelay $0x3  }
0x36: {  	p1 =	seq.s32 s10, $0x1;
	s10 =	sld [smem:$0x3FB1];
	_ =	sdelay $0x3  }
0x37: {  	[smem:$0x3FB1] =	sst s10  }
0x38: {  	s10 =	sld [smem:$0x3FB2]  }
0x39: {  	_ = 	snop;
	(pc) =	sbr.ind lr, $3  }
0x3a: {  	_ = 	snop  }
0x3b: {  	_ = 	snop  }
0x3c: {  	p2 =	seq.s32 s10, $0x1;
	s10 =	sld [smem:$0x3FB1]  }
0x3d: {  	_ =	shalt  }
0x3e: {  	_ =	shalt  }
0x3f: {  	_ =	shalt  }
0x40: {  	_ =	shalt  }
0x41: {  	_ =	shalt  }
0x42: {  	_ =	shalt  }
0x43: {  	_ =	shalt  }
0x44: {  	_ =	shalt  }
0x45: {  	_ =	shalt  }
0x46: {  	_ =	shalt  }
0x47: {  	_ =	shalt  }
0x48: {  	_ =	shalt  }
0x49: {  	_ =	shalt  }
0x4a: {  	_ =	shalt  }
0x4b: {  	_ =	shalt  }
0x4c: {  	_ =	shalt  }
0x4d: {  	_ =	shalt  }
0x4e: {  	_ =	shalt  }
0x4f: {  	_ =	shalt  }
0x50: {  	_ =	shalt  }
0x51: {  	_ =	shalt  }
0x52: {  	_ =	shalt  }
0x53: {  	_ =	shalt  }
0x54: {  	_ =	shalt  }
0x55: {  	_ =	shalt  }
0x56: {  	_ =	shalt  }
0x57: {  	_ =	shalt  }
0x58: {  	_ =	shalt  }
0x59: {  	_ =	shalt  }
0x5a: {  	_ =	shalt  }
0x5b: {  	_ =	shalt  }
0x5c: {  	_ =	shalt  }
0x5d: {  	_ =	shalt  }
0x5e: {  	_ =	shalt  }
0x5f: {  	_ =	shalt  }
0x60: {  	_ =	shalt  }
0x61: {  	_ =	shalt  }
0x62: {  	_ =	shalt  }
0x63: {  	_ =	shalt  }
0x64: {  	_ =	shalt  }
0x65: {  	_ =	shalt  }
0x66: {  	_ =	shalt  }
0x67: {  	_ =	shalt  }
0x68: {  	_ =	shalt  }
0x69: {  	_ =	shalt  }
0x6a: {  	_ =	shalt  }
0x6b: {  	_ =	shalt  }
0x6c: {  	_ =	shalt  }
0x6d: {  	_ =	shalt  }
0x6e: {  	_ =	shalt  }
0x6f: {  	_ =	shalt  }
0x70: {  	_ =	shalt  }
0x71: {  	_ =	shalt  }
0x72: {  	_ =	shalt  }
0x73: {  	_ =	shalt  }
0x74: {  	_ =	shalt  }
0x75: {  	_ =	shalt  }
0x76: {  	_ =	shalt  }
0x77: {  	_ =	shalt  }
0x78: {  	_ =	shalt  }
0x79: {  	_ =	shalt  }
0x7a: {  	_ =	shalt  }
0x7b: {  	_ =	shalt  }
0x7c: {  	_ =	shalt  }
0x7d: {  	_ =	shalt  }
0x7e: {  	_ =	shalt  }
0x7f: {  	_ =	shalt  }
0x80: {  	_ =	shalt  }
0x81: {  	_ =	shalt  }
0x82: {  	_ =	shalt  }
0x83: {  	_ =	shalt  }
0x84: {  	_ =	shalt  }
0x85: {  	_ =	shalt  }
0x86: {  	_ =	shalt  }
0x87: {  	_ =	shalt  }
.Lfunc_end0:
.L_simem_size_0:
called_computation.1_lowered:
.L_overlay_start_0:
0x88: {  	s2 =	sld [smem:$0x3FD9]  }
0x89: {  	s3 =	sld [smem:$0x3FFE];
	_ =	sdelay $0x1  }
0x8a: {  	s1 =	srdreg.scid  }
0x8b: {  	s0 =	sand.u32 $0x1, s1  }
0x8c: {  	s17 =	sshll.u32 s0, $0xA;
	s2 =	sadd.s32 s3, s2  }
0x8d: {  	s2 =	sadd.s32 s2, s17  }
0x8e: {  	[smem:$0x3FBD] =	sst s2  }
0x8f: {  	_ = 	snop  }
0x90: {  	s2 =	sld [smem:$0x3FD0];
	(tm) =	ssettm $0x1  }
0x91: {  	s18 =	sld [smem:$0x3FFB];
	_ =	sdelay $0x3  }
0x92: {  	_ =	strace s18  }
0x93: {  	s3 =	sld [smem:$0x3FFC];
	_ =	sdelay $0x3  }
0x94: {  	_ =	strace s3  }
0x95: {  	s3 =	sld [smem:$0x3FFD];
	_ =	sdelay $0x3  }
0x96: {  	_ =	strace s3  }
0x97: {  	_ =	strace $0x8FFFFFFF  }
0x98: {  	s19 =	sld [smem:$0x3FDB];
	_ =	sdelay $0x1  }
0x99: {  	s4 =	simm.s32 $_scs_section_size  }
0x9a: {  	s5 =	simm.s32 $_size__tile_overlayer_lowered;
	s6 =	simm.s32 $_tile_overlayer_lowered  }
0x9b: {  	s22 =	simm.s32 $0x1BFF;
	s21 =	sshll.u32 s6, $0x1;
	s3 =	sadd.s32 s4, s19  }
0x9c: {  	s7 =	simm.s32 $0x0;
	s20 =	sshll.u32 s5, $0x1;
	s5 =	sadd.s32 s21, s3  }
0x9d: {  	[timem:s7], [sflag:s22] =	dma.local [hbm:s5], s20  }
0x9e: {  	_ =	swait.ge [sflag:s22], s20  }
0x9f: {  	s4 =	ssub.s32 $0x0, s20;
	[sflag:s22] =	ssyncset.done $0x0  }
0xa0: {  	[sflag:s22] =	ssyncadd.s32 s4;
	_ =	sdelay $0x1  }
0xa1: {  	s23 =	simm.s32 $0x1B8B  }
0xa2: {  	_ =	swait.ge [sflag:s23], $0x1  }
0xa3: {  	[sflag:s23] =	ssyncset.done $0x0  }
0xa4: {  	s25 =	simm.s32 $0x1B8E;
	s24 =	sld [smem:$0x3FFE];
	[sflag:s23] =	ssyncadd.s32 $0xFFFFFFFF  }
0xa5: {  	s26 =	simm.s32 $execute0_lowered;
	[smem:$0x3FD2] =	sst s25  }
0xa6: {  	s5 =	sshll.u32 s26, $0x1;
	_ =	strace $0x80000049;
	[dreg:$0x1] =	wrdreg $0xFFFFFFFF  }
0xa7: {  	s28 =	simm.s32 $_size_execute0_lowered;
	s3 =	sadd.s32 s3, s5;
	[dreg:$0x0] =	wrdreg $0x0  }
0xa8: {  	s5 =	sshll.u32 s28, $0x1;
	[dreg:$0x2] =	wrdreg s3  }
0xa9: {  	[dreg:$0x3] =	wrdreg s5  }
0xaa: {  	[dreg:$0x4] =	wrdreg $0xC0  }
0xab: {  	_ =	task [dreg:s7], $0x5FFFF  }
0xac: {  	[dreg:$0x1] =	wrdreg $0xFFFFFFFF  }
0xad: {  	[dreg:$0x0] =	wrdreg $0x60  }
0xae: {  	[dreg:$0x2] =	wrdreg s24  }
0xaf: {  	[dreg:$0x3] =	wrdreg s2  }
0xb0: {  	[dreg:$0x4] =	wrdreg $0x9  }
0xb1: {  	_ =	task.clear_ibuf [dreg:s7], $0x5FFFF;
	_ =	strace $0x90000049  }
0xb2: {  	s29 =	simm.s32 $0x9;
	_ =	strace $0x8000004B  }
0xb3: {  	_ =	swait.ge [sflag:s29], $0x1  }
0xb4: {  	[sflag:s29] =	ssyncadd.s32 $0xFFFFFFFF  }
0xb5: {  	_ =	strace $0x9000004B  }
0xb6: {  	_ =	sfence  }
0xb7: {  	s30 =	sld [smem:$0x0];
	_ =	sdelay $0x2  }
0xb8: {  	s31 =	sshll.u32 s1, $0xD;
	s1 =	sshrl.u32 s1, $0x2  }
0xb9: {  	s3 =	sand.u32 $0x4000, s31;
	s1 =	sadd.s32 s1, s30  }
0xba: {  	s0 =	sor.u32 s3, s0;
	s1 =	sshll.u32 s1, $0x11  }
0xbb: {  	s0 =	sor.u32 s1, s0  }
0xbc: {  	s0 =	sadd.s32 $0x8F2B, s0  }
0xbd: {  	[sflag:s0] =	ssyncadd.remote.s32 $0x1  }
0xbe: {  	_ =	sfence.sel $0xFFFF  }
0xbf: {  	[dreg:$0x0] =	wrdreg $0xFFFFFFFF;
	(pc) =	sbr.abs _section_cstart, $3  }
0xc0: {  	[dreg:$0x1] =	wrdreg $0xFFFFFFFF  }
0xc1: {  	_ =	task.clear_ibuf [dreg:s7], $0x2FFFF;
	_ =	strace $0x9FFFFFFF  }
0xc2: {  	(tm) =	ssettm $0x7FFFFFFF  }
0xc3: {  	_ =	shalt  }
tec
execute0_lowered:
.L_overlay_start_1:
0x0: {  	(tag) =	ssettag $0x1  }
0x1: {  	s1 =	srdreg.scid  }
0x2: {  	s22 =	rddreg [dreg:$0x0];
	s0 =	stileid.u32;
	s23 =	sand.u32 $0x1, s1  }
0x3: {  	s3 =	rddreg [dreg:$0x1];
	s4 =	sshll.u32 s0, $0xB;
	s5 =	sshll.u32 s23, $0xA  }
0x4: {  	s2 =	simm.s32 $0x0;
	s1 =	rddreg [dreg:$0x2];
	s24 =	sor.u32 s5, s4  }
0x5: {  	[smem:$0x7FF] =	sst s2;
	s4 =	sshrl.u32 s24, $0x3  }
0x6: {  	_ =	strace $0x8000004A;
	s4 =	sadd.s32 s3, s4;
	s3 =	simm.s32 $0x2  }
0x7: {  	[tilespmem:s2], [sflag:$0x2] =	stream.linear.gather [hbm4b:s4+s2], $0x400, $0x38;
	[tilespmem:$0x14400] =	vst v63  }
0x8: {  	_ =	swait.ge [sflag:s3], $0x400  }
0x9: {  	s6 =	simm.s32 $0x80;
	[sflag:s3] =	ssyncset.done $0x0  }
0xa: {  	s7 =	simm.s32 $0x400;
	s5 =	sadd.s32 $0xC3C00, s22;
	[sflag:s3] =	ssyncadd.s32 $0xFFFFFC00  }
0xb: {  	[tilespmem:s7], [sflag:$0x1] =	stream.indirect.gather [hbm4b:s5+s6], $0x50, s2, s6, $0xb8;
	[tilespmem:$0x14400] =	vst v63  }
0xc: {  	s8 =	simm.s32 $0x2C00  }
0xd: {  	[tilespmem:s8], [sflag:$0x1] =	stream.indirect.gather [hbm4b:s5+s6], $0x50, s6, s6, $0xb8;
	[tilespmem:$0x14400] =	vst v63  }
0xe: {  	s9 =	simm.s32 $0x100;
	s10 =	simm.s32 $0x5400  }
0xf: {  	[tilespmem:s10], [sflag:$0x1] =	stream.indirect.gather [hbm4b:s5+s6], $0x50, s9, s6, $0xb8;
	[tilespmem:$0x14400] =	vst v63  }
0x10: {  	s11 =	simm.s32 $0x180;
	s12 =	simm.s32 $0x7C00  }
0x11: {  	[tilespmem:s12], [sflag:$0x1] =	stream.indirect.gather [hbm4b:s5+s6], $0x50, s11, s6, $0xb8;
	[tilespmem:$0x14400] =	vst v63  }
0x12: {  	s13 =	simm.s32 $0x200;
	s14 =	simm.s32 $0xA400  }
0x13: {  	[tilespmem:s14], [sflag:$0x1] =	stream.indirect.gather [hbm4b:s5+s6], $0x50, s13, s6, $0xb8;
	[tilespmem:$0x14400] =	vst v63  }
0x14: {  	s15 =	simm.s32 $0x280;
	s16 =	simm.s32 $0xCC00  }
0x15: {  	[tilespmem:s16], [sflag:$0x1] =	stream.indirect.gather [hbm4b:s5+s6], $0x50, s15, s6, $0xb8;
	[tilespmem:$0x14400] =	vst v63  }
0x16: {  	s17 =	simm.s32 $0x300;
	s18 =	simm.s32 $0xF400  }
0x17: {  	[tilespmem:s18], [sflag:$0x1] =	stream.indirect.gather [hbm4b:s5+s6], $0x50, s17, s6, $0xb8;
	[tilespmem:$0x14400] =	vst v63  }
0x18: {  	s19 =	simm.s32 $0x380;
	s20 =	simm.s32 $0x11C00;
	s21 =	simm.s32 $0x1  }
0x19: {  	[tilespmem:s20], [sflag:$0x1] =	stream.indirect.gather [hbm4b:s5+s6], $0x50, s19, s6, $0xb8;
	[tilespmem:$0x14400] =	vst v63  }
0x1a: {  	_ =	swait.ge [sflag:s21], $0x2800  }
0x1b: {  	[sflag:s21] =	ssyncset.done $0x0  }
0x1c: {  	[sflag:s21] =	ssyncadd.s32 $0xFFFFD800  }
0x1d: {  	_ =	swait.ge [sflag:s21], $0x2800  }
0x1e: {  	[sflag:s21] =	ssyncset.done $0x0  }
0x1f: {  	[sflag:s21] =	ssyncadd.s32 $0xFFFFD800  }
0x20: {  	_ =	swait.ge [sflag:s21], $0x2800  }
0x21: {  	[sflag:s21] =	ssyncset.done $0x0  }
0x22: {  	[sflag:s21] =	ssyncadd.s32 $0xFFFFD800  }
0x23: {  	_ =	swait.ge [sflag:s21], $0x2800  }
0x24: {  	[sflag:s21] =	ssyncset.done $0x0  }
0x25: {  	[sflag:s21] =	ssyncadd.s32 $0xFFFFD800  }
0x26: {  	_ =	swait.ge [sflag:s21], $0x2800  }
0x27: {  	[sflag:s21] =	ssyncset.done $0x0  }
0x28: {  	[sflag:s21] =	ssyncadd.s32 $0xFFFFD800  }
0x29: {  	_ =	swait.ge [sflag:s21], $0x2800  }
0x2a: {  	[sflag:s21] =	ssyncset.done $0x0  }
0x2b: {  	s23 =	ssub.s32 $0x2, s23;
	[sflag:s21] =	ssyncadd.s32 $0xFFFFD800  }
0x2c: {  	s25 =	sshrl.u32 s23, $0x1;
	_ =	swait.ge [sflag:s21], $0x2800  }
0x2d: {  	s23 =	ssub.s32 s23, s25;
	[sflag:s21] =	ssyncset.done $0x0  }
0x2e: {  	s24 =	smul.u32 $0xA, s24;
	s23 =	smax.u32 s23, $0x1;
	[sflag:s21] =	ssyncadd.s32 $0xFFFFD800  }
0x2f: {  	p0 =	sne.s32 s23, $0x1;
	_ =	swait.ge [sflag:s21], $0x2800  }
.Ltmp0:
0x30: {  	s22 =	sadd.s32 s24, s22;
	[sflag:s21] =	ssyncset.done $0x0;
	(pc) =	sbr.rel @!p0 .LBB2_2-.Ltmp0, $4  }
0x31: {  	s22 =	sadd.s32 $0x2400, s22;
	[sflag:s21] =	ssyncadd.s32 $0xFFFFD800  }
0x32: {  	[hbm4b:s22+s2] =	stream.linear.scatter [tilespmem:s7], [sflag:$0x2], $0x14000, $0x38;
	[tilespmem:$0x14400] =	vst v63  }
0x33: {  	_ =	swait.ge [sflag:s3], $0x14000  }
0x34: {  	s23 =	sadd.s32 $0xFFFFFFFF, s23;
	[sflag:s3] =	ssyncset.done $0x0  }
.LBB2_1:
0x35: {  	p0 =	sne.s32 s23, $0x1;
	s23 =	sadd.s32 $0xFFFFFFFF, s23;
	[sflag:s3] =	ssyncadd.s32 $0xFFFEC000  }
0x36: {  	[tilespmem:s2], [sflag:$0x2] =	stream.linear.gather [hbm4b:s4+s2], $0x400, $0x38;
	[tilespmem:$0x14400] =	vst v63  }
0x37: {  	_ =	swait.ge [sflag:s3], $0x400  }
0x38: {  	[sflag:s3] =	ssyncset.done $0x0  }
0x39: {  	[sflag:s3] =	ssyncadd.s32 $0xFFFFFC00  }
0x3a: {  	[tilespmem:s7], [sflag:$0x1] =	stream.indirect.gather [hbm4b:s5+s6], $0x50, s2, s6, $0xb8;
	[tilespmem:$0x14400] =	vst v63  }
0x3b: {  	_ = 	snop  }
0x3c: {  	[tilespmem:s8], [sflag:$0x1] =	stream.indirect.gather [hbm4b:s5+s6], $0x50, s6, s6, $0xb8;
	[tilespmem:$0x14400] =	vst v63  }
0x3d: {  	_ = 	snop  }
0x3e: {  	[tilespmem:s10], [sflag:$0x1] =	stream.indirect.gather [hbm4b:s5+s6], $0x50, s9, s6, $0xb8;
	[tilespmem:$0x14400] =	vst v63  }
0x3f: {  	_ = 	snop  }
0x40: {  	[tilespmem:s12], [sflag:$0x1] =	stream.indirect.gather [hbm4b:s5+s6], $0x50, s11, s6, $0xb8;
	[tilespmem:$0x14400] =	vst v63  }
0x41: {  	_ = 	snop  }
0x42: {  	[tilespmem:s14], [sflag:$0x1] =	stream.indirect.gather [hbm4b:s5+s6], $0x50, s13, s6, $0xb8;
	[tilespmem:$0x14400] =	vst v63  }
0x43: {  	_ = 	snop  }
0x44: {  	[tilespmem:s16], [sflag:$0x1] =	stream.indirect.gather [hbm4b:s5+s6], $0x50, s15, s6, $0xb8;
	[tilespmem:$0x14400] =	vst v63  }
0x45: {  	_ = 	snop  }
0x46: {  	[tilespmem:s18], [sflag:$0x1] =	stream.indirect.gather [hbm4b:s5+s6], $0x50, s17, s6, $0xb8;
	[tilespmem:$0x14400] =	vst v63  }
0x47: {  	_ = 	snop  }
0x48: {  	[tilespmem:s20], [sflag:$0x1] =	stream.indirect.gather [hbm4b:s5+s6], $0x50, s19, s6, $0xb8;
	[tilespmem:$0x14400] =	vst v63  }
0x49: {  	_ =	swait.ge [sflag:s21], $0x2800  }
0x4a: {  	[sflag:s21] =	ssyncset.done $0x0  }
0x4b: {  	[sflag:s21] =	ssyncadd.s32 $0xFFFFD800  }
0x4c: {  	_ =	swait.ge [sflag:s21], $0x2800  }
0x4d: {  	[sflag:s21] =	ssyncset.done $0x0  }
0x4e: {  	[sflag:s21] =	ssyncadd.s32 $0xFFFFD800  }
0x4f: {  	_ =	swait.ge [sflag:s21], $0x2800  }
0x50: {  	[sflag:s21] =	ssyncset.done $0x0  }
0x51: {  	[sflag:s21] =	ssyncadd.s32 $0xFFFFD800  }
0x52: {  	_ =	swait.ge [sflag:s21], $0x2800  }
0x53: {  	[sflag:s21] =	ssyncset.done $0x0  }
0x54: {  	[sflag:s21] =	ssyncadd.s32 $0xFFFFD800  }
0x55: {  	_ =	swait.ge [sflag:s21], $0x2800  }
0x56: {  	[sflag:s21] =	ssyncset.done $0x0  }
0x57: {  	[sflag:s21] =	ssyncadd.s32 $0xFFFFD800  }
0x58: {  	_ =	swait.ge [sflag:s21], $0x2800  }
0x59: {  	[sflag:s21] =	ssyncset.done $0x0  }
0x5a: {  	[sflag:s21] =	ssyncadd.s32 $0xFFFFD800  }
0x5b: {  	_ =	swait.ge [sflag:s21], $0x2800  }
0x5c: {  	[sflag:s21] =	ssyncset.done $0x0  }
0x5d: {  	[sflag:s21] =	ssyncadd.s32 $0xFFFFD800  }
0x5e: {  	_ =	swait.ge [sflag:s21], $0x2800  }
.Ltmp1:
0x5f: {  	[sflag:s21] =	ssyncset.done $0x0;
	(pc) =	sbr.rel @p0 .LBB2_1-.Ltmp1, $4  }
0x60: {  	[sflag:s21] =	ssyncadd.s32 $0xFFFFD800  }
0x61: {  	[hbm4b:s22+s2] =	stream.linear.scatter [tilespmem:s7], [sflag:$0x2], $0x14000, $0x38;
	[tilespmem:$0x14400] =	vst v63  }
0x62: {  	_ =	swait.ge [sflag:s3], $0x14000  }
0x63: {  	[sflag:s3] =	ssyncset.done $0x0  }
.LBB2_2:
0x64: {  	[sflag:s3] =	ssyncadd.s32 $0xFFFEC000  }
0x65: {  	_ =	sfence.sel $0x180000  }
0x66: {  	[bflag:$0x0] =	sbarrier.arrive $0xFFFF  }
0x67: {  	p0 =	sne.s32 s0, $0x0;
	_ =	strace $0x9000004A  }
0x68: {  	s0 =	sadd.s32 @!p0 $0x100000, s1;
	[bflag:$0x2] =	sbarrier.arrive $0xFFFF  }
0x69: {  	[sflag:s0] =	ssyncadd.tile.s32 @!p0 $0x1;
	_ =	shalt  }
.Lfunc_end2:
_tile_overlayer_lowered:
.L_overlay_start_2:
0x6a: {  	(tag) =	ssettag $0x2  }
0x6b: {  	s0 =	rddreg [dreg:$0x0];
	s2 =	stileid.u32  }
0x6c: {  	s1 =	rddreg [dreg:$0x1];
	p0 =	sne.s32 s2, $0x0  }
0x6d: {  	s3 =	rddreg [dreg:$0x2];
	[bflag:$0x3] =	sbarrier.arrive $0xFFFF;
	s2 =	simm.s32 @!p0 $0x1C02  }
0x6e: {  	[timem:s3], [sflag:s2] =	dma.local @!p0 [hbm:s0], s1  }
0x6f: {  	s0 =	simm.s32 @!p0 $0x2  }
0x70: {  	_ =	swait.ge @!p0 [sflag:s0], s1  }
0x71: {  	s1 =	ssub.s32 @!p0 $0x0, s1;
	[sflag:s0] =	ssyncset.done @!p0 $0x0  }
0x72: {  	[sflag:s0] =	ssyncadd.s32 @!p0 s1  }
0x73: {  	[bflag:$0x3] =	sbarrier.arrive $0xFFFF  }
0x74: {  	_ =	shalt  }

// kernel: kernel.7.cloned.1.call-start
scs
__scs_entry_jumppad:
0x0: {  	(pc) =	sbr.rel $0x88, $3  }
0x1: {  	(tag) =	ssettag $0x0;
	lr =	simm.s32 $0x1  }
0x2: {  	[smem:$0x3F96] =	sst lr;
	_ =	strace $0xD0000000  }
0x3: {  	_ = 	snop  }
0x4: {  	_ = 	snop  }
0x5: {  	_ = 	snop  }
0x6: {  	_ = 	snop  }
0x7: {  	_ = 	snop  }
__scs_overlays_trampoline_lowered:
0x8: {  	[smem:$0x3FA5] =	sst s0  }
0x9: {  	[smem:$0x3FA6] =	sst s1  }
0xa: {  	[smem:$0x3FA7] =	sst s2  }
0xb: {  	[smem:$0x3FA8] =	sst s3  }
0xc: {  	[smem:$0x3FA9] =	sst s4  }
0xd: {  	[smem:$0x3FAA] =	sst s5  }
0xe: {  	[smem:$0x3FAB] =	sst s6  }
0xf: {  	[smem:$0x3FAC] =	sst s7  }
0x10: {  	[smem:$0x3FAD] =	sst s8  }
0x11: {  	[smem:$0x3FAE] =	sst s9;
	s0 =	simm.s32 @!p0 $0x0  }
0x12: {  	s1 =	sld [smem:$0x3F94];
	s0 =	simm.s32 @p0 $0x1  }
0x13: {  	[smem:$0x3FAF] =	sst s0;
	s0 =	simm.s32 @!p1 $0x0  }
0x14: {  	s2 =	sld [smem:$0x3F93];
	s0 =	simm.s32 @p1 $0x1  }
0x15: {  	[smem:$0x3FB0] =	sst s0;
	s0 =	simm.s32 @!p2 $0x0  }
0x16: {  	s3 =	sld [smem:$0x3FDB];
	s0 =	simm.s32 @p2 $0x1  }
0x17: {  	s4 =	simm.s32 $0x1BF5;
	[smem:$0x3FB2] =	sst s0  }
0x18: {  	s0 =	sld [smem:$0x3F95];
	_ =	swait.ge [sflag:s4], $0x0  }
0x19: {  	s7 =	sld [smem:$0x3F96]  }
0x1a: {  	s8 =	sadd.s32 $0xFFFFE003, lr  }
0x1b: {  	s9 =	sadd.s32 $0xFFFFFEF7, lr;
	s5 =	simm.s32 $0xFFFFFFFF;
	p2 =	slt.u32 s8, $0xFFFFF086  }
0x1c: {  	p1 =	slt.u32 s9, $0xF7A;
	s5 =	simm.s32 @!p2 $0x0  }
0x1d: {  	s5 =	simm.s32 @p1 $0x1;
	p0 =	seq.s32 s7, s2  }
0x1e: {  	s7 =	smul.u32 @!p0 $0xF7A, s2;
	p2 =	seq.s32 @!p0 s5, $0x0  }
0x1f: {  	s9 =	smul.u32 $0xF7A, s1;
	s8 =	simm.s32 @!p0 $0x1BF5;
	p2 =	por !p2, p0  }
0x20: {  	[sflag:s8] =	ssyncset.s32 @!p0 $0xFFFFF086;
	s6 =	sadd.s32 @!p0 s3, s7;
	s7 =	simm.s32 @!p0 $0x108  }
0x21: {  	s3 =	sadd.s32 s3, s9;
	s6 =	sadd.s32 @!p0 $0x88, s6;
	s7 =	simm.s32 @p2 $0x1082  }
0x22: {  	[simem:s7], [sflag:s8] =	dma.local @!p0 [hbm:s6], $0xF7A  }
0x23: {  	s9 =	sor.u32 $0xD0000000, s2;
	s6 =	simm.s32 $0x108;
	_ =	swait.ge @!p0 [sflag:s8], $0x0  }
0x24: {  	s3 =	sadd.s32 $0x88, s3;
	s6 =	simm.s32 @!p1 $0x1082;
	[sflag:s4] =	ssyncset.s32 $0xFFFFF086  }
0x25: {  	[simem:s6], [sflag:s4] =	dma.local [hbm:s3], $0xF7A  }
0x26: {  	[smem:$0x3F96] =	sst s1;
	(tag) =	ssettag s2;
	_ =	strace s9  }
0x27: {  	s1 =	sld [smem:$0x3FA6]  }
0x28: {  	s2 =	sld [smem:$0x3FA7]  }
0x29: {  	s4 =	sld [smem:$0x3FA9]  }
0x2a: {  	p0 =	seq.s32 s5, $0x0;
	s5 =	sld [smem:$0x3FAA]  }
0x2b: {  	s6 =	sld [smem:$0x3FAB]  }
0x2c: {  	s7 =	sld [smem:$0x3FAC]  }
0x2d: {  	s3 =	simm.s32 $0x108;
	s8 =	sld [smem:$0x3FAD]  }
0x2e: {  	s3 =	simm.s32 @!p0 $0x1082;
	s9 =	sld [smem:$0x3FAE]  }
0x2f: {  	lr =	sadd.s32 s0, s3;
	s0 =	sld [smem:$0x3FA5]  }
0x30: {  	s3 =	sld [smem:$0x3FA8]  }
0x31: {  	[smem:$0x3FB1] =	sst s10  }
0x32: {  	s10 =	sld [smem:$0x3FAF];
	_ =	sdelay $0x3  }
0x33: {  	p0 =	seq.s32 s10, $0x1;
	s10 =	sld [smem:$0x3FB1];
	_ =	sdelay $0x3  }
0x34: {  	[smem:$0x3FB1] =	sst s10  }
0x35: {  	s10 =	sld [smem:$0x3FB0];
	_ =	sdelay $0x3  }
0x36: {  	p1 =	seq.s32 s10, $0x1;
	s10 =	sld [smem:$0x3FB1];
	_ =	sdelay $0x3  }
0x37: {  	[smem:$0x3FB1] =	sst s10  }
0x38: {  	s10 =	sld [smem:$0x3FB2]  }
0x39: {  	_ = 	snop;
	(pc) =	sbr.ind lr, $3  }
0x3a: {  	_ = 	snop  }
0x3b: {  	_ = 	snop  }
0x3c: {  	p2 =	seq.s32 s10, $0x1;
	s10 =	sld [smem:$0x3FB1]  }
0x3d: {  	_ =	shalt  }
0x3e: {  	_ =	shalt  }
0x3f: {  	_ =	shalt  }
0x40: {  	_ =	shalt  }
0x41: {  	_ =	shalt  }
0x42: {  	_ =	shalt  }
0x43: {  	_ =	shalt  }
0x44: {  	_ =	shalt  }
0x45: {  	_ =	shalt  }
0x46: {  	_ =	shalt  }
0x47: {  	_ =	shalt  }
0x48: {  	_ =	shalt  }
0x49: {  	_ =	shalt  }
0x4a: {  	_ =	shalt  }
0x4b: {  	_ =	shalt  }
0x4c: {  	_ =	shalt  }
0x4d: {  	_ =	shalt  }
0x4e: {  	_ =	shalt  }
0x4f: {  	_ =	shalt  }
0x50: {  	_ =	shalt  }
0x51: {  	_ =	shalt  }
0x52: {  	_ =	shalt  }
0x53: {  	_ =	shalt  }
0x54: {  	_ =	shalt  }
0x55: {  	_ =	shalt  }
0x56: {  	_ =	shalt  }
0x57: {  	_ =	shalt  }
0x58: {  	_ =	shalt  }
0x59: {  	_ =	shalt  }
0x5a: {  	_ =	shalt  }
0x5b: {  	_ =	shalt  }
0x5c: {  	_ =	shalt  }
0x5d: {  	_ =	shalt  }
0x5e: {  	_ =	shalt  }
0x5f: {  	_ =	shalt  }
0x60: {  	_ =	shalt  }
0x61: {  	_ =	shalt  }
0x62: {  	_ =	shalt  }
0x63: {  	_ =	shalt  }
0x64: {  	_ =	shalt  }
0x65: {  	_ =	shalt  }
0x66: {  	_ =	shalt  }
0x67: {  	_ =	shalt  }
0x68: {  	_ =	shalt  }
0x69: {  	_ =	shalt  }
0x6a: {  	_ =	shalt  }
0x6b: {  	_ =	shalt  }
0x6c: {  	_ =	shalt  }
0x6d: {  	_ =	shalt  }
0x6e: {  	_ =	shalt  }
0x6f: {  	_ =	shalt  }
0x70: {  	_ =	shalt  }
0x71: {  	_ =	shalt  }
0x72: {  	_ =	shalt  }
0x73: {  	_ =	shalt  }
0x74: {  	_ =	shalt  }
0x75: {  	_ =	shalt  }
0x76: {  	_ =	shalt  }
0x77: {  	_ =	shalt  }
0x78: {  	_ =	shalt  }
0x79: {  	_ =	shalt  }
0x7a: {  	_ =	shalt  }
0x7b: {  	_ =	shalt  }
0x7c: {  	_ =	shalt  }
0x7d: {  	_ =	shalt  }
0x7e: {  	_ =	shalt  }
0x7f: {  	_ =	shalt  }
0x80: {  	_ =	shalt  }
0x81: {  	_ =	shalt  }
0x82: {  	_ =	shalt  }
0x83: {  	_ =	shalt  }
0x84: {  	_ =	shalt  }
0x85: {  	_ =	shalt  }
0x86: {  	_ =	shalt  }
0x87: {  	_ =	shalt  }
.Lfunc_end0:
.L_simem_size_0:
called_computation_lowered:
.L_overlay_start_0:
0x88: {  	s2 =	sld [smem:$0x3FD9]  }
0x89: {  	s3 =	sld [smem:$0x3FFE];
	_ =	sdelay $0x1  }
0x8a: {  	s1 =	srdreg.scid  }
0x8b: {  	s0 =	sand.u32 $0x1, s1  }
0x8c: {  	s17 =	sshll.u32 s0, $0xA;
	s2 =	sadd.s32 s3, s2  }
0x8d: {  	s2 =	sadd.s32 s2, s17  }
0x8e: {  	[smem:$0x3FBD] =	sst s2  }
0x8f: {  	_ = 	snop  }
0x90: {  	s2 =	sld [smem:$0x3FD0];
	(tm) =	ssettm $0x1  }
0x91: {  	s18 =	sld [smem:$0x3FFB];
	_ =	sdelay $0x3  }
0x92: {  	_ =	strace s18  }
0x93: {  	s3 =	sld [smem:$0x3FFC];
	_ =	sdelay $0x3  }
0x94: {  	_ =	strace s3  }
0x95: {  	s3 =	sld [smem:$0x3FFD];
	_ =	sdelay $0x3  }
0x96: {  	_ =	strace s3  }
0x97: {  	_ =	strace $0x8FFFFFFF  }
0x98: {  	s19 =	sld [smem:$0x3FDB];
	_ =	sdelay $0x1  }
0x99: {  	s4 =	simm.s32 $_scs_section_size  }
0x9a: {  	s5 =	simm.s32 $_size__tile_overlayer_lowered;
	s6 =	simm.s32 $_tile_overlayer_lowered  }
0x9b: {  	s22 =	simm.s32 $0x1BFF;
	s21 =	sshll.u32 s6, $0x1;
	s3 =	sadd.s32 s4, s19  }
0x9c: {  	s7 =	simm.s32 $0x0;
	s20 =	sshll.u32 s5, $0x1;
	s5 =	sadd.s32 s21, s3  }
0x9d: {  	[timem:s7], [sflag:s22] =	dma.local [hbm:s5], s20  }
0x9e: {  	_ =	swait.ge [sflag:s22], s20  }
0x9f: {  	s4 =	ssub.s32 $0x0, s20;
	[sflag:s22] =	ssyncset.done $0x0  }
0xa0: {  	[sflag:s22] =	ssyncadd.s32 s4;
	_ =	sdelay $0x1  }
0xa1: {  	s23 =	simm.s32 $0x1B8B  }
0xa2: {  	_ =	swait.ge [sflag:s23], $0x1  }
0xa3: {  	[sflag:s23] =	ssyncset.done $0x0  }
0xa4: {  	s25 =	simm.s32 $0x1B8E;
	s24 =	sld [smem:$0x3FFE];
	[sflag:s23] =	ssyncadd.s32 $0xFFFFFFFF  }
0xa5: {  	s26 =	simm.s32 $execute0_lowered;
	[smem:$0x3FD2] =	sst s25  }
0xa6: {  	s5 =	sshll.u32 s26, $0x1;
	_ =	strace $0x80000046;
	[dreg:$0x1] =	wrdreg $0xFFFFFFFF  }
0xa7: {  	s28 =	simm.s32 $_size_execute0_lowered;
	s3 =	sadd.s32 s3, s5;
	[dreg:$0x0] =	wrdreg $0x0  }
0xa8: {  	s5 =	sshll.u32 s28, $0x1;
	[dreg:$0x2] =	wrdreg s3  }
0xa9: {  	[dreg:$0x3] =	wrdreg s5  }
0xaa: {  	[dreg:$0x4] =	wrdreg $0xC0  }
0xab: {  	_ =	task [dreg:s7], $0x5FFFF  }
0xac: {  	[dreg:$0x1] =	wrdreg $0xFFFFFFFF  }
0xad: {  	[dreg:$0x0] =	wrdreg $0x60  }
0xae: {  	[dreg:$0x2] =	wrdreg s24  }
0xaf: {  	[dreg:$0x3] =	wrdreg s2  }
0xb0: {  	[dreg:$0x4] =	wrdreg $0x9  }
0xb1: {  	_ =	task.clear_ibuf [dreg:s7], $0x5FFFF;
	_ =	strace $0x90000046  }
0xb2: {  	s29 =	simm.s32 $0x9;
	_ =	strace $0x80000048  }
0xb3: {  	_ =	swait.ge [sflag:s29], $0x1  }
0xb4: {  	[sflag:s29] =	ssyncadd.s32 $0xFFFFFFFF  }
0xb5: {  	_ =	strace $0x90000048  }
0xb6: {  	_ =	sfence  }
0xb7: {  	s30 =	sld [smem:$0x0];
	_ =	sdelay $0x2  }
0xb8: {  	s31 =	sshll.u32 s1, $0xD;
	s1 =	sshrl.u32 s1, $0x2  }
0xb9: {  	s3 =	sand.u32 $0x4000, s31;
	s1 =	sadd.s32 s1, s30  }
0xba: {  	s0 =	sor.u32 s3, s0;
	s1 =	sshll.u32 s1, $0x11  }
0xbb: {  	s0 =	sor.u32 s1, s0  }
0xbc: {  	s0 =	sadd.s32 $0x8F2B, s0  }
0xbd: {  	[sflag:s0] =	ssyncadd.remote.s32 $0x1  }
0xbe: {  	_ =	sfence.sel $0xFFFF  }
0xbf: {  	[dreg:$0x0] =	wrdreg $0xFFFFFFFF;
	(pc) =	sbr.abs _section_cstart, $3  }
0xc0: {  	[dreg:$0x1] =	wrdreg $0xFFFFFFFF  }
0xc1: {  	_ =	task.clear_ibuf [dreg:s7], $0x2FFFF;
	_ =	strace $0x9FFFFFFF  }
0xc2: {  	(tm) =	ssettm $0x7FFFFFFF  }
0xc3: {  	_ =	shalt  }
tec
execute0_lowered:
.L_overlay_start_1:
0x0: {  	(tag) =	ssettag $0x1  }
0x1: {  	s1 =	srdreg.scid  }
0x2: {  	s25 =	rddreg [dreg:$0x0];
	s0 =	stileid.u32;
	s26 =	sand.u32 $0x1, s1  }
0x3: {  	s3 =	rddreg [dreg:$0x1];
	s4 =	sshll.u32 s0, $0xB;
	s5 =	sshll.u32 s26, $0xA  }
0x4: {  	s2 =	simm.s32 $0x0;
	s1 =	rddreg [dreg:$0x2];
	s22 =	sor.u32 s5, s4  }
0x5: {  	[smem:$0x7FF] =	sst s2;
	s4 =	sshrl.u32 s22, $0x3  }
0x6: {  	_ =	strace $0x80000047;
	s4 =	sadd.s32 s3, s4;
	s3 =	simm.s32 $0x2  }
0x7: {  	[tilespmem:s2], [sflag:$0x2] =	stream.linear.gather [hbm4b:s4+s2], $0x400, $0x38;
	[tilespmem:$0x10400] =	vst v63  }
0x8: {  	_ =	swait.ge [sflag:s3], $0x400  }
0x9: {  	s6 =	simm.s32 $0x80;
	[sflag:s3] =	ssyncset.done $0x0  }
0xa: {  	s7 =	simm.s32 $0x400;
	s5 =	sadd.s32 $0x3400, s25;
	[sflag:s3] =	ssyncadd.s32 $0xFFFFFC00  }
0xb: {  	[tilespmem:s7], [sflag:$0x1] =	stream.indirect.gather [hbm4b:s5+s6], $0x40, s2, s6, $0xb8;
	[tilespmem:$0x10400] =	vst v63  }
0xc: {  	s8 =	simm.s32 $0x2400  }
0xd: {  	[tilespmem:s8], [sflag:$0x1] =	stream.indirect.gather [hbm4b:s5+s6], $0x40, s6, s6, $0xb8;
	[tilespmem:$0x10400] =	vst v63  }
0xe: {  	s9 =	simm.s32 $0x100;
	s10 =	simm.s32 $0x4400  }
0xf: {  	[tilespmem:s10], [sflag:$0x1] =	stream.indirect.gather [hbm4b:s5+s6], $0x40, s9, s6, $0xb8;
	[tilespmem:$0x10400] =	vst v63  }
0x10: {  	s11 =	simm.s32 $0x180;
	s12 =	simm.s32 $0x6400  }
0x11: {  	[tilespmem:s12], [sflag:$0x1] =	stream.indirect.gather [hbm4b:s5+s6], $0x40, s11, s6, $0xb8;
	[tilespmem:$0x10400] =	vst v63  }
0x12: {  	s13 =	simm.s32 $0x200;
	s14 =	simm.s32 $0x8400  }
0x13: {  	[tilespmem:s14], [sflag:$0x1] =	stream.indirect.gather [hbm4b:s5+s6], $0x40, s13, s6, $0xb8;
	[tilespmem:$0x10400] =	vst v63  }
0x14: {  	s15 =	simm.s32 $0x280;
	s16 =	simm.s32 $0xA400  }
0x15: {  	[tilespmem:s16], [sflag:$0x1] =	stream.indirect.gather [hbm4b:s5+s6], $0x40, s15, s6, $0xb8;
	[tilespmem:$0x10400] =	vst v63  }
0x16: {  	s17 =	simm.s32 $0x300;
	s18 =	simm.s32 $0xC400  }
0x17: {  	[tilespmem:s18], [sflag:$0x1] =	stream.indirect.gather [hbm4b:s5+s6], $0x40, s17, s6, $0xb8;
	[tilespmem:$0x10400] =	vst v63  }
0x18: {  	s19 =	simm.s32 $0x380;
	s20 =	simm.s32 $0xE400;
	s21 =	simm.s32 $0x1  }
0x19: {  	[tilespmem:s20], [sflag:$0x1] =	stream.indirect.gather [hbm4b:s5+s6], $0x40, s19, s6, $0xb8;
	[tilespmem:$0x10400] =	vst v63  }
0x1a: {  	_ =	swait.ge [sflag:s21], $0x2000  }
0x1b: {  	[sflag:s21] =	ssyncset.done $0x0  }
0x1c: {  	[sflag:s21] =	ssyncadd.s32 $0xFFFFE000  }
0x1d: {  	_ =	swait.ge [sflag:s21], $0x2000  }
0x1e: {  	[sflag:s21] =	ssyncset.done $0x0  }
0x1f: {  	[sflag:s21] =	ssyncadd.s32 $0xFFFFE000  }
0x20: {  	_ =	swait.ge [sflag:s21], $0x2000  }
0x21: {  	[sflag:s21] =	ssyncset.done $0x0  }
0x22: {  	[sflag:s21] =	ssyncadd.s32 $0xFFFFE000  }
0x23: {  	_ =	swait.ge [sflag:s21], $0x2000  }
0x24: {  	[sflag:s21] =	ssyncset.done $0x0  }
0x25: {  	[sflag:s21] =	ssyncadd.s32 $0xFFFFE000  }
0x26: {  	_ =	swait.ge [sflag:s21], $0x2000  }
0x27: {  	[sflag:s21] =	ssyncset.done $0x0  }
0x28: {  	[sflag:s21] =	ssyncadd.s32 $0xFFFFE000  }
0x29: {  	_ =	swait.ge [sflag:s21], $0x2000  }
0x2a: {  	[sflag:s21] =	ssyncset.done $0x0  }
0x2b: {  	[sflag:s21] =	ssyncadd.s32 $0xFFFFE000  }
0x2c: {  	_ =	swait.ge [sflag:s21], $0x2000  }
0x2d: {  	[sflag:s21] =	ssyncset.done $0x0  }
0x2e: {  	[sflag:s21] =	ssyncadd.s32 $0xFFFFE000  }
0x2f: {  	s22 =	sshll.u32 s22, $0x3;
	_ =	swait.ge [sflag:s21], $0x2000  }
0x30: {  	s28 =	sadd.s32 s22, s25;
	[sflag:s21] =	ssyncset.done $0x0  }
0x31: {  	s22 =	sadd.s32 $0x3C00, s28;
	[sflag:s21] =	ssyncadd.s32 $0xFFFFE000  }
0x32: {  	[hbm4b:s22+s2] =	stream.linear.scatter [tilespmem:s7], [sflag:$0x2], $0x10000, $0x38;
	[tilespmem:$0x10400] =	vst v63  }
0x33: {  	_ =	swait.ge [sflag:s3], $0x10000  }
0x34: {  	[sflag:s3] =	ssyncset.done $0x0  }
0x35: {  	s23 =	sadd.s32 $0x2C00, s25;
	[sflag:s3] =	ssyncadd.s32 $0xFFFF0000  }
0x36: {  	[tilespmem:s7], [sflag:$0x1] =	stream.indirect.gather [hbm4b:s23+s6], $0x40, s2, s6, $0xb8;
	[tilespmem:$0x10400] =	vst v63  }
0x37: {  	_ = 	snop  }
0x38: {  	[tilespmem:s8], [sflag:$0x1] =	stream.indirect.gather [hbm4b:s23+s6], $0x40, s6, s6, $0xb8;
	[tilespmem:$0x10400] =	vst v63  }
0x39: {  	_ = 	snop  }
0x3a: {  	[tilespmem:s10], [sflag:$0x1] =	stream.indirect.gather [hbm4b:s23+s6], $0x40, s9, s6, $0xb8;
	[tilespmem:$0x10400] =	vst v63  }
0x3b: {  	_ = 	snop  }
0x3c: {  	[tilespmem:s12], [sflag:$0x1] =	stream.indirect.gather [hbm4b:s23+s6], $0x40, s11, s6, $0xb8;
	[tilespmem:$0x10400] =	vst v63  }
0x3d: {  	_ = 	snop  }
0x3e: {  	[tilespmem:s14], [sflag:$0x1] =	stream.indirect.gather [hbm4b:s23+s6], $0x40, s13, s6, $0xb8;
	[tilespmem:$0x10400] =	vst v63  }
0x3f: {  	_ = 	snop  }
0x40: {  	[tilespmem:s16], [sflag:$0x1] =	stream.indirect.gather [hbm4b:s23+s6], $0x40, s15, s6, $0xb8;
	[tilespmem:$0x10400] =	vst v63  }
0x41: {  	_ = 	snop  }
0x42: {  	[tilespmem:s18], [sflag:$0x1] =	stream.indirect.gather [hbm4b:s23+s6], $0x40, s17, s6, $0xb8;
	[tilespmem:$0x10400] =	vst v63  }
0x43: {  	_ = 	snop  }
0x44: {  	[tilespmem:s20], [sflag:$0x1] =	stream.indirect.gather [hbm4b:s23+s6], $0x40, s19, s6, $0xb8;
	[tilespmem:$0x10400] =	vst v63  }
0x45: {  	_ =	swait.ge [sflag:s21], $0x2000  }
0x46: {  	[sflag:s21] =	ssyncset.done $0x0  }
0x47: {  	[sflag:s21] =	ssyncadd.s32 $0xFFFFE000  }
0x48: {  	_ =	swait.ge [sflag:s21], $0x2000  }
0x49: {  	[sflag:s21] =	ssyncset.done $0x0  }
0x4a: {  	[sflag:s21] =	ssyncadd.s32 $0xFFFFE000  }
0x4b: {  	_ =	swait.ge [sflag:s21], $0x2000  }
0x4c: {  	[sflag:s21] =	ssyncset.done $0x0  }
0x4d: {  	[sflag:s21] =	ssyncadd.s32 $0xFFFFE000  }
0x4e: {  	_ =	swait.ge [sflag:s21], $0x2000  }
0x4f: {  	[sflag:s21] =	ssyncset.done $0x0  }
0x50: {  	[sflag:s21] =	ssyncadd.s32 $0xFFFFE000  }
0x51: {  	_ =	swait.ge [sflag:s21], $0x2000  }
0x52: {  	[sflag:s21] =	ssyncset.done $0x0  }
0x53: {  	[sflag:s21] =	ssyncadd.s32 $0xFFFFE000  }
0x54: {  	_ =	swait.ge [sflag:s21], $0x2000  }
0x55: {  	[sflag:s21] =	ssyncset.done $0x0  }
0x56: {  	[sflag:s21] =	ssyncadd.s32 $0xFFFFE000  }
0x57: {  	_ =	swait.ge [sflag:s21], $0x2000  }
0x58: {  	[sflag:s21] =	ssyncset.done $0x0  }
0x59: {  	[sflag:s21] =	ssyncadd.s32 $0xFFFFE000  }
0x5a: {  	_ =	swait.ge [sflag:s21], $0x2000  }
0x5b: {  	[sflag:s21] =	ssyncset.done $0x0  }
0x5c: {  	s24 =	sadd.s32 $0x43C00, s28;
	[sflag:s21] =	ssyncadd.s32 $0xFFFFE000  }
0x5d: {  	[hbm4b:s24+s2] =	stream.linear.scatter [tilespmem:s7], [sflag:$0x2], $0x10000, $0x38;
	[tilespmem:$0x10400] =	vst v63  }
0x5e: {  	_ =	swait.ge [sflag:s3], $0x10000  }
0x5f: {  	[sflag:s3] =	ssyncset.done $0x0  }
0x60: {  	s25 =	sadd.s32 $0x2400, s25;
	[sflag:s3] =	ssyncadd.s32 $0xFFFF0000  }
0x61: {  	[tilespmem:s7], [sflag:$0x1] =	stream.indirect.gather [hbm4b:s25+s6], $0x40, s2, s6, $0xb8;
	[tilespmem:$0x10400] =	vst v63  }
0x62: {  	_ = 	snop  }
0x63: {  	[tilespmem:s8], [sflag:$0x1] =	stream.indirect.gather [hbm4b:s25+s6], $0x40, s6, s6, $0xb8;
	[tilespmem:$0x10400] =	vst v63  }
0x64: {  	_ = 	snop  }
0x65: {  	[tilespmem:s10], [sflag:$0x1] =	stream.indirect.gather [hbm4b:s25+s6], $0x40, s9, s6, $0xb8;
	[tilespmem:$0x10400] =	vst v63  }
0x66: {  	_ = 	snop  }
0x67: {  	[tilespmem:s12], [sflag:$0x1] =	stream.indirect.gather [hbm4b:s25+s6], $0x40, s11, s6, $0xb8;
	[tilespmem:$0x10400] =	vst v63  }
0x68: {  	_ = 	snop  }
0x69: {  	[tilespmem:s14], [sflag:$0x1] =	stream.indirect.gather [hbm4b:s25+s6], $0x40, s13, s6, $0xb8;
	[tilespmem:$0x10400] =	vst v63  }
0x6a: {  	_ = 	snop  }
0x6b: {  	[tilespmem:s16], [sflag:$0x1] =	stream.indirect.gather [hbm4b:s25+s6], $0x40, s15, s6, $0xb8;
	[tilespmem:$0x10400] =	vst v63  }
0x6c: {  	_ = 	snop  }
0x6d: {  	[tilespmem:s18], [sflag:$0x1] =	stream.indirect.gather [hbm4b:s25+s6], $0x40, s17, s6, $0xb8;
	[tilespmem:$0x10400] =	vst v63  }
0x6e: {  	_ = 	snop  }
0x6f: {  	[tilespmem:s20], [sflag:$0x1] =	stream.indirect.gather [hbm4b:s25+s6], $0x40, s19, s6, $0xb8;
	[tilespmem:$0x10400] =	vst v63  }
0x70: {  	_ =	swait.ge [sflag:s21], $0x2000  }
0x71: {  	[sflag:s21] =	ssyncset.done $0x0  }
0x72: {  	[sflag:s21] =	ssyncadd.s32 $0xFFFFE000  }
0x73: {  	_ =	swait.ge [sflag:s21], $0x2000  }
0x74: {  	[sflag:s21] =	ssyncset.done $0x0  }
0x75: {  	[sflag:s21] =	ssyncadd.s32 $0xFFFFE000  }
0x76: {  	_ =	swait.ge [sflag:s21], $0x2000  }
0x77: {  	[sflag:s21] =	ssyncset.done $0x0  }
0x78: {  	[sflag:s21] =	ssyncadd.s32 $0xFFFFE000  }
0x79: {  	_ =	swait.ge [sflag:s21], $0x2000  }
0x7a: {  	[sflag:s21] =	ssyncset.done $0x0  }
0x7b: {  	[sflag:s21] =	ssyncadd.s32 $0xFFFFE000  }
0x7c: {  	_ =	swait.ge [sflag:s21], $0x2000  }
0x7d: {  	[sflag:s21] =	ssyncset.done $0x0  }
0x7e: {  	[sflag:s21] =	ssyncadd.s32 $0xFFFFE000  }
0x7f: {  	_ =	swait.ge [sflag:s21], $0x2000  }
0x80: {  	[sflag:s21] =	ssyncset.done $0x0  }
0x81: {  	s26 =	ssub.s32 $0x2, s26;
	[sflag:s21] =	ssyncadd.s32 $0xFFFFE000  }
0x82: {  	s29 =	sshrl.u32 s26, $0x1;
	_ =	swait.ge [sflag:s21], $0x2000  }
0x83: {  	s29 =	ssub.s32 s26, s29;
	[sflag:s21] =	ssyncset.done $0x0  }
0x84: {  	s26 =	sadd.s32 $0x83C00, s28;
	s28 =	smax.u32 s29, $0x1;
	[sflag:s21] =	ssyncadd.s32 $0xFFFFE000  }
0x85: {  	p0 =	sne.s32 s28, $0x1;
	_ =	swait.ge [sflag:s21], $0x2000  }
.Ltmp0:
0x86: {  	[sflag:s21] =	ssyncset.done $0x0;
	(pc) =	sbr.rel @!p0 .LBB2_2-.Ltmp0, $4  }
0x87: {  	[sflag:s21] =	ssyncadd.s32 $0xFFFFE000  }
0x88: {  	[hbm4b:s26+s2] =	stream.linear.scatter [tilespmem:s7], [sflag:$0x2], $0x10000, $0x38;
	[tilespmem:$0x10400] =	vst v63  }
0x89: {  	_ =	swait.ge [sflag:s3], $0x10000  }
0x8a: {  	s28 =	sadd.s32 $0xFFFFFFFF, s28;
	[sflag:s3] =	ssyncset.done $0x0  }
.LBB2_1:
0x8b: {  	p0 =	sne.s32 s28, $0x1;
	s28 =	sadd.s32 $0xFFFFFFFF, s28;
	[sflag:s3] =	ssyncadd.s32 $0xFFFF0000  }
0x8c: {  	[tilespmem:s2], [sflag:$0x2] =	stream.linear.gather [hbm4b:s4+s2], $0x400, $0x38;
	[tilespmem:$0x10400] =	vst v63  }
0x8d: {  	_ =	swait.ge [sflag:s3], $0x400  }
0x8e: {  	[sflag:s3] =	ssyncset.done $0x0  }
0x8f: {  	[sflag:s3] =	ssyncadd.s32 $0xFFFFFC00  }
0x90: {  	[tilespmem:s7], [sflag:$0x1] =	stream.indirect.gather [hbm4b:s5+s6], $0x40, s2, s6, $0xb8;
	[tilespmem:$0x10400] =	vst v63  }
0x91: {  	_ = 	snop  }
0x92: {  	[tilespmem:s8], [sflag:$0x1] =	stream.indirect.gather [hbm4b:s5+s6], $0x40, s6, s6, $0xb8;
	[tilespmem:$0x10400] =	vst v63  }
0x93: {  	_ = 	snop  }
0x94: {  	[tilespmem:s10], [sflag:$0x1] =	stream.indirect.gather [hbm4b:s5+s6], $0x40, s9, s6, $0xb8;
	[tilespmem:$0x10400] =	vst v63  }
0x95: {  	_ = 	snop  }
0x96: {  	[tilespmem:s12], [sflag:$0x1] =	stream.indirect.gather [hbm4b:s5+s6], $0x40, s11, s6, $0xb8;
	[tilespmem:$0x10400] =	vst v63  }
0x97: {  	_ = 	snop  }
0x98: {  	[tilespmem:s14], [sflag:$0x1] =	stream.indirect.gather [hbm4b:s5+s6], $0x40, s13, s6, $0xb8;
	[tilespmem:$0x10400] =	vst v63  }
0x99: {  	_ = 	snop  }
0x9a: {  	[tilespmem:s16], [sflag:$0x1] =	stream.indirect.gather [hbm4b:s5+s6], $0x40, s15, s6, $0xb8;
	[tilespmem:$0x10400] =	vst v63  }
0x9b: {  	_ = 	snop  }
0x9c: {  	[tilespmem:s18], [sflag:$0x1] =	stream.indirect.gather [hbm4b:s5+s6], $0x40, s17, s6, $0xb8;
	[tilespmem:$0x10400] =	vst v63  }
0x9d: {  	_ = 	snop  }
0x9e: {  	[tilespmem:s20], [sflag:$0x1] =	stream.indirect.gather [hbm4b:s5+s6], $0x40, s19, s6, $0xb8;
	[tilespmem:$0x10400] =	vst v63  }
0x9f: {  	_ =	swait.ge [sflag:s21], $0x2000  }
0xa0: {  	[sflag:s21] =	ssyncset.done $0x0  }
0xa1: {  	[sflag:s21] =	ssyncadd.s32 $0xFFFFE000  }
0xa2: {  	_ =	swait.ge [sflag:s21], $0x2000  }
0xa3: {  	[sflag:s21] =	ssyncset.done $0x0  }
0xa4: {  	[sflag:s21] =	ssyncadd.s32 $0xFFFFE000  }
0xa5: {  	_ =	swait.ge [sflag:s21], $0x2000  }
0xa6: {  	[sflag:s21] =	ssyncset.done $0x0  }
0xa7: {  	[sflag:s21] =	ssyncadd.s32 $0xFFFFE000  }
0xa8: {  	_ =	swait.ge [sflag:s21], $0x2000  }
0xa9: {  	[sflag:s21] =	ssyncset.done $0x0  }
0xaa: {  	[sflag:s21] =	ssyncadd.s32 $0xFFFFE000  }
0xab: {  	_ =	swait.ge [sflag:s21], $0x2000  }
0xac: {  	[sflag:s21] =	ssyncset.done $0x0  }
0xad: {  	[sflag:s21] =	ssyncadd.s32 $0xFFFFE000  }
0xae: {  	_ =	swait.ge [sflag:s21], $0x2000  }
0xaf: {  	[sflag:s21] =	ssyncset.done $0x0  }
0xb0: {  	[sflag:s21] =	ssyncadd.s32 $0xFFFFE000  }
0xb1: {  	_ =	swait.ge [sflag:s21], $0x2000  }
0xb2: {  	[sflag:s21] =	ssyncset.done $0x0  }
0xb3: {  	[sflag:s21] =	ssyncadd.s32 $0xFFFFE000  }
0xb4: {  	_ =	swait.ge [sflag:s21], $0x2000  }
0xb5: {  	[sflag:s21] =	ssyncset.done $0x0  }
0xb6: {  	[sflag:s21] =	ssyncadd.s32 $0xFFFFE000  }
0xb7: {  	[hbm4b:s22+s2] =	stream.linear.scatter [tilespmem:s7], [sflag:$0x2], $0x10000, $0x38;
	[tilespmem:$0x10400] =	vst v63  }
0xb8: {  	_ =	swait.ge [sflag:s3], $0x10000  }
0xb9: {  	[sflag:s3] =	ssyncset.done $0x0  }
0xba: {  	[sflag:s3] =	ssyncadd.s32 $0xFFFF0000  }
0xbb: {  	[tilespmem:s7], [sflag:$0x1] =	stream.indirect.gather [hbm4b:s23+s6], $0x40, s2, s6, $0xb8;
	[tilespmem:$0x10400] =	vst v63  }
0xbc: {  	_ = 	snop  }
0xbd: {  	[tilespmem:s8], [sflag:$0x1] =	stream.indirect.gather [hbm4b:s23+s6], $0x40, s6, s6, $0xb8;
	[tilespmem:$0x10400] =	vst v63  }
0xbe: {  	_ = 	snop  }
0xbf: {  	[tilespmem:s10], [sflag:$0x1] =	stream.indirect.gather [hbm4b:s23+s6], $0x40, s9, s6, $0xb8;
	[tilespmem:$0x10400] =	vst v63  }
0xc0: {  	_ = 	snop  }
0xc1: {  	[tilespmem:s12], [sflag:$0x1] =	stream.indirect.gather [hbm4b:s23+s6], $0x40, s11, s6, $0xb8;
	[tilespmem:$0x10400] =	vst v63  }
0xc2: {  	_ = 	snop  }
0xc3: {  	[tilespmem:s14], [sflag:$0x1] =	stream.indirect.gather [hbm4b:s23+s6], $0x40, s13, s6, $0xb8;
	[tilespmem:$0x10400] =	vst v63  }
0xc4: {  	_ = 	snop  }
0xc5: {  	[tilespmem:s16], [sflag:$0x1] =	stream.indirect.gather [hbm4b:s23+s6], $0x40, s15, s6, $0xb8;
	[tilespmem:$0x10400] =	vst v63  }
0xc6: {  	_ = 	snop  }
0xc7: {  	[tilespmem:s18], [sflag:$0x1] =	stream.indirect.gather [hbm4b:s23+s6], $0x40, s17, s6, $0xb8;
	[tilespmem:$0x10400] =	vst v63  }
0xc8: {  	_ = 	snop  }
0xc9: {  	[tilespmem:s20], [sflag:$0x1] =	stream.indirect.gather [hbm4b:s23+s6], $0x40, s19, s6, $0xb8;
	[tilespmem:$0x10400] =	vst v63  }
0xca: {  	_ =	swait.ge [sflag:s21], $0x2000  }
0xcb: {  	[sflag:s21] =	ssyncset.done $0x0  }
0xcc: {  	[sflag:s21] =	ssyncadd.s32 $0xFFFFE000  }
0xcd: {  	_ =	swait.ge [sflag:s21], $0x2000  }
0xce: {  	[sflag:s21] =	ssyncset.done $0x0  }
0xcf: {  	[sflag:s21] =	ssyncadd.s32 $0xFFFFE000  }
0xd0: {  	_ =	swait.ge [sflag:s21], $0x2000  }
0xd1: {  	[sflag:s21] =	ssyncset.done $0x0  }
0xd2: {  	[sflag:s21] =	ssyncadd.s32 $0xFFFFE000  }
0xd3: {  	_ =	swait.ge [sflag:s21], $0x2000  }
0xd4: {  	[sflag:s21] =	ssyncset.done $0x0  }
0xd5: {  	[sflag:s21] =	ssyncadd.s32 $0xFFFFE000  }
0xd6: {  	_ =	swait.ge [sflag:s21], $0x2000  }
0xd7: {  	[sflag:s21] =	ssyncset.done $0x0  }
0xd8: {  	[sflag:s21] =	ssyncadd.s32 $0xFFFFE000  }
0xd9: {  	_ =	swait.ge [sflag:s21], $0x2000  }
0xda: {  	[sflag:s21] =	ssyncset.done $0x0  }
0xdb: {  	[sflag:s21] =	ssyncadd.s32 $0xFFFFE000  }
0xdc: {  	_ =	swait.ge [sflag:s21], $0x2000  }
0xdd: {  	[sflag:s21] =	ssyncset.done $0x0  }
0xde: {  	[sflag:s21] =	ssyncadd.s32 $0xFFFFE000  }
0xdf: {  	_ =	swait.ge [sflag:s21], $0x2000  }
0xe0: {  	[sflag:s21] =	ssyncset.done $0x0  }
0xe1: {  	[sflag:s21] =	ssyncadd.s32 $0xFFFFE000  }
0xe2: {  	[hbm4b:s24+s2] =	stream.linear.scatter [tilespmem:s7], [sflag:$0x2], $0x10000, $0x38;
	[tilespmem:$0x10400] =	vst v63  }
0xe3: {  	_ =	swait.ge [sflag:s3], $0x10000  }
0xe4: {  	[sflag:s3] =	ssyncset.done $0x0  }
0xe5: {  	[sflag:s3] =	ssyncadd.s32 $0xFFFF0000  }
0xe6: {  	[tilespmem:s7], [sflag:$0x1] =	stream.indirect.gather [hbm4b:s25+s6], $0x40, s2, s6, $0xb8;
	[tilespmem:$0x10400] =	vst v63  }
0xe7: {  	_ = 	snop  }
0xe8: {  	[tilespmem:s8], [sflag:$0x1] =	stream.indirect.gather [hbm4b:s25+s6], $0x40, s6, s6, $0xb8;
	[tilespmem:$0x10400] =	vst v63  }
0xe9: {  	_ = 	snop  }
0xea: {  	[tilespmem:s10], [sflag:$0x1] =	stream.indirect.gather [hbm4b:s25+s6], $0x40, s9, s6, $0xb8;
	[tilespmem:$0x10400] =	vst v63  }
0xeb: {  	_ = 	snop  }
0xec: {  	[tilespmem:s12], [sflag:$0x1] =	stream.indirect.gather [hbm4b:s25+s6], $0x40, s11, s6, $0xb8;
	[tilespmem:$0x10400] =	vst v63  }
0xed: {  	_ = 	snop  }
0xee: {  	[tilespmem:s14], [sflag:$0x1] =	stream.indirect.gather [hbm4b:s25+s6], $0x40, s13, s6, $0xb8;
	[tilespmem:$0x10400] =	vst v63  }
0xef: {  	_ = 	snop  }
0xf0: {  	[tilespmem:s16], [sflag:$0x1] =	stream.indirect.gather [hbm4b:s25+s6], $0x40, s15, s6, $0xb8;
	[tilespmem:$0x10400] =	vst v63  }
0xf1: {  	_ = 	snop  }
0xf2: {  	[tilespmem:s18], [sflag:$0x1] =	stream.indirect.gather [hbm4b:s25+s6], $0x40, s17, s6, $0xb8;
	[tilespmem:$0x10400] =	vst v63  }
0xf3: {  	_ = 	snop  }
0xf4: {  	[tilespmem:s20], [sflag:$0x1] =	stream.indirect.gather [hbm4b:s25+s6], $0x40, s19, s6, $0xb8;
	[tilespmem:$0x10400] =	vst v63  }
0xf5: {  	_ =	swait.ge [sflag:s21], $0x2000  }
0xf6: {  	[sflag:s21] =	ssyncset.done $0x0  }
0xf7: {  	[sflag:s21] =	ssyncadd.s32 $0xFFFFE000  }
0xf8: {  	_ =	swait.ge [sflag:s21], $0x2000  }
0xf9: {  	[sflag:s21] =	ssyncset.done $0x0  }
0xfa: {  	[sflag:s21] =	ssyncadd.s32 $0xFFFFE000  }
0xfb: {  	_ =	swait.ge [sflag:s21], $0x2000  }
0xfc: {  	[sflag:s21] =	ssyncset.done $0x0  }
0xfd: {  	[sflag:s21] =	ssyncadd.s32 $0xFFFFE000  }
0xfe: {  	_ =	swait.ge [sflag:s21], $0x2000  }
0xff: {  	[sflag:s21] =	ssyncset.done $0x0  }
0x100: {  	[sflag:s21] =	ssyncadd.s32 $0xFFFFE000  }
0x101: {  	_ =	swait.ge [sflag:s21], $0x2000  }
0x102: {  	[sflag:s21] =	ssyncset.done $0x0  }
0x103: {  	[sflag:s21] =	ssyncadd.s32 $0xFFFFE000  }
0x104: {  	_ =	swait.ge [sflag:s21], $0x2000  }
0x105: {  	[sflag:s21] =	ssyncset.done $0x0  }
0x106: {  	[sflag:s21] =	ssyncadd.s32 $0xFFFFE000  }
0x107: {  	_ =	swait.ge [sflag:s21], $0x2000  }
0x108: {  	[sflag:s21] =	ssyncset.done $0x0  }
0x109: {  	[sflag:s21] =	ssyncadd.s32 $0xFFFFE000  }
0x10a: {  	_ =	swait.ge [sflag:s21], $0x2000  }
.Ltmp1:
0x10b: {  	[sflag:s21] =	ssyncset.done $0x0;
	(pc) =	sbr.rel @p0 .LBB2_1-.Ltmp1, $4  }
0x10c: {  	[sflag:s21] =	ssyncadd.s32 $0xFFFFE000  }
0x10d: {  	[hbm4b:s26+s2] =	stream.linear.scatter [tilespmem:s7], [sflag:$0x2], $0x10000, $0x38;
	[tilespmem:$0x10400] =	vst v63  }
0x10e: {  	_ =	swait.ge [sflag:s3], $0x10000  }
0x10f: {  	[sflag:s3] =	ssyncset.done $0x0  }
.LBB2_2:
0x110: {  	[sflag:s3] =	ssyncadd.s32 $0xFFFF0000  }
0x111: {  	_ =	sfence.sel $0x180000  }
0x112: {  	[bflag:$0x0] =	sbarrier.arrive $0xFFFF  }
0x113: {  	p0 =	sne.s32 s0, $0x0;
	_ =	strace $0x90000047  }
0x114: {  	s0 =	sadd.s32 @!p0 $0x100000, s1;
	[bflag:$0x2] =	sbarrier.arrive $0xFFFF  }
0x115: {  	[sflag:s0] =	ssyncadd.tile.s32 @!p0 $0x1;
	_ =	shalt  }
.Lfunc_end2:
_tile_overlayer_lowered:
.L_overlay_start_2:
0x116: {  	(tag) =	ssettag $0x2  }
0x117: {  	s0 =	rddreg [dreg:$0x0];
	s2 =	stileid.u32  }
0x118: {  	s1 =	rddreg [dreg:$0x1];
	p0 =	sne.s32 s2, $0x0  }
0x119: {  	s3 =	rddreg [dreg:$0x2];
	[bflag:$0x3] =	sbarrier.arrive $0xFFFF;
	s2 =	simm.s32 @!p0 $0x1C02  }
0x11a: {  	[timem:s3], [sflag:s2] =	dma.local @!p0 [hbm:s0], s1  }
0x11b: {  	s0 =	simm.s32 @!p0 $0x2  }
0x11c: {  	_ =	swait.ge @!p0 [sflag:s0], s1  }
0x11d: {  	s1 =	ssub.s32 @!p0 $0x0, s1;
	[sflag:s0] =	ssyncset.done @!p0 $0x0  }
0x11e: {  	[sflag:s0] =	ssyncadd.s32 @!p0 s1  }
0x11f: {  	[bflag:$0x3] =	sbarrier.arrive $0xFFFF  }
0x120: {  	_ =	shalt  }

</sc_bundles>
